<compile_context>
chip_gen: v7x
topology: tpu7x:2x2x1
jax: 0.10.2.dev20260603
libtpu: 0.0.44.dev20260713+nightly
codegen_flags: <defaults>
</compile_context>

<pallas_src>
import functools

import jax
import jax.numpy as jnp
from jax import lax
from jax.experimental import pallas as pl
from jax.experimental.pallas import tpu as pltpu
from jax.experimental.pallas import tpu_sc as plsc

_GATHER = 128


def _sc_gather_concat(idxs, tables, T, D, R):
    info = plsc.get_sparse_core_info()
    NW = info.num_cores * info.num_subcores
    rows_per_w = R // NW
    n_chunks = rows_per_w // _GATHER

    mesh = plsc.VectorSubcoreMesh(core_axis_name="c", subcore_axis_name="s")

    @functools.partial(
        pl.kernel,
        mesh=mesh,
        out_type=jax.ShapeDtypeStruct((R, T * D), jnp.float32),
        scratch_types=[
            pltpu.VMEM((2, T, _GATHER), jnp.int32),
            pltpu.VMEM((2, T, _GATHER, D), jnp.float32),
            pltpu.SemaphoreType.DMA,
            pltpu.SemaphoreType.DMA,
            pltpu.SemaphoreType.DMA,
            pltpu.SemaphoreType.DMA,
            pltpu.SemaphoreType.DMA,
            pltpu.SemaphoreType.DMA,
        ],
    )
    def k(i0, i1, i2, w0, w1, w2, out_hbm, idxvm, rows, g0, g1, s0, s1, p0, p1):
        idx_hbm = (i0, i1, i2)
        w_hbm = (w0, w1, w2)
        wid = lax.axis_index("s") * info.num_cores + lax.axis_index("c")
        rbase0 = wid * rows_per_w
        gsem = (g0, g1)
        ssem = (s0, s1)
        psem = (p0, p1)

        def idx_copies(c, b):
            rbase = rbase0 + c * _GATHER
            return [
                pltpu.make_async_copy(
                    idx_hbm[t].at[pl.ds(rbase, _GATHER)], idxvm.at[b].at[t],
                    psem[b],
                )
                for t in range(T)
            ]

        def load_idx(c, b):
            for cp in idx_copies(c, b):
                cp.start()

        def fire_gathers(b):
            for t in range(T):
                pltpu.async_copy(
                    w_hbm[t].at[idxvm.at[b].at[t]], rows.at[b].at[t], gsem[b]
                )

        def wait_gathers(b):
            for t in range(T):
                pltpu.make_async_copy(
                    w_hbm[t].at[idxvm.at[b].at[t]], rows.at[b].at[t], gsem[b]
                ).wait()

        def chunk_op(c, b, prefetch):
            wait_gathers(b)
            rbase = rbase0 + c * _GATHER
            scs = [
                pltpu.async_copy(
                    rows.at[b].at[t],
                    out_hbm.at[pl.ds(rbase, _GATHER), pl.ds(t * D, D)],
                    ssem[b],
                )
                for t in range(T)
            ]
            if prefetch:
                load_idx(c + 2, b)
            for sc in scs:
                sc.wait()
            if prefetch:
                for cp in idx_copies(c + 2, b):
                    cp.wait()
                fire_gathers(b)

        for b in range(2):
            load_idx(b, b)
        for b in range(2):
            for cp in idx_copies(b, b):
                cp.wait()
            fire_gathers(b)

        def body(kk, carry):
            for b in range(2):
                chunk_op(2 * kk + b, b, True)
            return carry

        lax.fori_loop(0, n_chunks // 2 - 1, body, 0)
        for b in range(2):
            chunk_op(n_chunks - 2 + b, b, False)

    return k(*idxs, *tables)


def kernel(bbs_inf, phi_W, psi_W, omega_W):
    B, L, T = bbs_inf.shape
    V, D = phi_W.shape
    R = B * L

    idxs = [bbs_inf[:, :, t].reshape(R) for t in range(T)]
    out = _sc_gather_concat(idxs, (phi_W, psi_W, omega_W), T, D, R)
    return out.reshape(B, L, T * D)

# --- scband reference (transcript-rebuilt; emitter-appended) ---
"""Pipeline reference for scband-bb-embedding-23476291240011 (READ-ONLY COPY).

The authoritative reference and input builder live on the scoring server;
editing this copy changes nothing except your own understanding.
"""

import jax, jax.numpy as jnp
import numpy as np

N_BINS = 360  # torsion_bin = 1
VOCAB = N_BINS + 1  # 361
N_EMBD = 128
B, L = 4096, 200


def setup_inputs(seed: int = 0) -> dict:
    key = jax.random.key(seed)
    k1, k2, k3, k4 = jax.random.split(key, 4)
    bbs_inf = jax.random.randint(k1, (B, L, 3), 0, VOCAB)
    phi_W = jax.random.normal(k2, (VOCAB, N_EMBD), dtype=jnp.float32) * 0.02
    psi_W = jax.random.normal(k3, (VOCAB, N_EMBD), dtype=jnp.float32) * 0.02
    omega_W = jax.random.normal(k4, (VOCAB, N_EMBD), dtype=jnp.float32) * 0.02
    return {"bbs_inf": bbs_inf, "phi_W": phi_W, "psi_W": psi_W, "omega_W": omega_W}


def reference(bbs_inf, phi_W, psi_W, omega_W):
    # vocab_emb=True, joint_phipsi=False branch of BB_embedding.forward
    phi_emb = jnp.take(phi_W, bbs_inf[:, :, 0], axis=0)
    psi_emb = jnp.take(psi_W, bbs_inf[:, :, 1], axis=0)
    omega_emb = jnp.take(omega_W, bbs_inf[:, :, 2], axis=0)
    embeddings = jnp.concatenate([phi_emb, psi_emb, omega_emb], axis=2)
    return embeddings

if __name__ == "__main__":
    import jax
    _d = setup_inputs()
    print(jax.jit(kernel)(*tuple(_d.values())))

</pallas_src>

<mosaic_0001>
#map = affine_map<(d0, d1) -> (0)>
#map1 = affine_map<(d0, d1) -> (0, 0)>
module attributes {stable_mosaic.version = 14 : i64} {
  func.func @k(%arg0: i32, %arg1: i32, %arg2: memref<819200xi32, #tpu.memory_space<hbm>>, %arg3: memref<819200xi32, #tpu.memory_space<hbm>>, %arg4: memref<819200xi32, #tpu.memory_space<hbm>>, %arg5: memref<361x128xf32, #tpu.memory_space<hbm>>, %arg6: memref<361x128xf32, #tpu.memory_space<hbm>>, %arg7: memref<361x128xf32, #tpu.memory_space<hbm>>, %arg8: memref<819200x384xf32, #tpu.memory_space<hbm>>, %arg9: memref<2x3x128xi32, #tpu.memory_space<vmem>>, %arg10: memref<2x3x128x128xf32, #tpu.memory_space<vmem>>, %arg11: memref<!tpu.dma_semaphore, #tpu.memory_space<semaphore_mem>>, %arg12: memref<!tpu.dma_semaphore, #tpu.memory_space<semaphore_mem>>, %arg13: memref<!tpu.dma_semaphore, #tpu.memory_space<semaphore_mem>>, %arg14: memref<!tpu.dma_semaphore, #tpu.memory_space<semaphore_mem>>, %arg15: memref<!tpu.dma_semaphore, #tpu.memory_space<semaphore_mem>>, %arg16: memref<!tpu.dma_semaphore, #tpu.memory_space<semaphore_mem>>) attributes {dimension_semantics = [#tpu.dimension_semantics<core_parallel>, #tpu.dimension_semantics<subcore_parallel>], iteration_bounds = array<i64: 2, 16>, scalar_prefetch = 0 : i64, scratch_operands = 8 : i64, tpu.core_type = #tpu.core_type<sc_vector_subcore>, window_params = [{transform_indices = #map}, {transform_indices = #map}, {transform_indices = #map}, {transform_indices = #map1}, {transform_indices = #map1}, {transform_indices = #map1}, {transform_indices = #map1}]} {
    %mul3A = arith.constant 2 : i32
    %mul3A_0 = arith.muli %arg1, %mul3A : i32
    %add3A = arith.addi %mul3A_0, %arg0 : i32
    %mul3A_1 = arith.constant 25600 : i32
    %mul3A_2 = arith.muli %add3A, %mul3A_1 : i32
    %add3A_3 = arith.constant 0 : i32
    %add3A_4 = arith.addi %mul3A_2, %add3A_3 : i32
    %dma_start3A = arith.constant 0 : i32
    %dma_start3A_5 = arith.constant 0 : i32
    %dma_start3A_6 = arith.constant 0 : i32
    %dma_start3A_7 = arith.constant 0 : i32
    %dma_start3A_8 = tpu.memref_slice %arg9[%dma_start3A, %dma_start3A_6, %dma_start3A_7] : memref<2x3x128xi32, #tpu.memory_space<vmem>> -> memref<1x3x128xi32, #tpu.memory_space<vmem>>
    %dma_start3A_9 = tpu.memref_squeeze %dma_start3A_8 : memref<1x3x128xi32, #tpu.memory_space<vmem>> -> memref<3x128xi32, #tpu.memory_space<vmem>>
    %dma_start3A_10 = arith.constant 0 : i32
    %dma_start3A_11 = tpu.memref_slice %dma_start3A_9[%dma_start3A_5, %dma_start3A_10] : memref<3x128xi32, #tpu.memory_space<vmem>> -> memref<1x128xi32, #tpu.memory_space<vmem>>
    %dma_start3A_12 = tpu.memref_squeeze %dma_start3A_11 : memref<1x128xi32, #tpu.memory_space<vmem>> -> memref<128xi32, #tpu.memory_space<vmem>>
    %dma_start3A_13 = tpu.memref_slice %arg2[%add3A_4] : memref<819200xi32, #tpu.memory_space<hbm>> -> memref<128xi32, #tpu.memory_space<hbm>>
    %dma_start3A_14 = arith.constant 0 : i32
    %dma_start3A_15 = arith.constant 0 : i32
    %dma_start3A_16 = tpu.memref_slice %arg9[%dma_start3A, %dma_start3A_14, %dma_start3A_15] : memref<2x3x128xi32, #tpu.memory_space<vmem>> -> memref<1x3x128xi32, #tpu.memory_space<vmem>>
    %dma_start3A_17 = tpu.memref_squeeze %dma_start3A_16 : memref<1x3x128xi32, #tpu.memory_space<vmem>> -> memref<3x128xi32, #tpu.memory_space<vmem>>
    %dma_start3A_18 = arith.constant 0 : i32
    %dma_start3A_19 = tpu.memref_slice %dma_start3A_17[%dma_start3A_5, %dma_start3A_18] : memref<3x128xi32, #tpu.memory_space<vmem>> -> memref<1x128xi32, #tpu.memory_space<vmem>>
    %dma_start3A_20 = tpu.memref_squeeze %dma_start3A_19 : memref<1x128xi32, #tpu.memory_space<vmem>> -> memref<128xi32, #tpu.memory_space<vmem>>
    %dma_start3A_21 = tpu.memref_slice %arg2[%add3A_4] : memref<819200xi32, #tpu.memory_space<hbm>> -> memref<128xi32, #tpu.memory_space<hbm>>
    tpu.enqueue_dma source(%dma_start3A_21 : memref<128xi32, #tpu.memory_space<hbm>>) target(%dma_start3A_20 : memref<128xi32, #tpu.memory_space<vmem>>) target_semaphore(%arg15 : memref<!tpu.dma_semaphore, #tpu.memory_space<semaphore_mem>>)
    %dma_start3A_22 = arith.constant 0 : i32
    %dma_start3A_23 = arith.constant 1 : i32
    %dma_start3A_24 = arith.constant 0 : i32
    %dma_start3A_25 = arith.constant 0 : i32
    %dma_start3A_26 = tpu.memref_slice %arg9[%dma_start3A_22, %dma_start3A_24, %dma_start3A_25] : memref<2x3x128xi32, #tpu.memory_space<vmem>> -> memref<1x3x128xi32, #tpu.memory_space<vmem>>
    %dma_start3A_27 = tpu.memref_squeeze %dma_start3A_26 : memref<1x3x128xi32, #tpu.memory_space<vmem>> -> memref<3x128xi32, #tpu.memory_space<vmem>>
    %dma_start3A_28 = arith.constant 0 : i32
    %dma_start3A_29 = tpu.memref_slice %dma_start3A_27[%dma_start3A_23, %dma_start3A_28] : memref<3x128xi32, #tpu.memory_space<vmem>> -> memref<1x128xi32, #tpu.memory_space<vmem>>
    %dma_start3A_30 = tpu.memref_squeeze %dma_start3A_29 : memref<1x128xi32, #tpu.memory_space<vmem>> -> memref<128xi32, #tpu.memory_space<vmem>>
    %dma_start3A_31 = tpu.memref_slice %arg3[%add3A_4] : memref<819200xi32, #tpu.memory_space<hbm>> -> memref<128xi32, #tpu.memory_space<hbm>>
    %dma_start3A_32 = arith.constant 0 : i32
    %dma_start3A_33 = arith.constant 0 : i32
    %dma_start3A_34 = tpu.memref_slice %arg9[%dma_start3A_22, %dma_start3A_32, %dma_start3A_33] : memref<2x3x128xi32, #tpu.memory_space<vmem>> -> memref<1x3x128xi32, #tpu.memory_space<vmem>>
    %dma_start3A_35 = tpu.memref_squeeze %dma_start3A_34 : memref<1x3x128xi32, #tpu.memory_space<vmem>> -> memref<3x128xi32, #tpu.memory_space<vmem>>
    %dma_start3A_36 = arith.constant 0 : i32
    %dma_start3A_37 = tpu.memref_slice %dma_start3A_35[%dma_start3A_23, %dma_start3A_36] : memref<3x128xi32, #tpu.memory_space<vmem>> -> memref<1x128xi32, #tpu.memory_space<vmem>>
    %dma_start3A_38 = tpu.memref_squeeze %dma_start3A_37 : memref<1x128xi32, #tpu.memory_space<vmem>> -> memref<128xi32, #tpu.memory_space<vmem>>
    %dma_start3A_39 = tpu.memref_slice %arg3[%add3A_4] : memref<819200xi32, #tpu.memory_space<hbm>> -> memref<128xi32, #tpu.memory_space<hbm>>
    tpu.enqueue_dma source(%dma_start3A_39 : memref<128xi32, #tpu.memory_space<hbm>>) target(%dma_start3A_38 : memref<128xi32, #tpu.memory_space<vmem>>) target_semaphore(%arg15 : memref<!tpu.dma_semaphore, #tpu.memory_space<semaphore_mem>>)
    %dma_start3A_40 = arith.constant 0 : i32
    %dma_start3A_41 = arith.constant 2 : i32
    %dma_start3A_42 = arith.constant 0 : i32
    %dma_start3A_43 = arith.constant 0 : i32
    %dma_start3A_44 = tpu.memref_slice %arg9[%dma_start3A_40, %dma_start3A_42, %dma_start3A_43] : memref<2x3x128xi32, #tpu.memory_space<vmem>> -> memref<1x3x128xi32, #tpu.memory_space<vmem>>
    %dma_start3A_45 = tpu.memref_squeeze %dma_start3A_44 : memref<1x3x128xi32, #tpu.memory_space<vmem>> -> memref<3x128xi32, #tpu.memory_space<vmem>>
    %dma_start3A_46 = arith.constant 0 : i32
    %dma_start3A_47 = tpu.memref_slice %dma_start3A_45[%dma_start3A_41, %dma_start3A_46] : memref<3x128xi32, #tpu.memory_space<vmem>> -> memref<1x128xi32, #tpu.memory_space<vmem>>
    %dma_start3A_48 = tpu.memref_squeeze %dma_start3A_47 : memref<1x128xi32, #tpu.memory_space<vmem>> -> memref<128xi32, #tpu.memory_space<vmem>>
    %dma_start3A_49 = tpu.memref_slice %arg4[%add3A_4] : memref<819200xi32, #tpu.memory_space<hbm>> -> memref<128xi32, #tpu.memory_space<hbm>>
    %dma_start3A_50 = arith.constant 0 : i32
    %dma_start3A_51 = arith.constant 0 : i32
    %dma_start3A_52 = tpu.memref_slice %arg9[%dma_start3A_40, %dma_start3A_50, %dma_start3A_51] : memref<2x3x128xi32, #tpu.memory_space<vmem>> -> memref<1x3x128xi32, #tpu.memory_space<vmem>>
    %dma_start3A_53 = tpu.memref_squeeze %dma_start3A_52 : memref<1x3x128xi32, #tpu.memory_space<vmem>> -> memref<3x128xi32, #tpu.memory_space<vmem>>
    %dma_start3A_54 = arith.constant 0 : i32
    %dma_start3A_55 = tpu.memref_slice %dma_start3A_53[%dma_start3A_41, %dma_start3A_54] : memref<3x128xi32, #tpu.memory_space<vmem>> -> memref<1x128xi32, #tpu.memory_space<vmem>>
    %dma_start3A_56 = tpu.memref_squeeze %dma_start3A_55 : memref<1x128xi32, #tpu.memory_space<vmem>> -> memref<128xi32, #tpu.memory_space<vmem>>
    %dma_start3A_57 = tpu.memref_slice %arg4[%add3A_4] : memref<819200xi32, #tpu.memory_space<hbm>> -> memref<128xi32, #tpu.memory_space<hbm>>
    tpu.enqueue_dma source(%dma_start3A_57 : memref<128xi32, #tpu.memory_space<hbm>>) target(%dma_start3A_56 : memref<128xi32, #tpu.memory_space<vmem>>) target_semaphore(%arg15 : memref<!tpu.dma_semaphore, #tpu.memory_space<semaphore_mem>>)
    %add3A_58 = arith.constant 128 : i32
    %add3A_59 = arith.addi %mul3A_2, %add3A_58 : i32
    %dma_start3A_60 = arith.constant 1 : i32
    %dma_start3A_61 = arith.constant 0 : i32
    %dma_start3A_62 = arith.constant 0 : i32
    %dma_start3A_63 = arith.constant 0 : i32
    %dma_start3A_64 = tpu.memref_slice %arg9[%dma_start3A_60, %dma_start3A_62, %dma_start3A_63] : memref<2x3x128xi32, #tpu.memory_space<vmem>> -> memref<1x3x128xi32, #tpu.memory_space<vmem>>
    %dma_start3A_65 = tpu.memref_squeeze %dma_start3A_64 : memref<1x3x128xi32, #tpu.memory_space<vmem>> -> memref<3x128xi32, #tpu.memory_space<vmem>>
    %dma_start3A_66 = arith.constant 0 : i32
    %dma_start3A_67 = tpu.memref_slice %dma_start3A_65[%dma_start3A_61, %dma_start3A_66] : memref<3x128xi32, #tpu.memory_space<vmem>> -> memref<1x128xi32, #tpu.memory_space<vmem>>
    %dma_start3A_68 = tpu.memref_squeeze %dma_start3A_67 : memref<1x128xi32, #tpu.memory_space<vmem>> -> memref<128xi32, #tpu.memory_space<vmem>>
    %dma_start3A_69 = tpu.memref_slice %arg2[%add3A_59] : memref<819200xi32, #tpu.memory_space<hbm>> -> memref<128xi32, #tpu.memory_space<hbm>>
    %dma_start3A_70 = arith.constant 0 : i32
    %dma_start3A_71 = arith.constant 0 : i32
    %dma_start3A_72 = tpu.memref_slice %arg9[%dma_start3A_60, %dma_start3A_70, %dma_start3A_71] : memref<2x3x128xi32, #tpu.memory_space<vmem>> -> memref<1x3x128xi32, #tpu.memory_space<vmem>>
    %dma_start3A_73 = tpu.memref_squeeze %dma_start3A_72 : memref<1x3x128xi32, #tpu.memory_space<vmem>> -> memref<3x128xi32, #tpu.memory_space<vmem>>
    %dma_start3A_74 = arith.constant 0 : i32
    %dma_start3A_75 = tpu.memref_slice %dma_start3A_73[%dma_start3A_61, %dma_start3A_74] : memref<3x128xi32, #tpu.memory_space<vmem>> -> memref<1x128xi32, #tpu.memory_space<vmem>>
    %dma_start3A_76 = tpu.memref_squeeze %dma_start3A_75 : memref<1x128xi32, #tpu.memory_space<vmem>> -> memref<128xi32, #tpu.memory_space<vmem>>
    %dma_start3A_77 = tpu.memref_slice %arg2[%add3A_59] : memref<819200xi32, #tpu.memory_space<hbm>> -> memref<128xi32, #tpu.memory_space<hbm>>
    tpu.enqueue_dma source(%dma_start3A_77 : memref<128xi32, #tpu.memory_space<hbm>>) target(%dma_start3A_76 : memref<128xi32, #tpu.memory_space<vmem>>) target_semaphore(%arg16 : memref<!tpu.dma_semaphore, #tpu.memory_space<semaphore_mem>>)
    %dma_start3A_78 = arith.constant 1 : i32
    %dma_start3A_79 = arith.constant 1 : i32
    %dma_start3A_80 = arith.constant 0 : i32
    %dma_start3A_81 = arith.constant 0 : i32
    %dma_start3A_82 = tpu.memref_slice %arg9[%dma_start3A_78, %dma_start3A_80, %dma_start3A_81] : memref<2x3x128xi32, #tpu.memory_space<vmem>> -> memref<1x3x128xi32, #tpu.memory_space<vmem>>
    %dma_start3A_83 = tpu.memref_squeeze %dma_start3A_82 : memref<1x3x128xi32, #tpu.memory_space<vmem>> -> memref<3x128xi32, #tpu.memory_space<vmem>>
    %dma_start3A_84 = arith.constant 0 : i32
    %dma_start3A_85 = tpu.memref_slice %dma_start3A_83[%dma_start3A_79, %dma_start3A_84] : memref<3x128xi32, #tpu.memory_space<vmem>> -> memref<1x128xi32, #tpu.memory_space<vmem>>
    %dma_start3A_86 = tpu.memref_squeeze %dma_start3A_85 : memref<1x128xi32, #tpu.memory_space<vmem>> -> memref<128xi32, #tpu.memory_space<vmem>>
    %dma_start3A_87 = tpu.memref_slice %arg3[%add3A_59] : memref<819200xi32, #tpu.memory_space<hbm>> -> memref<128xi32, #tpu.memory_space<hbm>>
    %dma_start3A_88 = arith.constant 0 : i32
    %dma_start3A_89 = arith.constant 0 : i32
    %dma_start3A_90 = tpu.memref_slice %arg9[%dma_start3A_78, %dma_start3A_88, %dma_start3A_89] : memref<2x3x128xi32, #tpu.memory_space<vmem>> -> memref<1x3x128xi32, #tpu.memory_space<vmem>>
    %dma_start3A_91 = tpu.memref_squeeze %dma_start3A_90 : memref<1x3x128xi32, #tpu.memory_space<vmem>> -> memref<3x128xi32, #tpu.memory_space<vmem>>
    %dma_start3A_92 = arith.constant 0 : i32
    %dma_start3A_93 = tpu.memref_slice %dma_start3A_91[%dma_start3A_79, %dma_start3A_92] : memref<3x128xi32, #tpu.memory_space<vmem>> -> memref<1x128xi32, #tpu.memory_space<vmem>>
    %dma_start3A_94 = tpu.memref_squeeze %dma_start3A_93 : memref<1x128xi32, #tpu.memory_space<vmem>> -> memref<128xi32, #tpu.memory_space<vmem>>
    %dma_start3A_95 = tpu.memref_slice %arg3[%add3A_59] : memref<819200xi32, #tpu.memory_space<hbm>> -> memref<128xi32, #tpu.memory_space<hbm>>
    tpu.enqueue_dma source(%dma_start3A_95 : memref<128xi32, #tpu.memory_space<hbm>>) target(%dma_start3A_94 : memref<128xi32, #tpu.memory_space<vmem>>) target_semaphore(%arg16 : memref<!tpu.dma_semaphore, #tpu.memory_space<semaphore_mem>>)
    %dma_start3A_96 = arith.constant 1 : i32
    %dma_start3A_97 = arith.constant 2 : i32
    %dma_start3A_98 = arith.constant 0 : i32
    %dma_start3A_99 = arith.constant 0 : i32
    %dma_start3A_100 = tpu.memref_slice %arg9[%dma_start3A_96, %dma_start3A_98, %dma_start3A_99] : memref<2x3x128xi32, #tpu.memory_space<vmem>> -> memref<1x3x128xi32, #tpu.memory_space<vmem>>
    %dma_start3A_101 = tpu.memref_squeeze %dma_start3A_100 : memref<1x3x128xi32, #tpu.memory_space<vmem>> -> memref<3x128xi32, #tpu.memory_space<vmem>>
    %dma_start3A_102 = arith.constant 0 : i32
    %dma_start3A_103 = tpu.memref_slice %dma_start3A_101[%dma_start3A_97, %dma_start3A_102] : memref<3x128xi32, #tpu.memory_space<vmem>> -> memref<1x128xi32, #tpu.memory_space<vmem>>
    %dma_start3A_104 = tpu.memref_squeeze %dma_start3A_103 : memref<1x128xi32, #tpu.memory_space<vmem>> -> memref<128xi32, #tpu.memory_space<vmem>>
    %dma_start3A_105 = tpu.memref_slice %arg4[%add3A_59] : memref<819200xi32, #tpu.memory_space<hbm>> -> memref<128xi32, #tpu.memory_space<hbm>>
    %dma_start3A_106 = arith.constant 0 : i32
    %dma_start3A_107 = arith.constant 0 : i32
    %dma_start3A_108 = tpu.memref_slice %arg9[%dma_start3A_96, %dma_start3A_106, %dma_start3A_107] : memref<2x3x128xi32, #tpu.memory_space<vmem>> -> memref<1x3x128xi32, #tpu.memory_space<vmem>>
    %dma_start3A_109 = tpu.memref_squeeze %dma_start3A_108 : memref<1x3x128xi32, #tpu.memory_space<vmem>> -> memref<3x128xi32, #tpu.memory_space<vmem>>
    %dma_start3A_110 = arith.constant 0 : i32
    %dma_start3A_111 = tpu.memref_slice %dma_start3A_109[%dma_start3A_97, %dma_start3A_110] : memref<3x128xi32, #tpu.memory_space<vmem>> -> memref<1x128xi32, #tpu.memory_space<vmem>>
    %dma_start3A_112 = tpu.memref_squeeze %dma_start3A_111 : memref<1x128xi32, #tpu.memory_space<vmem>> -> memref<128xi32, #tpu.memory_space<vmem>>
    %dma_start3A_113 = tpu.memref_slice %arg4[%add3A_59] : memref<819200xi32, #tpu.memory_space<hbm>> -> memref<128xi32, #tpu.memory_space<hbm>>
    tpu.enqueue_dma source(%dma_start3A_113 : memref<128xi32, #tpu.memory_space<hbm>>) target(%dma_start3A_112 : memref<128xi32, #tpu.memory_space<vmem>>) target_semaphore(%arg16 : memref<!tpu.dma_semaphore, #tpu.memory_space<semaphore_mem>>)
    %add3A_114 = arith.constant 0 : i32
    %add3A_115 = arith.addi %mul3A_2, %add3A_114 : i32
    %dma_wait3A = arith.constant 0 : i32
    %dma_wait3A_116 = arith.constant 0 : i32
    %dma_wait3A_117 = arith.constant 0 : i32
    %dma_wait3A_118 = arith.constant 0 : i32
    %dma_wait3A_119 = tpu.memref_slice %arg9[%dma_wait3A, %dma_wait3A_117, %dma_wait3A_118] : memref<2x3x128xi32, #tpu.memory_space<vmem>> -> memref<1x3x128xi32, #tpu.memory_space<vmem>>
    %dma_wait3A_120 = tpu.memref_squeeze %dma_wait3A_119 : memref<1x3x128xi32, #tpu.memory_space<vmem>> -> memref<3x128xi32, #tpu.memory_space<vmem>>
    %dma_wait3A_121 = arith.constant 0 : i32
    %dma_wait3A_122 = tpu.memref_slice %dma_wait3A_120[%dma_wait3A_116, %dma_wait3A_121] : memref<3x128xi32, #tpu.memory_space<vmem>> -> memref<1x128xi32, #tpu.memory_space<vmem>>
    %dma_wait3A_123 = tpu.memref_squeeze %dma_wait3A_122 : memref<1x128xi32, #tpu.memory_space<vmem>> -> memref<128xi32, #tpu.memory_space<vmem>>
    %dma_wait3A_124 = tpu.memref_slice %arg2[%add3A_115] : memref<819200xi32, #tpu.memory_space<hbm>> -> memref<128xi32, #tpu.memory_space<hbm>>
    %dma_wait3A_125 = arith.constant 0 : i32
    %dma_wait3A_126 = arith.constant 0 : i32
    %dma_wait3A_127 = tpu.memref_slice %arg9[%dma_wait3A, %dma_wait3A_125, %dma_wait3A_126] : memref<2x3x128xi32, #tpu.memory_space<vmem>> -> memref<1x3x128xi32, #tpu.memory_space<vmem>>
    %dma_wait3A_128 = tpu.memref_squeeze %dma_wait3A_127 : memref<1x3x128xi32, #tpu.memory_space<vmem>> -> memref<3x128xi32, #tpu.memory_space<vmem>>
    %dma_wait3A_129 = arith.constant 0 : i32
    %dma_wait3A_130 = tpu.memref_slice %dma_wait3A_128[%dma_wait3A_116, %dma_wait3A_129] : memref<3x128xi32, #tpu.memory_space<vmem>> -> memref<1x128xi32, #tpu.memory_space<vmem>>
    %dma_wait3A_131 = tpu.memref_squeeze %dma_wait3A_130 : memref<1x128xi32, #tpu.memory_space<vmem>> -> memref<128xi32, #tpu.memory_space<vmem>>
    %dma_wait3A_132 = tpu.memref_slice %arg2[%add3A_115] : memref<819200xi32, #tpu.memory_space<hbm>> -> memref<128xi32, #tpu.memory_space<hbm>>
    tpu.wait_dma2 semaphore(%arg15 : memref<!tpu.dma_semaphore, #tpu.memory_space<semaphore_mem>>) src(%dma_wait3A_132 : memref<128xi32, #tpu.memory_space<hbm>>) dst(%dma_wait3A_131 : memref<128xi32, #tpu.memory_space<vmem>>)
    %dma_wait3A_133 = arith.constant 0 : i32
    %dma_wait3A_134 = arith.constant 1 : i32
    %dma_wait3A_135 = arith.constant 0 : i32
    %dma_wait3A_136 = arith.constant 0 : i32
    %dma_wait3A_137 = tpu.memref_slice %arg9[%dma_wait3A_133, %dma_wait3A_135, %dma_wait3A_136] : memref<2x3x128xi32, #tpu.memory_space<vmem>> -> memref<1x3x128xi32, #tpu.memory_space<vmem>>
    %dma_wait3A_138 = tpu.memref_squeeze %dma_wait3A_137 : memref<1x3x128xi32, #tpu.memory_space<vmem>> -> memref<3x128xi32, #tpu.memory_space<vmem>>
    %dma_wait3A_139 = arith.constant 0 : i32
    %dma_wait3A_140 = tpu.memref_slice %dma_wait3A_138[%dma_wait3A_134, %dma_wait3A_139] : memref<3x128xi32, #tpu.memory_space<vmem>> -> memref<1x128xi32, #tpu.memory_space<vmem>>
    %dma_wait3A_141 = tpu.memref_squeeze %dma_wait3A_140 : memref<1x128xi32, #tpu.memory_space<vmem>> -> memref<128xi32, #tpu.memory_space<vmem>>
    %dma_wait3A_142 = tpu.memref_slice %arg3[%add3A_115] : memref<819200xi32, #tpu.memory_space<hbm>> -> memref<128xi32, #tpu.memory_space<hbm>>
    %dma_wait3A_143 = arith.constant 0 : i32
    %dma_wait3A_144 = arith.constant 0 : i32
    %dma_wait3A_145 = tpu.memref_slice %arg9[%dma_wait3A_133, %dma_wait3A_143, %dma_wait3A_144] : memref<2x3x128xi32, #tpu.memory_space<vmem>> -> memref<1x3x128xi32, #tpu.memory_space<vmem>>
    %dma_wait3A_146 = tpu.memref_squeeze %dma_wait3A_145 : memref<1x3x128xi32, #tpu.memory_space<vmem>> -> memref<3x128xi32, #tpu.memory_space<vmem>>
    %dma_wait3A_147 = arith.constant 0 : i32
    %dma_wait3A_148 = tpu.memref_slice %dma_wait3A_146[%dma_wait3A_134, %dma_wait3A_147] : memref<3x128xi32, #tpu.memory_space<vmem>> -> memref<1x128xi32, #tpu.memory_space<vmem>>
    %dma_wait3A_149 = tpu.memref_squeeze %dma_wait3A_148 : memref<1x128xi32, #tpu.memory_space<vmem>> -> memref<128xi32, #tpu.memory_space<vmem>>
    %dma_wait3A_150 = tpu.memref_slice %arg3[%add3A_115] : memref<819200xi32, #tpu.memory_space<hbm>> -> memref<128xi32, #tpu.memory_space<hbm>>
    tpu.wait_dma2 semaphore(%arg15 : memref<!tpu.dma_semaphore, #tpu.memory_space<semaphore_mem>>) src(%dma_wait3A_150 : memref<128xi32, #tpu.memory_space<hbm>>) dst(%dma_wait3A_149 : memref<128xi32, #tpu.memory_space<vmem>>)
    %dma_wait3A_151 = arith.constant 0 : i32
    %dma_wait3A_152 = arith.constant 2 : i32
    %dma_wait3A_153 = arith.constant 0 : i32
    %dma_wait3A_154 = arith.constant 0 : i32
    %dma_wait3A_155 = tpu.memref_slice %arg9[%dma_wait3A_151, %dma_wait3A_153, %dma_wait3A_154] : memref<2x3x128xi32, #tpu.memory_space<vmem>> -> memref<1x3x128xi32, #tpu.memory_space<vmem>>
    %dma_wait3A_156 = tpu.memref_squeeze %dma_wait3A_155 : memref<1x3x128xi32, #tpu.memory_space<vmem>> -> memref<3x128xi32, #tpu.memory_space<vmem>>
    %dma_wait3A_157 = arith.constant 0 : i32
    %dma_wait3A_158 = tpu.memref_slice %dma_wait3A_156[%dma_wait3A_152, %dma_wait3A_157] : memref<3x128xi32, #tpu.memory_space<vmem>> -> memref<1x128xi32, #tpu.memory_space<vmem>>
    %dma_wait3A_159 = tpu.memref_squeeze %dma_wait3A_158 : memref<1x128xi32, #tpu.memory_space<vmem>> -> memref<128xi32, #tpu.memory_space<vmem>>
    %dma_wait3A_160 = tpu.memref_slice %arg4[%add3A_115] : memref<819200xi32, #tpu.memory_space<hbm>> -> memref<128xi32, #tpu.memory_space<hbm>>
    %dma_wait3A_161 = arith.constant 0 : i32
    %dma_wait3A_162 = arith.constant 0 : i32
    %dma_wait3A_163 = tpu.memref_slice %arg9[%dma_wait3A_151, %dma_wait3A_161, %dma_wait3A_162] : memref<2x3x128xi32, #tpu.memory_space<vmem>> -> memref<1x3x128xi32, #tpu.memory_space<vmem>>
    %dma_wait3A_164 = tpu.memref_squeeze %dma_wait3A_163 : memref<1x3x128xi32, #tpu.memory_space<vmem>> -> memref<3x128xi32, #tpu.memory_space<vmem>>
    %dma_wait3A_165 = arith.constant 0 : i32
    %dma_wait3A_166 = tpu.memref_slice %dma_wait3A_164[%dma_wait3A_152, %dma_wait3A_165] : memref<3x128xi32, #tpu.memory_space<vmem>> -> memref<1x128xi32, #tpu.memory_space<vmem>>
    %dma_wait3A_167 = tpu.memref_squeeze %dma_wait3A_166 : memref<1x128xi32, #tpu.memory_space<vmem>> -> memref<128xi32, #tpu.memory_space<vmem>>
    %dma_wait3A_168 = tpu.memref_slice %arg4[%add3A_115] : memref<819200xi32, #tpu.memory_space<hbm>> -> memref<128xi32, #tpu.memory_space<hbm>>
    tpu.wait_dma2 semaphore(%arg15 : memref<!tpu.dma_semaphore, #tpu.memory_space<semaphore_mem>>) src(%dma_wait3A_168 : memref<128xi32, #tpu.memory_space<hbm>>) dst(%dma_wait3A_167 : memref<128xi32, #tpu.memory_space<vmem>>)
    %dma_start3A_169 = arith.constant 0 : i32
    %dma_start3A_170 = arith.constant 0 : i32
    %dma_start3A_171 = arith.constant 0 : i32
    %dma_start3A_172 = arith.constant 0 : i32
    %dma_start3A_173 = arith.constant 0 : i32
    %dma_start3A_174 = arith.constant 0 : i32
    %dma_start3A_175 = arith.constant 0 : i32
    %dma_start3A_176 = tpu.memref_slice %arg10[%dma_start3A_171, %dma_start3A_173, %dma_start3A_174, %dma_start3A_175] : memref<2x3x128x128xf32, #tpu.memory_space<vmem>> -> memref<1x3x128x128xf32, #tpu.memory_space<vmem>>
    %dma_start3A_177 = tpu.memref_squeeze %dma_start3A_176 : memref<1x3x128x128xf32, #tpu.memory_space<vmem>> -> memref<3x128x128xf32, #tpu.memory_space<vmem>>
    %dma_start3A_178 = arith.constant 0 : i32
    %dma_start3A_179 = arith.constant 0 : i32
    %dma_start3A_180 = tpu.memref_slice %dma_start3A_177[%dma_start3A_172, %dma_start3A_178, %dma_start3A_179] : memref<3x128x128xf32, #tpu.memory_space<vmem>> -> memref<1x128x128xf32, #tpu.memory_space<vmem>>
    %dma_start3A_181 = tpu.memref_squeeze %dma_start3A_180 : memref<1x128x128xf32, #tpu.memory_space<vmem>> -> memref<128x128xf32, #tpu.memory_space<vmem>>
    %dma_start3A_182 = arith.constant 0 : i32
    %dma_start3A_183 = arith.constant 0 : i32
    %dma_start3A_184 = tpu.memref_slice %arg9[%dma_start3A_169, %dma_start3A_182, %dma_start3A_183] : memref<2x3x128xi32, #tpu.memory_space<vmem>> -> memref<1x3x128xi32, #tpu.memory_space<vmem>>
    %dma_start3A_185 = tpu.memref_squeeze %dma_start3A_184 : memref<1x3x128xi32, #tpu.memory_space<vmem>> -> memref<3x128xi32, #tpu.memory_space<vmem>>
    %dma_start3A_186 = arith.constant 0 : i32
    %dma_start3A_187 = tpu.memref_slice %dma_start3A_185[%dma_start3A_170, %dma_start3A_186] : memref<3x128xi32, #tpu.memory_space<vmem>> -> memref<1x128xi32, #tpu.memory_space<vmem>>
    %dma_start3A_188 = tpu.memref_squeeze %dma_start3A_187 : memref<1x128xi32, #tpu.memory_space<vmem>> -> memref<128xi32, #tpu.memory_space<vmem>>
    %dma_start3A_189 = arith.constant 0 : i32
    %dma_start3A_190 = arith.constant 0 : i32
    %dma_start3A_191 = tpu.memref_slice %arg5[%dma_start3A_189, %dma_start3A_190] : memref<361x128xf32, #tpu.memory_space<hbm>> -> memref<361x128xf32, #tpu.memory_space<hbm>>
    tpu.enqueue_indirect_dma source(%dma_start3A_191 : memref<361x128xf32, #tpu.memory_space<hbm>>) target(%dma_start3A_181 : memref<128x128xf32, #tpu.memory_space<vmem>>) offsets(%dma_start3A_188 : memref<128xi32, #tpu.memory_space<vmem>>) semaphore(%arg11 : memref<!tpu.dma_semaphore, #tpu.memory_space<semaphore_mem>>)
    %dma_start3A_192 = arith.constant 0 : i32
    %dma_start3A_193 = arith.constant 1 : i32
    %dma_start3A_194 = arith.constant 0 : i32
    %dma_start3A_195 = arith.constant 1 : i32
    %dma_start3A_196 = arith.constant 0 : i32
    %dma_start3A_197 = arith.constant 0 : i32
    %dma_start3A_198 = arith.constant 0 : i32
    %dma_start3A_199 = tpu.memref_slice %arg10[%dma_start3A_194, %dma_start3A_196, %dma_start3A_197, %dma_start3A_198] : memref<2x3x128x128xf32, #tpu.memory_space<vmem>> -> memref<1x3x128x128xf32, #tpu.memory_space<vmem>>
    %dma_start3A_200 = tpu.memref_squeeze %dma_start3A_199 : memref<1x3x128x128xf32, #tpu.memory_space<vmem>> -> memref<3x128x128xf32, #tpu.memory_space<vmem>>
    %dma_start3A_201 = arith.constant 0 : i32
    %dma_start3A_202 = arith.constant 0 : i32
    %dma_start3A_203 = tpu.memref_slice %dma_start3A_200[%dma_start3A_195, %dma_start3A_201, %dma_start3A_202] : memref<3x128x128xf32, #tpu.memory_space<vmem>> -> memref<1x128x128xf32, #tpu.memory_space<vmem>>
    %dma_start3A_204 = tpu.memref_squeeze %dma_start3A_203 : memref<1x128x128xf32, #tpu.memory_space<vmem>> -> memref<128x128xf32, #tpu.memory_space<vmem>>
    %dma_start3A_205 = arith.constant 0 : i32
    %dma_start3A_206 = arith.constant 0 : i32
    %dma_start3A_207 = tpu.memref_slice %arg9[%dma_start3A_192, %dma_start3A_205, %dma_start3A_206] : memref<2x3x128xi32, #tpu.memory_space<vmem>> -> memref<1x3x128xi32, #tpu.memory_space<vmem>>
    %dma_start3A_208 = tpu.memref_squeeze %dma_start3A_207 : memref<1x3x128xi32, #tpu.memory_space<vmem>> -> memref<3x128xi32, #tpu.memory_space<vmem>>
    %dma_start3A_209 = arith.constant 0 : i32
    %dma_start3A_210 = tpu.memref_slice %dma_start3A_208[%dma_start3A_193, %dma_start3A_209] : memref<3x128xi32, #tpu.memory_space<vmem>> -> memref<1x128xi32, #tpu.memory_space<vmem>>
    %dma_start3A_211 = tpu.memref_squeeze %dma_start3A_210 : memref<1x128xi32, #tpu.memory_space<vmem>> -> memref<128xi32, #tpu.memory_space<vmem>>
    %dma_start3A_212 = arith.constant 0 : i32
    %dma_start3A_213 = arith.constant 0 : i32
    %dma_start3A_214 = tpu.memref_slice %arg6[%dma_start3A_212, %dma_start3A_213] : memref<361x128xf32, #tpu.memory_space<hbm>> -> memref<361x128xf32, #tpu.memory_space<hbm>>
    tpu.enqueue_indirect_dma source(%dma_start3A_214 : memref<361x128xf32, #tpu.memory_space<hbm>>) target(%dma_start3A_204 : memref<128x128xf32, #tpu.memory_space<vmem>>) offsets(%dma_start3A_211 : memref<128xi32, #tpu.memory_space<vmem>>) semaphore(%arg11 : memref<!tpu.dma_semaphore, #tpu.memory_space<semaphore_mem>>)
    %dma_start3A_215 = arith.constant 0 : i32
    %dma_start3A_216 = arith.constant 2 : i32
    %dma_start3A_217 = arith.constant 0 : i32
    %dma_start3A_218 = arith.constant 2 : i32
    %dma_start3A_219 = arith.constant 0 : i32
    %dma_start3A_220 = arith.constant 0 : i32
    %dma_start3A_221 = arith.constant 0 : i32
    %dma_start3A_222 = tpu.memref_slice %arg10[%dma_start3A_217, %dma_start3A_219, %dma_start3A_220, %dma_start3A_221] : memref<2x3x128x128xf32, #tpu.memory_space<vmem>> -> memref<1x3x128x128xf32, #tpu.memory_space<vmem>>
    %dma_start3A_223 = tpu.memref_squeeze %dma_start3A_222 : memref<1x3x128x128xf32, #tpu.memory_space<vmem>> -> memref<3x128x128xf32, #tpu.memory_space<vmem>>
    %dma_start3A_224 = arith.constant 0 : i32
    %dma_start3A_225 = arith.constant 0 : i32
    %dma_start3A_226 = tpu.memref_slice %dma_start3A_223[%dma_start3A_218, %dma_start3A_224, %dma_start3A_225] : memref<3x128x128xf32, #tpu.memory_space<vmem>> -> memref<1x128x128xf32, #tpu.memory_space<vmem>>
    %dma_start3A_227 = tpu.memref_squeeze %dma_start3A_226 : memref<1x128x128xf32, #tpu.memory_space<vmem>> -> memref<128x128xf32, #tpu.memory_space<vmem>>
    %dma_start3A_228 = arith.constant 0 : i32
    %dma_start3A_229 = arith.constant 0 : i32
    %dma_start3A_230 = tpu.memref_slice %arg9[%dma_start3A_215, %dma_start3A_228, %dma_start3A_229] : memref<2x3x128xi32, #tpu.memory_space<vmem>> -> memref<1x3x128xi32, #tpu.memory_space<vmem>>
    %dma_start3A_231 = tpu.memref_squeeze %dma_start3A_230 : memref<1x3x128xi32, #tpu.memory_space<vmem>> -> memref<3x128xi32, #tpu.memory_space<vmem>>
    %dma_start3A_232 = arith.constant 0 : i32
    %dma_start3A_233 = tpu.memref_slice %dma_start3A_231[%dma_start3A_216, %dma_start3A_232] : memref<3x128xi32, #tpu.memory_space<vmem>> -> memref<1x128xi32, #tpu.memory_space<vmem>>
    %dma_start3A_234 = tpu.memref_squeeze %dma_start3A_233 : memref<1x128xi32, #tpu.memory_space<vmem>> -> memref<128xi32, #tpu.memory_space<vmem>>
    %dma_start3A_235 = arith.constant 0 : i32
    %dma_start3A_236 = arith.constant 0 : i32
    %dma_start3A_237 = tpu.memref_slice %arg7[%dma_start3A_235, %dma_start3A_236] : memref<361x128xf32, #tpu.memory_space<hbm>> -> memref<361x128xf32, #tpu.memory_space<hbm>>
    tpu.enqueue_indirect_dma source(%dma_start3A_237 : memref<361x128xf32, #tpu.memory_space<hbm>>) target(%dma_start3A_227 : memref<128x128xf32, #tpu.memory_space<vmem>>) offsets(%dma_start3A_234 : memref<128xi32, #tpu.memory_space<vmem>>) semaphore(%arg11 : memref<!tpu.dma_semaphore, #tpu.memory_space<semaphore_mem>>)
    %add3A_238 = arith.constant 128 : i32
    %add3A_239 = arith.addi %mul3A_2, %add3A_238 : i32
    %dma_wait3A_240 = arith.constant 1 : i32
    %dma_wait3A_241 = arith.constant 0 : i32
    %dma_wait3A_242 = arith.constant 0 : i32
    %dma_wait3A_243 = arith.constant 0 : i32
    %dma_wait3A_244 = tpu.memref_slice %arg9[%dma_wait3A_240, %dma_wait3A_242, %dma_wait3A_243] : memref<2x3x128xi32, #tpu.memory_space<vmem>> -> memref<1x3x128xi32, #tpu.memory_space<vmem>>
    %dma_wait3A_245 = tpu.memref_squeeze %dma_wait3A_244 : memref<1x3x128xi32, #tpu.memory_space<vmem>> -> memref<3x128xi32, #tpu.memory_space<vmem>>
    %dma_wait3A_246 = arith.constant 0 : i32
    %dma_wait3A_247 = tpu.memref_slice %dma_wait3A_245[%dma_wait3A_241, %dma_wait3A_246] : memref<3x128xi32, #tpu.memory_space<vmem>> -> memref<1x128xi32, #tpu.memory_space<vmem>>
    %dma_wait3A_248 = tpu.memref_squeeze %dma_wait3A_247 : memref<1x128xi32, #tpu.memory_space<vmem>> -> memref<128xi32, #tpu.memory_space<vmem>>
    %dma_wait3A_249 = tpu.memref_slice %arg2[%add3A_239] : memref<819200xi32, #tpu.memory_space<hbm>> -> memref<128xi32, #tpu.memory_space<hbm>>
    %dma_wait3A_250 = arith.constant 0 : i32
    %dma_wait3A_251 = arith.constant 0 : i32
    %dma_wait3A_252 = tpu.memref_slice %arg9[%dma_wait3A_240, %dma_wait3A_250, %dma_wait3A_251] : memref<2x3x128xi32, #tpu.memory_space<vmem>> -> memref<1x3x128xi32, #tpu.memory_space<vmem>>
    %dma_wait3A_253 = tpu.memref_squeeze %dma_wait3A_252 : memref<1x3x128xi32, #tpu.memory_space<vmem>> -> memref<3x128xi32, #tpu.memory_space<vmem>>
    %dma_wait3A_254 = arith.constant 0 : i32
    %dma_wait3A_255 = tpu.memref_slice %dma_wait3A_253[%dma_wait3A_241, %dma_wait3A_254] : memref<3x128xi32, #tpu.memory_space<vmem>> -> memref<1x128xi32, #tpu.memory_space<vmem>>
    %dma_wait3A_256 = tpu.memref_squeeze %dma_wait3A_255 : memref<1x128xi32, #tpu.memory_space<vmem>> -> memref<128xi32, #tpu.memory_space<vmem>>
    %dma_wait3A_257 = tpu.memref_slice %arg2[%add3A_239] : memref<819200xi32, #tpu.memory_space<hbm>> -> memref<128xi32, #tpu.memory_space<hbm>>
    tpu.wait_dma2 semaphore(%arg16 : memref<!tpu.dma_semaphore, #tpu.memory_space<semaphore_mem>>) src(%dma_wait3A_257 : memref<128xi32, #tpu.memory_space<hbm>>) dst(%dma_wait3A_256 : memref<128xi32, #tpu.memory_space<vmem>>)
    %dma_wait3A_258 = arith.constant 1 : i32
    %dma_wait3A_259 = arith.constant 1 : i32
    %dma_wait3A_260 = arith.constant 0 : i32
    %dma_wait3A_261 = arith.constant 0 : i32
    %dma_wait3A_262 = tpu.memref_slice %arg9[%dma_wait3A_258, %dma_wait3A_260, %dma_wait3A_261] : memref<2x3x128xi32, #tpu.memory_space<vmem>> -> memref<1x3x128xi32, #tpu.memory_space<vmem>>
    %dma_wait3A_263 = tpu.memref_squeeze %dma_wait3A_262 : memref<1x3x128xi32, #tpu.memory_space<vmem>> -> memref<3x128xi32, #tpu.memory_space<vmem>>
    %dma_wait3A_264 = arith.constant 0 : i32
    %dma_wait3A_265 = tpu.memref_slice %dma_wait3A_263[%dma_wait3A_259, %dma_wait3A_264] : memref<3x128xi32, #tpu.memory_space<vmem>> -> memref<1x128xi32, #tpu.memory_space<vmem>>
    %dma_wait3A_266 = tpu.memref_squeeze %dma_wait3A_265 : memref<1x128xi32, #tpu.memory_space<vmem>> -> memref<128xi32, #tpu.memory_space<vmem>>
    %dma_wait3A_267 = tpu.memref_slice %arg3[%add3A_239] : memref<819200xi32, #tpu.memory_space<hbm>> -> memref<128xi32, #tpu.memory_space<hbm>>
    %dma_wait3A_268 = arith.constant 0 : i32
    %dma_wait3A_269 = arith.constant 0 : i32
    %dma_wait3A_270 = tpu.memref_slice %arg9[%dma_wait3A_258, %dma_wait3A_268, %dma_wait3A_269] : memref<2x3x128xi32, #tpu.memory_space<vmem>> -> memref<1x3x128xi32, #tpu.memory_space<vmem>>
    %dma_wait3A_271 = tpu.memref_squeeze %dma_wait3A_270 : memref<1x3x128xi32, #tpu.memory_space<vmem>> -> memref<3x128xi32, #tpu.memory_space<vmem>>
    %dma_wait3A_272 = arith.constant 0 : i32
    %dma_wait3A_273 = tpu.memref_slice %dma_wait3A_271[%dma_wait3A_259, %dma_wait3A_272] : memref<3x128xi32, #tpu.memory_space<vmem>> -> memref<1x128xi32, #tpu.memory_space<vmem>>
    %dma_wait3A_274 = tpu.memref_squeeze %dma_wait3A_273 : memref<1x128xi32, #tpu.memory_space<vmem>> -> memref<128xi32, #tpu.memory_space<vmem>>
    %dma_wait3A_275 = tpu.memref_slice %arg3[%add3A_239] : memref<819200xi32, #tpu.memory_space<hbm>> -> memref<128xi32, #tpu.memory_space<hbm>>
    tpu.wait_dma2 semaphore(%arg16 : memref<!tpu.dma_semaphore, #tpu.memory_space<semaphore_mem>>) src(%dma_wait3A_275 : memref<128xi32, #tpu.memory_space<hbm>>) dst(%dma_wait3A_274 : memref<128xi32, #tpu.memory_space<vmem>>)
    %dma_wait3A_276 = arith.constant 1 : i32
    %dma_wait3A_277 = arith.constant 2 : i32
    %dma_wait3A_278 = arith.constant 0 : i32
    %dma_wait3A_279 = arith.constant 0 : i32
    %dma_wait3A_280 = tpu.memref_slice %arg9[%dma_wait3A_276, %dma_wait3A_278, %dma_wait3A_279] : memref<2x3x128xi32, #tpu.memory_space<vmem>> -> memref<1x3x128xi32, #tpu.memory_space<vmem>>
    %dma_wait3A_281 = tpu.memref_squeeze %dma_wait3A_280 : memref<1x3x128xi32, #tpu.memory_space<vmem>> -> memref<3x128xi32, #tpu.memory_space<vmem>>
    %dma_wait3A_282 = arith.constant 0 : i32
    %dma_wait3A_283 = tpu.memref_slice %dma_wait3A_281[%dma_wait3A_277, %dma_wait3A_282] : memref<3x128xi32, #tpu.memory_space<vmem>> -> memref<1x128xi32, #tpu.memory_space<vmem>>
    %dma_wait3A_284 = tpu.memref_squeeze %dma_wait3A_283 : memref<1x128xi32, #tpu.memory_space<vmem>> -> memref<128xi32, #tpu.memory_space<vmem>>
    %dma_wait3A_285 = tpu.memref_slice %arg4[%add3A_239] : memref<819200xi32, #tpu.memory_space<hbm>> -> memref<128xi32, #tpu.memory_space<hbm>>
    %dma_wait3A_286 = arith.constant 0 : i32
    %dma_wait3A_287 = arith.constant 0 : i32
    %dma_wait3A_288 = tpu.memref_slice %arg9[%dma_wait3A_276, %dma_wait3A_286, %dma_wait3A_287] : memref<2x3x128xi32, #tpu.memory_space<vmem>> -> memref<1x3x128xi32, #tpu.memory_space<vmem>>
    %dma_wait3A_289 = tpu.memref_squeeze %dma_wait3A_288 : memref<1x3x128xi32, #tpu.memory_space<vmem>> -> memref<3x128xi32, #tpu.memory_space<vmem>>
    %dma_wait3A_290 = arith.constant 0 : i32
    %dma_wait3A_291 = tpu.memref_slice %dma_wait3A_289[%dma_wait3A_277, %dma_wait3A_290] : memref<3x128xi32, #tpu.memory_space<vmem>> -> memref<1x128xi32, #tpu.memory_space<vmem>>
    %dma_wait3A_292 = tpu.memref_squeeze %dma_wait3A_291 : memref<1x128xi32, #tpu.memory_space<vmem>> -> memref<128xi32, #tpu.memory_space<vmem>>
    %dma_wait3A_293 = tpu.memref_slice %arg4[%add3A_239] : memref<819200xi32, #tpu.memory_space<hbm>> -> memref<128xi32, #tpu.memory_space<hbm>>
    tpu.wait_dma2 semaphore(%arg16 : memref<!tpu.dma_semaphore, #tpu.memory_space<semaphore_mem>>) src(%dma_wait3A_293 : memref<128xi32, #tpu.memory_space<hbm>>) dst(%dma_wait3A_292 : memref<128xi32, #tpu.memory_space<vmem>>)
    %dma_start3A_294 = arith.constant 1 : i32
    %dma_start3A_295 = arith.constant 0 : i32
    %dma_start3A_296 = arith.constant 1 : i32
    %dma_start3A_297 = arith.constant 0 : i32
    %dma_start3A_298 = arith.constant 0 : i32
    %dma_start3A_299 = arith.constant 0 : i32
    %dma_start3A_300 = arith.constant 0 : i32
    %dma_start3A_301 = tpu.memref_slice %arg10[%dma_start3A_296, %dma_start3A_298, %dma_start3A_299, %dma_start3A_300] : memref<2x3x128x128xf32, #tpu.memory_space<vmem>> -> memref<1x3x128x128xf32, #tpu.memory_space<vmem>>
    %dma_start3A_302 = tpu.memref_squeeze %dma_start3A_301 : memref<1x3x128x128xf32, #tpu.memory_space<vmem>> -> memref<3x128x128xf32, #tpu.memory_space<vmem>>
    %dma_start3A_303 = arith.constant 0 : i32
    %dma_start3A_304 = arith.constant 0 : i32
    %dma_start3A_305 = tpu.memref_slice %dma_start3A_302[%dma_start3A_297, %dma_start3A_303, %dma_start3A_304] : memref<3x128x128xf32, #tpu.memory_space<vmem>> -> memref<1x128x128xf32, #tpu.memory_space<vmem>>
    %dma_start3A_306 = tpu.memref_squeeze %dma_start3A_305 : memref<1x128x128xf32, #tpu.memory_space<vmem>> -> memref<128x128xf32, #tpu.memory_space<vmem>>
    %dma_start3A_307 = arith.constant 0 : i32
    %dma_start3A_308 = arith.constant 0 : i32
    %dma_start3A_309 = tpu.memref_slice %arg9[%dma_start3A_294, %dma_start3A_307, %dma_start3A_308] : memref<2x3x128xi32, #tpu.memory_space<vmem>> -> memref<1x3x128xi32, #tpu.memory_space<vmem>>
    %dma_start3A_310 = tpu.memref_squeeze %dma_start3A_309 : memref<1x3x128xi32, #tpu.memory_space<vmem>> -> memref<3x128xi32, #tpu.memory_space<vmem>>
    %dma_start3A_311 = arith.constant 0 : i32
    %dma_start3A_312 = tpu.memref_slice %dma_start3A_310[%dma_start3A_295, %dma_start3A_311] : memref<3x128xi32, #tpu.memory_space<vmem>> -> memref<1x128xi32, #tpu.memory_space<vmem>>
    %dma_start3A_313 = tpu.memref_squeeze %dma_start3A_312 : memref<1x128xi32, #tpu.memory_space<vmem>> -> memref<128xi32, #tpu.memory_space<vmem>>
    %dma_start3A_314 = arith.constant 0 : i32
    %dma_start3A_315 = arith.constant 0 : i32
    %dma_start3A_316 = tpu.memref_slice %arg5[%dma_start3A_314, %dma_start3A_315] : memref<361x128xf32, #tpu.memory_space<hbm>> -> memref<361x128xf32, #tpu.memory_space<hbm>>
    tpu.enqueue_indirect_dma source(%dma_start3A_316 : memref<361x128xf32, #tpu.memory_space<hbm>>) target(%dma_start3A_306 : memref<128x128xf32, #tpu.memory_space<vmem>>) offsets(%dma_start3A_313 : memref<128xi32, #tpu.memory_space<vmem>>) semaphore(%arg12 : memref<!tpu.dma_semaphore, #tpu.memory_space<semaphore_mem>>)
    %dma_start3A_317 = arith.constant 1 : i32
    %dma_start3A_318 = arith.constant 1 : i32
    %dma_start3A_319 = arith.constant 1 : i32
    %dma_start3A_320 = arith.constant 1 : i32
    %dma_start3A_321 = arith.constant 0 : i32
    %dma_start3A_322 = arith.constant 0 : i32
    %dma_start3A_323 = arith.constant 0 : i32
    %dma_start3A_324 = tpu.memref_slice %arg10[%dma_start3A_319, %dma_start3A_321, %dma_start3A_322, %dma_start3A_323] : memref<2x3x128x128xf32, #tpu.memory_space<vmem>> -> memref<1x3x128x128xf32, #tpu.memory_space<vmem>>
    %dma_start3A_325 = tpu.memref_squeeze %dma_start3A_324 : memref<1x3x128x128xf32, #tpu.memory_space<vmem>> -> memref<3x128x128xf32, #tpu.memory_space<vmem>>
    %dma_start3A_326 = arith.constant 0 : i32
    %dma_start3A_327 = arith.constant 0 : i32
    %dma_start3A_328 = tpu.memref_slice %dma_start3A_325[%dma_start3A_320, %dma_start3A_326, %dma_start3A_327] : memref<3x128x128xf32, #tpu.memory_space<vmem>> -> memref<1x128x128xf32, #tpu.memory_space<vmem>>
    %dma_start3A_329 = tpu.memref_squeeze %dma_start3A_328 : memref<1x128x128xf32, #tpu.memory_space<vmem>> -> memref<128x128xf32, #tpu.memory_space<vmem>>
    %dma_start3A_330 = arith.constant 0 : i32
    %dma_start3A_331 = arith.constant 0 : i32
    %dma_start3A_332 = tpu.memref_slice %arg9[%dma_start3A_317, %dma_start3A_330, %dma_start3A_331] : memref<2x3x128xi32, #tpu.memory_space<vmem>> -> memref<1x3x128xi32, #tpu.memory_space<vmem>>
    %dma_start3A_333 = tpu.memref_squeeze %dma_start3A_332 : memref<1x3x128xi32, #tpu.memory_space<vmem>> -> memref<3x128xi32, #tpu.memory_space<vmem>>
    %dma_start3A_334 = arith.constant 0 : i32
    %dma_start3A_335 = tpu.memref_slice %dma_start3A_333[%dma_start3A_318, %dma_start3A_334] : memref<3x128xi32, #tpu.memory_space<vmem>> -> memref<1x128xi32, #tpu.memory_space<vmem>>
    %dma_start3A_336 = tpu.memref_squeeze %dma_start3A_335 : memref<1x128xi32, #tpu.memory_space<vmem>> -> memref<128xi32, #tpu.memory_space<vmem>>
    %dma_start3A_337 = arith.constant 0 : i32
    %dma_start3A_338 = arith.constant 0 : i32
    %dma_start3A_339 = tpu.memref_slice %arg6[%dma_start3A_337, %dma_start3A_338] : memref<361x128xf32, #tpu.memory_space<hbm>> -> memref<361x128xf32, #tpu.memory_space<hbm>>
    tpu.enqueue_indirect_dma source(%dma_start3A_339 : memref<361x128xf32, #tpu.memory_space<hbm>>) target(%dma_start3A_329 : memref<128x128xf32, #tpu.memory_space<vmem>>) offsets(%dma_start3A_336 : memref<128xi32, #tpu.memory_space<vmem>>) semaphore(%arg12 : memref<!tpu.dma_semaphore, #tpu.memory_space<semaphore_mem>>)
    %dma_start3A_340 = arith.constant 1 : i32
    %dma_start3A_341 = arith.constant 2 : i32
    %dma_start3A_342 = arith.constant 1 : i32
    %dma_start3A_343 = arith.constant 2 : i32
    %dma_start3A_344 = arith.constant 0 : i32
    %dma_start3A_345 = arith.constant 0 : i32
    %dma_start3A_346 = arith.constant 0 : i32
    %dma_start3A_347 = tpu.memref_slice %arg10[%dma_start3A_342, %dma_start3A_344, %dma_start3A_345, %dma_start3A_346] : memref<2x3x128x128xf32, #tpu.memory_space<vmem>> -> memref<1x3x128x128xf32, #tpu.memory_space<vmem>>
    %dma_start3A_348 = tpu.memref_squeeze %dma_start3A_347 : memref<1x3x128x128xf32, #tpu.memory_space<vmem>> -> memref<3x128x128xf32, #tpu.memory_space<vmem>>
    %dma_start3A_349 = arith.constant 0 : i32
    %dma_start3A_350 = arith.constant 0 : i32
    %dma_start3A_351 = tpu.memref_slice %dma_start3A_348[%dma_start3A_343, %dma_start3A_349, %dma_start3A_350] : memref<3x128x128xf32, #tpu.memory_space<vmem>> -> memref<1x128x128xf32, #tpu.memory_space<vmem>>
    %dma_start3A_352 = tpu.memref_squeeze %dma_start3A_351 : memref<1x128x128xf32, #tpu.memory_space<vmem>> -> memref<128x128xf32, #tpu.memory_space<vmem>>
    %dma_start3A_353 = arith.constant 0 : i32
    %dma_start3A_354 = arith.constant 0 : i32
    %dma_start3A_355 = tpu.memref_slice %arg9[%dma_start3A_340, %dma_start3A_353, %dma_start3A_354] : memref<2x3x128xi32, #tpu.memory_space<vmem>> -> memref<1x3x128xi32, #tpu.memory_space<vmem>>
    %dma_start3A_356 = tpu.memref_squeeze %dma_start3A_355 : memref<1x3x128xi32, #tpu.memory_space<vmem>> -> memref<3x128xi32, #tpu.memory_space<vmem>>
    %dma_start3A_357 = arith.constant 0 : i32
    %dma_start3A_358 = tpu.memref_slice %dma_start3A_356[%dma_start3A_341, %dma_start3A_357] : memref<3x128xi32, #tpu.memory_space<vmem>> -> memref<1x128xi32, #tpu.memory_space<vmem>>
    %dma_start3A_359 = tpu.memref_squeeze %dma_start3A_358 : memref<1x128xi32, #tpu.memory_space<vmem>> -> memref<128xi32, #tpu.memory_space<vmem>>
    %dma_start3A_360 = arith.constant 0 : i32
    %dma_start3A_361 = arith.constant 0 : i32
    %dma_start3A_362 = tpu.memref_slice %arg7[%dma_start3A_360, %dma_start3A_361] : memref<361x128xf32, #tpu.memory_space<hbm>> -> memref<361x128xf32, #tpu.memory_space<hbm>>
    tpu.enqueue_indirect_dma source(%dma_start3A_362 : memref<361x128xf32, #tpu.memory_space<hbm>>) target(%dma_start3A_352 : memref<128x128xf32, #tpu.memory_space<vmem>>) offsets(%dma_start3A_359 : memref<128xi32, #tpu.memory_space<vmem>>) semaphore(%arg12 : memref<!tpu.dma_semaphore, #tpu.memory_space<semaphore_mem>>)
    %scan3A = arith.constant 0 : i32
    %scan3A_363 = arith.constant 0 : i32
    %scan3A_364 = arith.constant 99 : i32
    %scan3A_365 = arith.addi %scan3A_363, %scan3A_364 : i32
    %scan3A_366 = arith.constant 1 : i32
    scf.for %scan3A_798 = %scan3A_363 to %scan3A_365 step %scan3A_366  : i32 {
      %mul3A_799 = arith.constant 2 : i32
      %mul3A_800 = arith.muli %mul3A_799, %scan3A_798 : i32
      %add3A_801 = arith.constant 0 : i32
      %add3A_802 = arith.addi %mul3A_800, %add3A_801 : i32
      %dma_wait3A_803 = arith.constant 0 : i32
      %dma_wait3A_804 = arith.constant 0 : i32
      %dma_wait3A_805 = arith.constant 0 : i32
      %dma_wait3A_806 = arith.constant 0 : i32
      %dma_wait3A_807 = arith.constant 0 : i32
      %dma_wait3A_808 = arith.constant 0 : i32
      %dma_wait3A_809 = arith.constant 0 : i32
      %dma_wait3A_810 = tpu.memref_slice %arg10[%dma_wait3A_805, %dma_wait3A_807, %dma_wait3A_808, %dma_wait3A_809] : memref<2x3x128x128xf32, #tpu.memory_space<vmem>> -> memref<1x3x128x128xf32, #tpu.memory_space<vmem>>
      %dma_wait3A_811 = tpu.memref_squeeze %dma_wait3A_810 : memref<1x3x128x128xf32, #tpu.memory_space<vmem>> -> memref<3x128x128xf32, #tpu.memory_space<vmem>>
      %dma_wait3A_812 = arith.constant 0 : i32
      %dma_wait3A_813 = arith.constant 0 : i32
      %dma_wait3A_814 = tpu.memref_slice %dma_wait3A_811[%dma_wait3A_806, %dma_wait3A_812, %dma_wait3A_813] : memref<3x128x128xf32, #tpu.memory_space<vmem>> -> memref<1x128x128xf32, #tpu.memory_space<vmem>>
      %dma_wait3A_815 = tpu.memref_squeeze %dma_wait3A_814 : memref<1x128x128xf32, #tpu.memory_space<vmem>> -> memref<128x128xf32, #tpu.memory_space<vmem>>
      %dma_wait3A_816 = arith.constant 0 : i32
      %dma_wait3A_817 = arith.constant 0 : i32
      %dma_wait3A_818 = tpu.memref_slice %arg9[%dma_wait3A_803, %dma_wait3A_816, %dma_wait3A_817] : memref<2x3x128xi32, #tpu.memory_space<vmem>> -> memref<1x3x128xi32, #tpu.memory_space<vmem>>
      %dma_wait3A_819 = tpu.memref_squeeze %dma_wait3A_818 : memref<1x3x128xi32, #tpu.memory_space<vmem>> -> memref<3x128xi32, #tpu.memory_space<vmem>>
      %dma_wait3A_820 = arith.constant 0 : i32
      %dma_wait3A_821 = tpu.memref_slice %dma_wait3A_819[%dma_wait3A_804, %dma_wait3A_820] : memref<3x128xi32, #tpu.memory_space<vmem>> -> memref<1x128xi32, #tpu.memory_space<vmem>>
      %dma_wait3A_822 = tpu.memref_squeeze %dma_wait3A_821 : memref<1x128xi32, #tpu.memory_space<vmem>> -> memref<128xi32, #tpu.memory_space<vmem>>
      %dma_wait3A_823 = arith.constant 0 : i32
      %dma_wait3A_824 = arith.constant 0 : i32
      %dma_wait3A_825 = tpu.memref_slice %arg5[%dma_wait3A_823, %dma_wait3A_824] : memref<361x128xf32, #tpu.memory_space<hbm>> -> memref<361x128xf32, #tpu.memory_space<hbm>>
      tpu.wait_indirect_dma semaphore(%arg11 : memref<!tpu.dma_semaphore, #tpu.memory_space<semaphore_mem>>) src(%dma_wait3A_825 : memref<361x128xf32, #tpu.memory_space<hbm>>) dst(%dma_wait3A_815 : memref<128x128xf32, #tpu.memory_space<vmem>>)
      %dma_wait3A_826 = arith.constant 0 : i32
      %dma_wait3A_827 = arith.constant 1 : i32
      %dma_wait3A_828 = arith.constant 0 : i32
      %dma_wait3A_829 = arith.constant 1 : i32
      %dma_wait3A_830 = arith.constant 0 : i32
      %dma_wait3A_831 = arith.constant 0 : i32
      %dma_wait3A_832 = arith.constant 0 : i32
      %dma_wait3A_833 = tpu.memref_slice %arg10[%dma_wait3A_828, %dma_wait3A_830, %dma_wait3A_831, %dma_wait3A_832] : memref<2x3x128x128xf32, #tpu.memory_space<vmem>> -> memref<1x3x128x128xf32, #tpu.memory_space<vmem>>
      %dma_wait3A_834 = tpu.memref_squeeze %dma_wait3A_833 : memref<1x3x128x128xf32, #tpu.memory_space<vmem>> -> memref<3x128x128xf32, #tpu.memory_space<vmem>>
      %dma_wait3A_835 = arith.constant 0 : i32
      %dma_wait3A_836 = arith.constant 0 : i32
      %dma_wait3A_837 = tpu.memref_slice %dma_wait3A_834[%dma_wait3A_829, %dma_wait3A_835, %dma_wait3A_836] : memref<3x128x128xf32, #tpu.memory_space<vmem>> -> memref<1x128x128xf32, #tpu.memory_space<vmem>>
      %dma_wait3A_838 = tpu.memref_squeeze %dma_wait3A_837 : memref<1x128x128xf32, #tpu.memory_space<vmem>> -> memref<128x128xf32, #tpu.memory_space<vmem>>
      %dma_wait3A_839 = arith.constant 0 : i32
      %dma_wait3A_840 = arith.constant 0 : i32
      %dma_wait3A_841 = tpu.memref_slice %arg9[%dma_wait3A_826, %dma_wait3A_839, %dma_wait3A_840] : memref<2x3x128xi32, #tpu.memory_space<vmem>> -> memref<1x3x128xi32, #tpu.memory_space<vmem>>
      %dma_wait3A_842 = tpu.memref_squeeze %dma_wait3A_841 : memref<1x3x128xi32, #tpu.memory_space<vmem>> -> memref<3x128xi32, #tpu.memory_space<vmem>>
      %dma_wait3A_843 = arith.constant 0 : i32
      %dma_wait3A_844 = tpu.memref_slice %dma_wait3A_842[%dma_wait3A_827, %dma_wait3A_843] : memref<3x128xi32, #tpu.memory_space<vmem>> -> memref<1x128xi32, #tpu.memory_space<vmem>>
      %dma_wait3A_845 = tpu.memref_squeeze %dma_wait3A_844 : memref<1x128xi32, #tpu.memory_space<vmem>> -> memref<128xi32, #tpu.memory_space<vmem>>
      %dma_wait3A_846 = arith.constant 0 : i32
      %dma_wait3A_847 = arith.constant 0 : i32
      %dma_wait3A_848 = tpu.memref_slice %arg6[%dma_wait3A_846, %dma_wait3A_847] : memref<361x128xf32, #tpu.memory_space<hbm>> -> memref<361x128xf32, #tpu.memory_space<hbm>>
      tpu.wait_indirect_dma semaphore(%arg11 : memref<!tpu.dma_semaphore, #tpu.memory_space<semaphore_mem>>) src(%dma_wait3A_848 : memref<361x128xf32, #tpu.memory_space<hbm>>) dst(%dma_wait3A_838 : memref<128x128xf32, #tpu.memory_space<vmem>>)
      %dma_wait3A_849 = arith.constant 0 : i32
      %dma_wait3A_850 = arith.constant 2 : i32
      %dma_wait3A_851 = arith.constant 0 : i32
      %dma_wait3A_852 = arith.constant 2 : i32
      %dma_wait3A_853 = arith.constant 0 : i32
      %dma_wait3A_854 = arith.constant 0 : i32
      %dma_wait3A_855 = arith.constant 0 : i32
      %dma_wait3A_856 = tpu.memref_slice %arg10[%dma_wait3A_851, %dma_wait3A_853, %dma_wait3A_854, %dma_wait3A_855] : memref<2x3x128x128xf32, #tpu.memory_space<vmem>> -> memref<1x3x128x128xf32, #tpu.memory_space<vmem>>
      %dma_wait3A_857 = tpu.memref_squeeze %dma_wait3A_856 : memref<1x3x128x128xf32, #tpu.memory_space<vmem>> -> memref<3x128x128xf32, #tpu.memory_space<vmem>>
      %dma_wait3A_858 = arith.constant 0 : i32
      %dma_wait3A_859 = arith.constant 0 : i32
      %dma_wait3A_860 = tpu.memref_slice %dma_wait3A_857[%dma_wait3A_852, %dma_wait3A_858, %dma_wait3A_859] : memref<3x128x128xf32, #tpu.memory_space<vmem>> -> memref<1x128x128xf32, #tpu.memory_space<vmem>>
      %dma_wait3A_861 = tpu.memref_squeeze %dma_wait3A_860 : memref<1x128x128xf32, #tpu.memory_space<vmem>> -> memref<128x128xf32, #tpu.memory_space<vmem>>
      %dma_wait3A_862 = arith.constant 0 : i32
      %dma_wait3A_863 = arith.constant 0 : i32
      %dma_wait3A_864 = tpu.memref_slice %arg9[%dma_wait3A_849, %dma_wait3A_862, %dma_wait3A_863] : memref<2x3x128xi32, #tpu.memory_space<vmem>> -> memref<1x3x128xi32, #tpu.memory_space<vmem>>
      %dma_wait3A_865 = tpu.memref_squeeze %dma_wait3A_864 : memref<1x3x128xi32, #tpu.memory_space<vmem>> -> memref<3x128xi32, #tpu.memory_space<vmem>>
      %dma_wait3A_866 = arith.constant 0 : i32
      %dma_wait3A_867 = tpu.memref_slice %dma_wait3A_865[%dma_wait3A_850, %dma_wait3A_866] : memref<3x128xi32, #tpu.memory_space<vmem>> -> memref<1x128xi32, #tpu.memory_space<vmem>>
      %dma_wait3A_868 = tpu.memref_squeeze %dma_wait3A_867 : memref<1x128xi32, #tpu.memory_space<vmem>> -> memref<128xi32, #tpu.memory_space<vmem>>
      %dma_wait3A_869 = arith.constant 0 : i32
      %dma_wait3A_870 = arith.constant 0 : i32
      %dma_wait3A_871 = tpu.memref_slice %arg7[%dma_wait3A_869, %dma_wait3A_870] : memref<361x128xf32, #tpu.memory_space<hbm>> -> memref<361x128xf32, #tpu.memory_space<hbm>>
      tpu.wait_indirect_dma semaphore(%arg11 : memref<!tpu.dma_semaphore, #tpu.memory_space<semaphore_mem>>) src(%dma_wait3A_871 : memref<361x128xf32, #tpu.memory_space<hbm>>) dst(%dma_wait3A_861 : memref<128x128xf32, #tpu.memory_space<vmem>>)
      %mul3A_872 = arith.constant 128 : i32
      %mul3A_873 = arith.muli %add3A_802, %mul3A_872 : i32
      %add3A_874 = arith.addi %mul3A_2, %mul3A_873 : i32
      %dma_start3A_875 = arith.constant 0 : i32
      %dma_start3A_876 = arith.constant 0 : i32
      %dma_start3A_877 = arith.constant 0 : i32
      %dma_start3A_878 = arith.constant 0 : i32
      %dma_start3A_879 = arith.constant 0 : i32
      %dma_start3A_880 = tpu.memref_slice %arg10[%dma_start3A_875, %dma_start3A_877, %dma_start3A_878, %dma_start3A_879] : memref<2x3x128x128xf32, #tpu.memory_space<vmem>> -> memref<1x3x128x128xf32, #tpu.memory_space<vmem>>
      %dma_start3A_881 = tpu.memref_squeeze %dma_start3A_880 : memref<1x3x128x128xf32, #tpu.memory_space<vmem>> -> memref<3x128x128xf32, #tpu.memory_space<vmem>>
      %dma_start3A_882 = arith.constant 0 : i32
      %dma_start3A_883 = arith.constant 0 : i32
      %dma_start3A_884 = tpu.memref_slice %dma_start3A_881[%dma_start3A_876, %dma_start3A_882, %dma_start3A_883] : memref<3x128x128xf32, #tpu.memory_space<vmem>> -> memref<1x128x128xf32, #tpu.memory_space<vmem>>
      %dma_start3A_885 = tpu.memref_squeeze %dma_start3A_884 : memref<1x128x128xf32, #tpu.memory_space<vmem>> -> memref<128x128xf32, #tpu.memory_space<vmem>>
      %dma_start3A_886 = arith.constant 0 : i32
      %dma_start3A_887 = tpu.memref_slice %arg8[%add3A_874, %dma_start3A_886] : memref<819200x384xf32, #tpu.memory_space<hbm>> -> memref<128x128xf32, #tpu.memory_space<hbm>>
      %dma_start3A_888 = arith.constant 0 : i32
      %dma_start3A_889 = tpu.memref_slice %arg8[%add3A_874, %dma_start3A_888] : memref<819200x384xf32, #tpu.memory_space<hbm>> -> memref<128x128xf32, #tpu.memory_space<hbm>>
      %dma_start3A_890 = arith.constant 0 : i32
      %dma_start3A_891 = arith.constant 0 : i32
      %dma_start3A_892 = arith.constant 0 : i32
      %dma_start3A_893 = tpu.memref_slice %arg10[%dma_start3A_875, %dma_start3A_890, %dma_start3A_891, %dma_start3A_892] : memref<2x3x128x128xf32, #tpu.memory_space<vmem>> -> memref<1x3x128x128xf32, #tpu.memory_space<vmem>>
      %dma_start3A_894 = tpu.memref_squeeze %dma_start3A_893 : memref<1x3x128x128xf32, #tpu.memory_space<vmem>> -> memref<3x128x128xf32, #tpu.memory_space<vmem>>
      %dma_start3A_895 = arith.constant 0 : i32
      %dma_start3A_896 = arith.constant 0 : i32
      %dma_start3A_897 = tpu.memref_slice %dma_start3A_894[%dma_start3A_876, %dma_start3A_895, %dma_start3A_896] : memref<3x128x128xf32, #tpu.memory_space<vmem>> -> memref<1x128x128xf32, #tpu.memory_space<vmem>>
      %dma_start3A_898 = tpu.memref_squeeze %dma_start3A_897 : memref<1x128x128xf32, #tpu.memory_space<vmem>> -> memref<128x128xf32, #tpu.memory_space<vmem>>
      tpu.enqueue_dma source(%dma_start3A_898 : memref<128x128xf32, #tpu.memory_space<vmem>>) target(%dma_start3A_889 : memref<128x128xf32, #tpu.memory_space<hbm>>) target_semaphore(%arg13 : memref<!tpu.dma_semaphore, #tpu.memory_space<semaphore_mem>>)
      %dma_start3A_899 = arith.constant 0 : i32
      %dma_start3A_900 = arith.constant 1 : i32
      %dma_start3A_901 = arith.constant 0 : i32
      %dma_start3A_902 = arith.constant 0 : i32
      %dma_start3A_903 = arith.constant 0 : i32
      %dma_start3A_904 = tpu.memref_slice %arg10[%dma_start3A_899, %dma_start3A_901, %dma_start3A_902, %dma_start3A_903] : memref<2x3x128x128xf32, #tpu.memory_space<vmem>> -> memref<1x3x128x128xf32, #tpu.memory_space<vmem>>
      %dma_start3A_905 = tpu.memref_squeeze %dma_start3A_904 : memref<1x3x128x128xf32, #tpu.memory_space<vmem>> -> memref<3x128x128xf32, #tpu.memory_space<vmem>>
      %dma_start3A_906 = arith.constant 0 : i32
      %dma_start3A_907 = arith.constant 0 : i32
      %dma_start3A_908 = tpu.memref_slice %dma_start3A_905[%dma_start3A_900, %dma_start3A_906, %dma_start3A_907] : memref<3x128x128xf32, #tpu.memory_space<vmem>> -> memref<1x128x128xf32, #tpu.memory_space<vmem>>
      %dma_start3A_909 = tpu.memref_squeeze %dma_start3A_908 : memref<1x128x128xf32, #tpu.memory_space<vmem>> -> memref<128x128xf32, #tpu.memory_space<vmem>>
      %dma_start3A_910 = arith.constant 128 : i32
      %dma_start3A_911 = tpu.memref_slice %arg8[%add3A_874, %dma_start3A_910] : memref<819200x384xf32, #tpu.memory_space<hbm>> -> memref<128x128xf32, #tpu.memory_space<hbm>>
      %dma_start3A_912 = arith.constant 128 : i32
      %dma_start3A_913 = tpu.memref_slice %arg8[%add3A_874, %dma_start3A_912] : memref<819200x384xf32, #tpu.memory_space<hbm>> -> memref<128x128xf32, #tpu.memory_space<hbm>>
      %dma_start3A_914 = arith.constant 0 : i32
      %dma_start3A_915 = arith.constant 0 : i32
      %dma_start3A_916 = arith.constant 0 : i32
      %dma_start3A_917 = tpu.memref_slice %arg10[%dma_start3A_899, %dma_start3A_914, %dma_start3A_915, %dma_start3A_916] : memref<2x3x128x128xf32, #tpu.memory_space<vmem>> -> memref<1x3x128x128xf32, #tpu.memory_space<vmem>>
      %dma_start3A_918 = tpu.memref_squeeze %dma_start3A_917 : memref<1x3x128x128xf32, #tpu.memory_space<vmem>> -> memref<3x128x128xf32, #tpu.memory_space<vmem>>
      %dma_start3A_919 = arith.constant 0 : i32
      %dma_start3A_920 = arith.constant 0 : i32
      %dma_start3A_921 = tpu.memref_slice %dma_start3A_918[%dma_start3A_900, %dma_start3A_919, %dma_start3A_920] : memref<3x128x128xf32, #tpu.memory_space<vmem>> -> memref<1x128x128xf32, #tpu.memory_space<vmem>>
      %dma_start3A_922 = tpu.memref_squeeze %dma_start3A_921 : memref<1x128x128xf32, #tpu.memory_space<vmem>> -> memref<128x128xf32, #tpu.memory_space<vmem>>
      tpu.enqueue_dma source(%dma_start3A_922 : memref<128x128xf32, #tpu.memory_space<vmem>>) target(%dma_start3A_913 : memref<128x128xf32, #tpu.memory_space<hbm>>) target_semaphore(%arg13 : memref<!tpu.dma_semaphore, #tpu.memory_space<semaphore_mem>>)
      %dma_start3A_923 = arith.constant 0 : i32
      %dma_start3A_924 = arith.constant 2 : i32
      %dma_start3A_925 = arith.constant 0 : i32
      %dma_start3A_926 = arith.constant 0 : i32
      %dma_start3A_927 = arith.constant 0 : i32
      %dma_start3A_928 = tpu.memref_slice %arg10[%dma_start3A_923, %dma_start3A_925, %dma_start3A_926, %dma_start3A_927] : memref<2x3x128x128xf32, #tpu.memory_space<vmem>> -> memref<1x3x128x128xf32, #tpu.memory_space<vmem>>
      %dma_start3A_929 = tpu.memref_squeeze %dma_start3A_928 : memref<1x3x128x128xf32, #tpu.memory_space<vmem>> -> memref<3x128x128xf32, #tpu.memory_space<vmem>>
      %dma_start3A_930 = arith.constant 0 : i32
      %dma_start3A_931 = arith.constant 0 : i32
      %dma_start3A_932 = tpu.memref_slice %dma_start3A_929[%dma_start3A_924, %dma_start3A_930, %dma_start3A_931] : memref<3x128x128xf32, #tpu.memory_space<vmem>> -> memref<1x128x128xf32, #tpu.memory_space<vmem>>
      %dma_start3A_933 = tpu.memref_squeeze %dma_start3A_932 : memref<1x128x128xf32, #tpu.memory_space<vmem>> -> memref<128x128xf32, #tpu.memory_space<vmem>>
      %dma_start3A_934 = arith.constant 256 : i32
      %dma_start3A_935 = tpu.memref_slice %arg8[%add3A_874, %dma_start3A_934] : memref<819200x384xf32, #tpu.memory_space<hbm>> -> memref<128x128xf32, #tpu.memory_space<hbm>>
      %dma_start3A_936 = arith.constant 256 : i32
      %dma_start3A_937 = tpu.memref_slice %arg8[%add3A_874, %dma_start3A_936] : memref<819200x384xf32, #tpu.memory_space<hbm>> -> memref<128x128xf32, #tpu.memory_space<hbm>>
      %dma_start3A_938 = arith.constant 0 : i32
      %dma_start3A_939 = arith.constant 0 : i32
      %dma_start3A_940 = arith.constant 0 : i32
      %dma_start3A_941 = tpu.memref_slice %arg10[%dma_start3A_923, %dma_start3A_938, %dma_start3A_939, %dma_start3A_940] : memref<2x3x128x128xf32, #tpu.memory_space<vmem>> -> memref<1x3x128x128xf32, #tpu.memory_space<vmem>>
      %dma_start3A_942 = tpu.memref_squeeze %dma_start3A_941 : memref<1x3x128x128xf32, #tpu.memory_space<vmem>> -> memref<3x128x128xf32, #tpu.memory_space<vmem>>
      %dma_start3A_943 = arith.constant 0 : i32
      %dma_start3A_944 = arith.constant 0 : i32
      %dma_start3A_945 = tpu.memref_slice %dma_start3A_942[%dma_start3A_924, %dma_start3A_943, %dma_start3A_944] : memref<3x128x128xf32, #tpu.memory_space<vmem>> -> memref<1x128x128xf32, #tpu.memory_space<vmem>>
      %dma_start3A_946 = tpu.memref_squeeze %dma_start3A_945 : memref<1x128x128xf32, #tpu.memory_space<vmem>> -> memref<128x128xf32, #tpu.memory_space<vmem>>
      tpu.enqueue_dma source(%dma_start3A_946 : memref<128x128xf32, #tpu.memory_space<vmem>>) target(%dma_start3A_937 : memref<128x128xf32, #tpu.memory_space<hbm>>) target_semaphore(%arg13 : memref<!tpu.dma_semaphore, #tpu.memory_space<semaphore_mem>>)
      %add3A_947 = arith.constant 2 : i32
      %add3A_948 = arith.addi %add3A_802, %add3A_947 : i32
      %mul3A_949 = arith.constant 128 : i32
      %mul3A_950 = arith.muli %add3A_948, %mul3A_949 : i32
      %add3A_951 = arith.addi %mul3A_2, %mul3A_950 : i32
      %dma_start3A_952 = arith.constant 0 : i32
      %dma_start3A_953 = arith.constant 0 : i32
      %dma_start3A_954 = arith.constant 0 : i32
      %dma_start3A_955 = arith.constant 0 : i32
      %dma_start3A_956 = tpu.memref_slice %arg9[%dma_start3A_952, %dma_start3A_954, %dma_start3A_955] : memref<2x3x128xi32, #tpu.memory_space<vmem>> -> memref<1x3x128xi32, #tpu.memory_space<vmem>>
      %dma_start3A_957 = tpu.memref_squeeze %dma_start3A_956 : memref<1x3x128xi32, #tpu.memory_space<vmem>> -> memref<3x128xi32, #tpu.memory_space<vmem>>
      %dma_start3A_958 = arith.constant 0 : i32
      %dma_start3A_959 = tpu.memref_slice %dma_start3A_957[%dma_start3A_953, %dma_start3A_958] : memref<3x128xi32, #tpu.memory_space<vmem>> -> memref<1x128xi32, #tpu.memory_space<vmem>>
      %dma_start3A_960 = tpu.memref_squeeze %dma_start3A_959 : memref<1x128xi32, #tpu.memory_space<vmem>> -> memref<128xi32, #tpu.memory_space<vmem>>
      %dma_start3A_961 = tpu.memref_slice %arg2[%add3A_951] : memref<819200xi32, #tpu.memory_space<hbm>> -> memref<128xi32, #tpu.memory_space<hbm>>
      %dma_start3A_962 = arith.constant 0 : i32
      %dma_start3A_963 = arith.constant 0 : i32
      %dma_start3A_964 = tpu.memref_slice %arg9[%dma_start3A_952, %dma_start3A_962, %dma_start3A_963] : memref<2x3x128xi32, #tpu.memory_space<vmem>> -> memref<1x3x128xi32, #tpu.memory_space<vmem>>
      %dma_start3A_965 = tpu.memref_squeeze %dma_start3A_964 : memref<1x3x128xi32, #tpu.memory_space<vmem>> -> memref<3x128xi32, #tpu.memory_space<vmem>>
      %dma_start3A_966 = arith.constant 0 : i32
      %dma_start3A_967 = tpu.memref_slice %dma_start3A_965[%dma_start3A_953, %dma_start3A_966] : memref<3x128xi32, #tpu.memory_space<vmem>> -> memref<1x128xi32, #tpu.memory_space<vmem>>
      %dma_start3A_968 = tpu.memref_squeeze %dma_start3A_967 : memref<1x128xi32, #tpu.memory_space<vmem>> -> memref<128xi32, #tpu.memory_space<vmem>>
      %dma_start3A_969 = tpu.memref_slice %arg2[%add3A_951] : memref<819200xi32, #tpu.memory_space<hbm>> -> memref<128xi32, #tpu.memory_space<hbm>>
      tpu.enqueue_dma source(%dma_start3A_969 : memref<128xi32, #tpu.memory_space<hbm>>) target(%dma_start3A_968 : memref<128xi32, #tpu.memory_space<vmem>>) target_semaphore(%arg15 : memref<!tpu.dma_semaphore, #tpu.memory_space<semaphore_mem>>)
      %dma_start3A_970 = arith.constant 0 : i32
      %dma_start3A_971 = arith.constant 1 : i32
      %dma_start3A_972 = arith.constant 0 : i32
      %dma_start3A_973 = arith.constant 0 : i32
      %dma_start3A_974 = tpu.memref_slice %arg9[%dma_start3A_970, %dma_start3A_972, %dma_start3A_973] : memref<2x3x128xi32, #tpu.memory_space<vmem>> -> memref<1x3x128xi32, #tpu.memory_space<vmem>>
      %dma_start3A_975 = tpu.memref_squeeze %dma_start3A_974 : memref<1x3x128xi32, #tpu.memory_space<vmem>> -> memref<3x128xi32, #tpu.memory_space<vmem>>
      %dma_start3A_976 = arith.constant 0 : i32
      %dma_start3A_977 = tpu.memref_slice %dma_start3A_975[%dma_start3A_971, %dma_start3A_976] : memref<3x128xi32, #tpu.memory_space<vmem>> -> memref<1x128xi32, #tpu.memory_space<vmem>>
      %dma_start3A_978 = tpu.memref_squeeze %dma_start3A_977 : memref<1x128xi32, #tpu.memory_space<vmem>> -> memref<128xi32, #tpu.memory_space<vmem>>
      %dma_start3A_979 = tpu.memref_slice %arg3[%add3A_951] : memref<819200xi32, #tpu.memory_space<hbm>> -> memref<128xi32, #tpu.memory_space<hbm>>
      %dma_start3A_980 = arith.constant 0 : i32
      %dma_start3A_981 = arith.constant 0 : i32
      %dma_start3A_982 = tpu.memref_slice %arg9[%dma_start3A_970, %dma_start3A_980, %dma_start3A_981] : memref<2x3x128xi32, #tpu.memory_space<vmem>> -> memref<1x3x128xi32, #tpu.memory_space<vmem>>
      %dma_start3A_983 = tpu.memref_squeeze %dma_start3A_982 : memref<1x3x128xi32, #tpu.memory_space<vmem>> -> memref<3x128xi32, #tpu.memory_space<vmem>>
      %dma_start3A_984 = arith.constant 0 : i32
      %dma_start3A_985 = tpu.memref_slice %dma_start3A_983[%dma_start3A_971, %dma_start3A_984] : memref<3x128xi32, #tpu.memory_space<vmem>> -> memref<1x128xi32, #tpu.memory_space<vmem>>
      %dma_start3A_986 = tpu.memref_squeeze %dma_start3A_985 : memref<1x128xi32, #tpu.memory_space<vmem>> -> memref<128xi32, #tpu.memory_space<vmem>>
      %dma_start3A_987 = tpu.memref_slice %arg3[%add3A_951] : memref<819200xi32, #tpu.memory_space<hbm>> -> memref<128xi32, #tpu.memory_space<hbm>>
      tpu.enqueue_dma source(%dma_start3A_987 : memref<128xi32, #tpu.memory_space<hbm>>) target(%dma_start3A_986 : memref<128xi32, #tpu.memory_space<vmem>>) target_semaphore(%arg15 : memref<!tpu.dma_semaphore, #tpu.memory_space<semaphore_mem>>)
      %dma_start3A_988 = arith.constant 0 : i32
      %dma_start3A_989 = arith.constant 2 : i32
      %dma_start3A_990 = arith.constant 0 : i32
      %dma_start3A_991 = arith.constant 0 : i32
      %dma_start3A_992 = tpu.memref_slice %arg9[%dma_start3A_988, %dma_start3A_990, %dma_start3A_991] : memref<2x3x128xi32, #tpu.memory_space<vmem>> -> memref<1x3x128xi32, #tpu.memory_space<vmem>>
      %dma_start3A_993 = tpu.memref_squeeze %dma_start3A_992 : memref<1x3x128xi32, #tpu.memory_space<vmem>> -> memref<3x128xi32, #tpu.memory_space<vmem>>
      %dma_start3A_994 = arith.constant 0 : i32
      %dma_start3A_995 = tpu.memref_slice %dma_start3A_993[%dma_start3A_989, %dma_start3A_994] : memref<3x128xi32, #tpu.memory_space<vmem>> -> memref<1x128xi32, #tpu.memory_space<vmem>>
      %dma_start3A_996 = tpu.memref_squeeze %dma_start3A_995 : memref<1x128xi32, #tpu.memory_space<vmem>> -> memref<128xi32, #tpu.memory_space<vmem>>
      %dma_start3A_997 = tpu.memref_slice %arg4[%add3A_951] : memref<819200xi32, #tpu.memory_space<hbm>> -> memref<128xi32, #tpu.memory_space<hbm>>
      %dma_start3A_998 = arith.constant 0 : i32
      %dma_start3A_999 = arith.constant 0 : i32
      %dma_start3A_1000 = tpu.memref_slice %arg9[%dma_start3A_988, %dma_start3A_998, %dma_start3A_999] : memref<2x3x128xi32, #tpu.memory_space<vmem>> -> memref<1x3x128xi32, #tpu.memory_space<vmem>>
      %dma_start3A_1001 = tpu.memref_squeeze %dma_start3A_1000 : memref<1x3x128xi32, #tpu.memory_space<vmem>> -> memref<3x128xi32, #tpu.memory_space<vmem>>
      %dma_start3A_1002 = arith.constant 0 : i32
      %dma_start3A_1003 = tpu.memref_slice %dma_start3A_1001[%dma_start3A_989, %dma_start3A_1002] : memref<3x128xi32, #tpu.memory_space<vmem>> -> memref<1x128xi32, #tpu.memory_space<vmem>>
      %dma_start3A_1004 = tpu.memref_squeeze %dma_start3A_1003 : memref<1x128xi32, #tpu.memory_space<vmem>> -> memref<128xi32, #tpu.memory_space<vmem>>
      %dma_start3A_1005 = tpu.memref_slice %arg4[%add3A_951] : memref<819200xi32, #tpu.memory_space<hbm>> -> memref<128xi32, #tpu.memory_space<hbm>>
      tpu.enqueue_dma source(%dma_start3A_1005 : memref<128xi32, #tpu.memory_space<hbm>>) target(%dma_start3A_1004 : memref<128xi32, #tpu.memory_space<vmem>>) target_semaphore(%arg15 : memref<!tpu.dma_semaphore, #tpu.memory_space<semaphore_mem>>)
      %dma_wait3A_1006 = arith.constant 0 : i32
      %dma_wait3A_1007 = arith.constant 0 : i32
      %dma_wait3A_1008 = arith.constant 0 : i32
      %dma_wait3A_1009 = arith.constant 0 : i32
      %dma_wait3A_1010 = arith.constant 0 : i32
      %dma_wait3A_1011 = tpu.memref_slice %arg10[%dma_wait3A_1006, %dma_wait3A_1008, %dma_wait3A_1009, %dma_wait3A_1010] : memref<2x3x128x128xf32, #tpu.memory_space<vmem>> -> memref<1x3x128x128xf32, #tpu.memory_space<vmem>>
      %dma_wait3A_1012 = tpu.memref_squeeze %dma_wait3A_1011 : memref<1x3x128x128xf32, #tpu.memory_space<vmem>> -> memref<3x128x128xf32, #tpu.memory_space<vmem>>
      %dma_wait3A_1013 = arith.constant 0 : i32
      %dma_wait3A_1014 = arith.constant 0 : i32
      %dma_wait3A_1015 = tpu.memref_slice %dma_wait3A_1012[%dma_wait3A_1007, %dma_wait3A_1013, %dma_wait3A_1014] : memref<3x128x128xf32, #tpu.memory_space<vmem>> -> memref<1x128x128xf32, #tpu.memory_space<vmem>>
      %dma_wait3A_1016 = tpu.memref_squeeze %dma_wait3A_1015 : memref<1x128x128xf32, #tpu.memory_space<vmem>> -> memref<128x128xf32, #tpu.memory_space<vmem>>
      %dma_wait3A_1017 = arith.constant 0 : i32
      %dma_wait3A_1018 = tpu.memref_slice %arg8[%add3A_874, %dma_wait3A_1017] : memref<819200x384xf32, #tpu.memory_space<hbm>> -> memref<128x128xf32, #tpu.memory_space<hbm>>
      %dma_wait3A_1019 = arith.constant 0 : i32
      %dma_wait3A_1020 = tpu.memref_slice %arg8[%add3A_874, %dma_wait3A_1019] : memref<819200x384xf32, #tpu.memory_space<hbm>> -> memref<128x128xf32, #tpu.memory_space<hbm>>
      %dma_wait3A_1021 = arith.constant 0 : i32
      %dma_wait3A_1022 = arith.constant 0 : i32
      %dma_wait3A_1023 = arith.constant 0 : i32
      %dma_wait3A_1024 = tpu.memref_slice %arg10[%dma_wait3A_1006, %dma_wait3A_1021, %dma_wait3A_1022, %dma_wait3A_1023] : memref<2x3x128x128xf32, #tpu.memory_space<vmem>> -> memref<1x3x128x128xf32, #tpu.memory_space<vmem>>
      %dma_wait3A_1025 = tpu.memref_squeeze %dma_wait3A_1024 : memref<1x3x128x128xf32, #tpu.memory_space<vmem>> -> memref<3x128x128xf32, #tpu.memory_space<vmem>>
      %dma_wait3A_1026 = arith.constant 0 : i32
      %dma_wait3A_1027 = arith.constant 0 : i32
      %dma_wait3A_1028 = tpu.memref_slice %dma_wait3A_1025[%dma_wait3A_1007, %dma_wait3A_1026, %dma_wait3A_1027] : memref<3x128x128xf32, #tpu.memory_space<vmem>> -> memref<1x128x128xf32, #tpu.memory_space<vmem>>
      %dma_wait3A_1029 = tpu.memref_squeeze %dma_wait3A_1028 : memref<1x128x128xf32, #tpu.memory_space<vmem>> -> memref<128x128xf32, #tpu.memory_space<vmem>>
      tpu.wait_dma2 semaphore(%arg13 : memref<!tpu.dma_semaphore, #tpu.memory_space<semaphore_mem>>) src(%dma_wait3A_1029 : memref<128x128xf32, #tpu.memory_space<vmem>>) dst(%dma_wait3A_1020 : memref<128x128xf32, #tpu.memory_space<hbm>>)
      %dma_wait3A_1030 = arith.constant 0 : i32
      %dma_wait3A_1031 = arith.constant 1 : i32
      %dma_wait3A_1032 = arith.constant 0 : i32
      %dma_wait3A_1033 = arith.constant 0 : i32
      %dma_wait3A_1034 = arith.constant 0 : i32
      %dma_wait3A_1035 = tpu.memref_slice %arg10[%dma_wait3A_1030, %dma_wait3A_1032, %dma_wait3A_1033, %dma_wait3A_1034] : memref<2x3x128x128xf32, #tpu.memory_space<vmem>> -> memref<1x3x128x128xf32, #tpu.memory_space<vmem>>
      %dma_wait3A_1036 = tpu.memref_squeeze %dma_wait3A_1035 : memref<1x3x128x128xf32, #tpu.memory_space<vmem>> -> memref<3x128x128xf32, #tpu.memory_space<vmem>>
      %dma_wait3A_1037 = arith.constant 0 : i32
      %dma_wait3A_1038 = arith.constant 0 : i32
      %dma_wait3A_1039 = tpu.memref_slice %dma_wait3A_1036[%dma_wait3A_1031, %dma_wait3A_1037, %dma_wait3A_1038] : memref<3x128x128xf32, #tpu.memory_space<vmem>> -> memref<1x128x128xf32, #tpu.memory_space<vmem>>
      %dma_wait3A_1040 = tpu.memref_squeeze %dma_wait3A_1039 : memref<1x128x128xf32, #tpu.memory_space<vmem>> -> memref<128x128xf32, #tpu.memory_space<vmem>>
      %dma_wait3A_1041 = arith.constant 128 : i32
      %dma_wait3A_1042 = tpu.memref_slice %arg8[%add3A_874, %dma_wait3A_1041] : memref<819200x384xf32, #tpu.memory_space<hbm>> -> memref<128x128xf32, #tpu.memory_space<hbm>>
      %dma_wait3A_1043 = arith.constant 128 : i32
      %dma_wait3A_1044 = tpu.memref_slice %arg8[%add3A_874, %dma_wait3A_1043] : memref<819200x384xf32, #tpu.memory_space<hbm>> -> memref<128x128xf32, #tpu.memory_space<hbm>>
      %dma_wait3A_1045 = arith.constant 0 : i32
      %dma_wait3A_1046 = arith.constant 0 : i32
      %dma_wait3A_1047 = arith.constant 0 : i32
      %dma_wait3A_1048 = tpu.memref_slice %arg10[%dma_wait3A_1030, %dma_wait3A_1045, %dma_wait3A_1046, %dma_wait3A_1047] : memref<2x3x128x128xf32, #tpu.memory_space<vmem>> -> memref<1x3x128x128xf32, #tpu.memory_space<vmem>>
      %dma_wait3A_1049 = tpu.memref_squeeze %dma_wait3A_1048 : memref<1x3x128x128xf32, #tpu.memory_space<vmem>> -> memref<3x128x128xf32, #tpu.memory_space<vmem>>
      %dma_wait3A_1050 = arith.constant 0 : i32
      %dma_wait3A_1051 = arith.constant 0 : i32
      %dma_wait3A_1052 = tpu.memref_slice %dma_wait3A_1049[%dma_wait3A_1031, %dma_wait3A_1050, %dma_wait3A_1051] : memref<3x128x128xf32, #tpu.memory_space<vmem>> -> memref<1x128x128xf32, #tpu.memory_space<vmem>>
      %dma_wait3A_1053 = tpu.memref_squeeze %dma_wait3A_1052 : memref<1x128x128xf32, #tpu.memory_space<vmem>> -> memref<128x128xf32, #tpu.memory_space<vmem>>
      tpu.wait_dma2 semaphore(%arg13 : memref<!tpu.dma_semaphore, #tpu.memory_space<semaphore_mem>>) src(%dma_wait3A_1053 : memref<128x128xf32, #tpu.memory_space<vmem>>) dst(%dma_wait3A_1044 : memref<128x128xf32, #tpu.memory_space<hbm>>)
      %dma_wait3A_1054 = arith.constant 0 : i32
      %dma_wait3A_1055 = arith.constant 2 : i32
      %dma_wait3A_1056 = arith.constant 0 : i32
      %dma_wait3A_1057 = arith.constant 0 : i32
      %dma_wait3A_1058 = arith.constant 0 : i32
      %dma_wait3A_1059 = tpu.memref_slice %arg10[%dma_wait3A_1054, %dma_wait3A_1056, %dma_wait3A_1057, %dma_wait3A_1058] : memref<2x3x128x128xf32, #tpu.memory_space<vmem>> -> memref<1x3x128x128xf32, #tpu.memory_space<vmem>>
      %dma_wait3A_1060 = tpu.memref_squeeze %dma_wait3A_1059 : memref<1x3x128x128xf32, #tpu.memory_space<vmem>> -> memref<3x128x128xf32, #tpu.memory_space<vmem>>
      %dma_wait3A_1061 = arith.constant 0 : i32
      %dma_wait3A_1062 = arith.constant 0 : i32
      %dma_wait3A_1063 = tpu.memref_slice %dma_wait3A_1060[%dma_wait3A_1055, %dma_wait3A_1061, %dma_wait3A_1062] : memref<3x128x128xf32, #tpu.memory_space<vmem>> -> memref<1x128x128xf32, #tpu.memory_space<vmem>>
      %dma_wait3A_1064 = tpu.memref_squeeze %dma_wait3A_1063 : memref<1x128x128xf32, #tpu.memory_space<vmem>> -> memref<128x128xf32, #tpu.memory_space<vmem>>
      %dma_wait3A_1065 = arith.constant 256 : i32
      %dma_wait3A_1066 = tpu.memref_slice %arg8[%add3A_874, %dma_wait3A_1065] : memref<819200x384xf32, #tpu.memory_space<hbm>> -> memref<128x128xf32, #tpu.memory_space<hbm>>
      %dma_wait3A_1067 = arith.constant 256 : i32
      %dma_wait3A_1068 = tpu.memref_slice %arg8[%add3A_874, %dma_wait3A_1067] : memref<819200x384xf32, #tpu.memory_space<hbm>> -> memref<128x128xf32, #tpu.memory_space<hbm>>
      %dma_wait3A_1069 = arith.constant 0 : i32
      %dma_wait3A_1070 = arith.constant 0 : i32
      %dma_wait3A_1071 = arith.constant 0 : i32
      %dma_wait3A_1072 = tpu.memref_slice %arg10[%dma_wait3A_1054, %dma_wait3A_1069, %dma_wait3A_1070, %dma_wait3A_1071] : memref<2x3x128x128xf32, #tpu.memory_space<vmem>> -> memref<1x3x128x128xf32, #tpu.memory_space<vmem>>
      %dma_wait3A_1073 = tpu.memref_squeeze %dma_wait3A_1072 : memref<1x3x128x128xf32, #tpu.memory_space<vmem>> -> memref<3x128x128xf32, #tpu.memory_space<vmem>>
      %dma_wait3A_1074 = arith.constant 0 : i32
      %dma_wait3A_1075 = arith.constant 0 : i32
      %dma_wait3A_1076 = tpu.memref_slice %dma_wait3A_1073[%dma_wait3A_1055, %dma_wait3A_1074, %dma_wait3A_1075] : memref<3x128x128xf32, #tpu.memory_space<vmem>> -> memref<1x128x128xf32, #tpu.memory_space<vmem>>
      %dma_wait3A_1077 = tpu.memref_squeeze %dma_wait3A_1076 : memref<1x128x128xf32, #tpu.memory_space<vmem>> -> memref<128x128xf32, #tpu.memory_space<vmem>>
      tpu.wait_dma2 semaphore(%arg13 : memref<!tpu.dma_semaphore, #tpu.memory_space<semaphore_mem>>) src(%dma_wait3A_1077 : memref<128x128xf32, #tpu.memory_space<vmem>>) dst(%dma_wait3A_1068 : memref<128x128xf32, #tpu.memory_space<hbm>>)
      %add3A_1078 = arith.constant 2 : i32
      %add3A_1079 = arith.addi %add3A_802, %add3A_1078 : i32
      %mul3A_1080 = arith.constant 128 : i32
      %mul3A_1081 = arith.muli %add3A_1079, %mul3A_1080 : i32
      %add3A_1082 = arith.addi %mul3A_2, %mul3A_1081 : i32
      %dma_wait3A_1083 = arith.constant 0 : i32
      %dma_wait3A_1084 = arith.constant 0 : i32
      %dma_wait3A_1085 = arith.constant 0 : i32
      %dma_wait3A_1086 = arith.constant 0 : i32
      %dma_wait3A_1087 = tpu.memref_slice %arg9[%dma_wait3A_1083, %dma_wait3A_1085, %dma_wait3A_1086] : memref<2x3x128xi32, #tpu.memory_space<vmem>> -> memref<1x3x128xi32, #tpu.memory_space<vmem>>
      %dma_wait3A_1088 = tpu.memref_squeeze %dma_wait3A_1087 : memref<1x3x128xi32, #tpu.memory_space<vmem>> -> memref<3x128xi32, #tpu.memory_space<vmem>>
      %dma_wait3A_1089 = arith.constant 0 : i32
      %dma_wait3A_1090 = tpu.memref_slice %dma_wait3A_1088[%dma_wait3A_1084, %dma_wait3A_1089] : memref<3x128xi32, #tpu.memory_space<vmem>> -> memref<1x128xi32, #tpu.memory_space<vmem>>
      %dma_wait3A_1091 = tpu.memref_squeeze %dma_wait3A_1090 : memref<1x128xi32, #tpu.memory_space<vmem>> -> memref<128xi32, #tpu.memory_space<vmem>>
      %dma_wait3A_1092 = tpu.memref_slice %arg2[%add3A_1082] : memref<819200xi32, #tpu.memory_space<hbm>> -> memref<128xi32, #tpu.memory_space<hbm>>
      %dma_wait3A_1093 = arith.constant 0 : i32
      %dma_wait3A_1094 = arith.constant 0 : i32
      %dma_wait3A_1095 = tpu.memref_slice %arg9[%dma_wait3A_1083, %dma_wait3A_1093, %dma_wait3A_1094] : memref<2x3x128xi32, #tpu.memory_space<vmem>> -> memref<1x3x128xi32, #tpu.memory_space<vmem>>
      %dma_wait3A_1096 = tpu.memref_squeeze %dma_wait3A_1095 : memref<1x3x128xi32, #tpu.memory_space<vmem>> -> memref<3x128xi32, #tpu.memory_space<vmem>>
      %dma_wait3A_1097 = arith.constant 0 : i32
      %dma_wait3A_1098 = tpu.memref_slice %dma_wait3A_1096[%dma_wait3A_1084, %dma_wait3A_1097] : memref<3x128xi32, #tpu.memory_space<vmem>> -> memref<1x128xi32, #tpu.memory_space<vmem>>
      %dma_wait3A_1099 = tpu.memref_squeeze %dma_wait3A_1098 : memref<1x128xi32, #tpu.memory_space<vmem>> -> memref<128xi32, #tpu.memory_space<vmem>>
      %dma_wait3A_1100 = tpu.memref_slice %arg2[%add3A_1082] : memref<819200xi32, #tpu.memory_space<hbm>> -> memref<128xi32, #tpu.memory_space<hbm>>
      tpu.wait_dma2 semaphore(%arg15 : memref<!tpu.dma_semaphore, #tpu.memory_space<semaphore_mem>>) src(%dma_wait3A_1100 : memref<128xi32, #tpu.memory_space<hbm>>) dst(%dma_wait3A_1099 : memref<128xi32, #tpu.memory_space<vmem>>)
      %dma_wait3A_1101 = arith.constant 0 : i32
      %dma_wait3A_1102 = arith.constant 1 : i32
      %dma_wait3A_1103 = arith.constant 0 : i32
      %dma_wait3A_1104 = arith.constant 0 : i32
      %dma_wait3A_1105 = tpu.memref_slice %arg9[%dma_wait3A_1101, %dma_wait3A_1103, %dma_wait3A_1104] : memref<2x3x128xi32, #tpu.memory_space<vmem>> -> memref<1x3x128xi32, #tpu.memory_space<vmem>>
      %dma_wait3A_1106 = tpu.memref_squeeze %dma_wait3A_1105 : memref<1x3x128xi32, #tpu.memory_space<vmem>> -> memref<3x128xi32, #tpu.memory_space<vmem>>
      %dma_wait3A_1107 = arith.constant 0 : i32
      %dma_wait3A_1108 = tpu.memref_slice %dma_wait3A_1106[%dma_wait3A_1102, %dma_wait3A_1107] : memref<3x128xi32, #tpu.memory_space<vmem>> -> memref<1x128xi32, #tpu.memory_space<vmem>>
      %dma_wait3A_1109 = tpu.memref_squeeze %dma_wait3A_1108 : memref<1x128xi32, #tpu.memory_space<vmem>> -> memref<128xi32, #tpu.memory_space<vmem>>
      %dma_wait3A_1110 = tpu.memref_slice %arg3[%add3A_1082] : memref<819200xi32, #tpu.memory_space<hbm>> -> memref<128xi32, #tpu.memory_space<hbm>>
      %dma_wait3A_1111 = arith.constant 0 : i32
      %dma_wait3A_1112 = arith.constant 0 : i32
      %dma_wait3A_1113 = tpu.memref_slice %arg9[%dma_wait3A_1101, %dma_wait3A_1111, %dma_wait3A_1112] : memref<2x3x128xi32, #tpu.memory_space<vmem>> -> memref<1x3x128xi32, #tpu.memory_space<vmem>>
      %dma_wait3A_1114 = tpu.memref_squeeze %dma_wait3A_1113 : memref<1x3x128xi32, #tpu.memory_space<vmem>> -> memref<3x128xi32, #tpu.memory_space<vmem>>
      %dma_wait3A_1115 = arith.constant 0 : i32
      %dma_wait3A_1116 = tpu.memref_slice %dma_wait3A_1114[%dma_wait3A_1102, %dma_wait3A_1115] : memref<3x128xi32, #tpu.memory_space<vmem>> -> memref<1x128xi32, #tpu.memory_space<vmem>>
      %dma_wait3A_1117 = tpu.memref_squeeze %dma_wait3A_1116 : memref<1x128xi32, #tpu.memory_space<vmem>> -> memref<128xi32, #tpu.memory_space<vmem>>
      %dma_wait3A_1118 = tpu.memref_slice %arg3[%add3A_1082] : memref<819200xi32, #tpu.memory_space<hbm>> -> memref<128xi32, #tpu.memory_space<hbm>>
      tpu.wait_dma2 semaphore(%arg15 : memref<!tpu.dma_semaphore, #tpu.memory_space<semaphore_mem>>) src(%dma_wait3A_1118 : memref<128xi32, #tpu.memory_space<hbm>>) dst(%dma_wait3A_1117 : memref<128xi32, #tpu.memory_space<vmem>>)
      %dma_wait3A_1119 = arith.constant 0 : i32
      %dma_wait3A_1120 = arith.constant 2 : i32
      %dma_wait3A_1121 = arith.constant 0 : i32
      %dma_wait3A_1122 = arith.constant 0 : i32
      %dma_wait3A_1123 = tpu.memref_slice %arg9[%dma_wait3A_1119, %dma_wait3A_1121, %dma_wait3A_1122] : memref<2x3x128xi32, #tpu.memory_space<vmem>> -> memref<1x3x128xi32, #tpu.memory_space<vmem>>
      %dma_wait3A_1124 = tpu.memref_squeeze %dma_wait3A_1123 : memref<1x3x128xi32, #tpu.memory_space<vmem>> -> memref<3x128xi32, #tpu.memory_space<vmem>>
      %dma_wait3A_1125 = arith.constant 0 : i32
      %dma_wait3A_1126 = tpu.memref_slice %dma_wait3A_1124[%dma_wait3A_1120, %dma_wait3A_1125] : memref<3x128xi32, #tpu.memory_space<vmem>> -> memref<1x128xi32, #tpu.memory_space<vmem>>
      %dma_wait3A_1127 = tpu.memref_squeeze %dma_wait3A_1126 : memref<1x128xi32, #tpu.memory_space<vmem>> -> memref<128xi32, #tpu.memory_space<vmem>>
      %dma_wait3A_1128 = tpu.memref_slice %arg4[%add3A_1082] : memref<819200xi32, #tpu.memory_space<hbm>> -> memref<128xi32, #tpu.memory_space<hbm>>
      %dma_wait3A_1129 = arith.constant 0 : i32
      %dma_wait3A_1130 = arith.constant 0 : i32
      %dma_wait3A_1131 = tpu.memref_slice %arg9[%dma_wait3A_1119, %dma_wait3A_1129, %dma_wait3A_1130] : memref<2x3x128xi32, #tpu.memory_space<vmem>> -> memref<1x3x128xi32, #tpu.memory_space<vmem>>
      %dma_wait3A_1132 = tpu.memref_squeeze %dma_wait3A_1131 : memref<1x3x128xi32, #tpu.memory_space<vmem>> -> memref<3x128xi32, #tpu.memory_space<vmem>>
      %dma_wait3A_1133 = arith.constant 0 : i32
      %dma_wait3A_1134 = tpu.memref_slice %dma_wait3A_1132[%dma_wait3A_1120, %dma_wait3A_1133] : memref<3x128xi32, #tpu.memory_space<vmem>> -> memref<1x128xi32, #tpu.memory_space<vmem>>
      %dma_wait3A_1135 = tpu.memref_squeeze %dma_wait3A_1134 : memref<1x128xi32, #tpu.memory_space<vmem>> -> memref<128xi32, #tpu.memory_space<vmem>>
      %dma_wait3A_1136 = tpu.memref_slice %arg4[%add3A_1082] : memref<819200xi32, #tpu.memory_space<hbm>> -> memref<128xi32, #tpu.memory_space<hbm>>
      tpu.wait_dma2 semaphore(%arg15 : memref<!tpu.dma_semaphore, #tpu.memory_space<semaphore_mem>>) src(%dma_wait3A_1136 : memref<128xi32, #tpu.memory_space<hbm>>) dst(%dma_wait3A_1135 : memref<128xi32, #tpu.memory_space<vmem>>)
      %dma_start3A_1137 = arith.constant 0 : i32
      %dma_start3A_1138 = arith.constant 0 : i32
      %dma_start3A_1139 = arith.constant 0 : i32
      %dma_start3A_1140 = arith.constant 0 : i32
      %dma_start3A_1141 = arith.constant 0 : i32
      %dma_start3A_1142 = arith.constant 0 : i32
      %dma_start3A_1143 = arith.constant 0 : i32
      %dma_start3A_1144 = tpu.memref_slice %arg10[%dma_start3A_1139, %dma_start3A_1141, %dma_start3A_1142, %dma_start3A_1143] : memref<2x3x128x128xf32, #tpu.memory_space<vmem>> -> memref<1x3x128x128xf32, #tpu.memory_space<vmem>>
      %dma_start3A_1145 = tpu.memref_squeeze %dma_start3A_1144 : memref<1x3x128x128xf32, #tpu.memory_space<vmem>> -> memref<3x128x128xf32, #tpu.memory_space<vmem>>
      %dma_start3A_1146 = arith.constant 0 : i32
      %dma_start3A_1147 = arith.constant 0 : i32
      %dma_start3A_1148 = tpu.memref_slice %dma_start3A_1145[%dma_start3A_1140, %dma_start3A_1146, %dma_start3A_1147] : memref<3x128x128xf32, #tpu.memory_space<vmem>> -> memref<1x128x128xf32, #tpu.memory_space<vmem>>
      %dma_start3A_1149 = tpu.memref_squeeze %dma_start3A_1148 : memref<1x128x128xf32, #tpu.memory_space<vmem>> -> memref<128x128xf32, #tpu.memory_space<vmem>>
      %dma_start3A_1150 = arith.constant 0 : i32
      %dma_start3A_1151 = arith.constant 0 : i32
      %dma_start3A_1152 = tpu.memref_slice %arg9[%dma_start3A_1137, %dma_start3A_1150, %dma_start3A_1151] : memref<2x3x128xi32, #tpu.memory_space<vmem>> -> memref<1x3x128xi32, #tpu.memory_space<vmem>>
      %dma_start3A_1153 = tpu.memref_squeeze %dma_start3A_1152 : memref<1x3x128xi32, #tpu.memory_space<vmem>> -> memref<3x128xi32, #tpu.memory_space<vmem>>
      %dma_start3A_1154 = arith.constant 0 : i32
      %dma_start3A_1155 = tpu.memref_slice %dma_start3A_1153[%dma_start3A_1138, %dma_start3A_1154] : memref<3x128xi32, #tpu.memory_space<vmem>> -> memref<1x128xi32, #tpu.memory_space<vmem>>
      %dma_start3A_1156 = tpu.memref_squeeze %dma_start3A_1155 : memref<1x128xi32, #tpu.memory_space<vmem>> -> memref<128xi32, #tpu.memory_space<vmem>>
      %dma_start3A_1157 = arith.constant 0 : i32
      %dma_start3A_1158 = arith.constant 0 : i32
      %dma_start3A_1159 = tpu.memref_slice %arg5[%dma_start3A_1157, %dma_start3A_1158] : memref<361x128xf32, #tpu.memory_space<hbm>> -> memref<361x128xf32, #tpu.memory_space<hbm>>
      tpu.enqueue_indirect_dma source(%dma_start3A_1159 : memref<361x128xf32, #tpu.memory_space<hbm>>) target(%dma_start3A_1149 : memref<128x128xf32, #tpu.memory_space<vmem>>) offsets(%dma_start3A_1156 : memref<128xi32, #tpu.memory_space<vmem>>) semaphore(%arg11 : memref<!tpu.dma_semaphore, #tpu.memory_space<semaphore_mem>>)
      %dma_start3A_1160 = arith.constant 0 : i32
      %dma_start3A_1161 = arith.constant 1 : i32
      %dma_start3A_1162 = arith.constant 0 : i32
      %dma_start3A_1163 = arith.constant 1 : i32
      %dma_start3A_1164 = arith.constant 0 : i32
      %dma_start3A_1165 = arith.constant 0 : i32
      %dma_start3A_1166 = arith.constant 0 : i32
      %dma_start3A_1167 = tpu.memref_slice %arg10[%dma_start3A_1162, %dma_start3A_1164, %dma_start3A_1165, %dma_start3A_1166] : memref<2x3x128x128xf32, #tpu.memory_space<vmem>> -> memref<1x3x128x128xf32, #tpu.memory_space<vmem>>
      %dma_start3A_1168 = tpu.memref_squeeze %dma_start3A_1167 : memref<1x3x128x128xf32, #tpu.memory_space<vmem>> -> memref<3x128x128xf32, #tpu.memory_space<vmem>>
      %dma_start3A_1169 = arith.constant 0 : i32
      %dma_start3A_1170 = arith.constant 0 : i32
      %dma_start3A_1171 = tpu.memref_slice %dma_start3A_1168[%dma_start3A_1163, %dma_start3A_1169, %dma_start3A_1170] : memref<3x128x128xf32, #tpu.memory_space<vmem>> -> memref<1x128x128xf32, #tpu.memory_space<vmem>>
      %dma_start3A_1172 = tpu.memref_squeeze %dma_start3A_1171 : memref<1x128x128xf32, #tpu.memory_space<vmem>> -> memref<128x128xf32, #tpu.memory_space<vmem>>
      %dma_start3A_1173 = arith.constant 0 : i32
      %dma_start3A_1174 = arith.constant 0 : i32
      %dma_start3A_1175 = tpu.memref_slice %arg9[%dma_start3A_1160, %dma_start3A_1173, %dma_start3A_1174] : memref<2x3x128xi32, #tpu.memory_space<vmem>> -> memref<1x3x128xi32, #tpu.memory_space<vmem>>
      %dma_start3A_1176 = tpu.memref_squeeze %dma_start3A_1175 : memref<1x3x128xi32, #tpu.memory_space<vmem>> -> memref<3x128xi32, #tpu.memory_space<vmem>>
      %dma_start3A_1177 = arith.constant 0 : i32
      %dma_start3A_1178 = tpu.memref_slice %dma_start3A_1176[%dma_start3A_1161, %dma_start3A_1177] : memref<3x128xi32, #tpu.memory_space<vmem>> -> memref<1x128xi32, #tpu.memory_space<vmem>>
      %dma_start3A_1179 = tpu.memref_squeeze %dma_start3A_1178 : memref<1x128xi32, #tpu.memory_space<vmem>> -> memref<128xi32, #tpu.memory_space<vmem>>
      %dma_start3A_1180 = arith.constant 0 : i32
      %dma_start3A_1181 = arith.constant 0 : i32
      %dma_start3A_1182 = tpu.memref_slice %arg6[%dma_start3A_1180, %dma_start3A_1181] : memref<361x128xf32, #tpu.memory_space<hbm>> -> memref<361x128xf32, #tpu.memory_space<hbm>>
      tpu.enqueue_indirect_dma source(%dma_start3A_1182 : memref<361x128xf32, #tpu.memory_space<hbm>>) target(%dma_start3A_1172 : memref<128x128xf32, #tpu.memory_space<vmem>>) offsets(%dma_start3A_1179 : memref<128xi32, #tpu.memory_space<vmem>>) semaphore(%arg11 : memref<!tpu.dma_semaphore, #tpu.memory_space<semaphore_mem>>)
      %dma_start3A_1183 = arith.constant 0 : i32
      %dma_start3A_1184 = arith.constant 2 : i32
      %dma_start3A_1185 = arith.constant 0 : i32
      %dma_start3A_1186 = arith.constant 2 : i32
      %dma_start3A_1187 = arith.constant 0 : i32
      %dma_start3A_1188 = arith.constant 0 : i32
      %dma_start3A_1189 = arith.constant 0 : i32
      %dma_start3A_1190 = tpu.memref_slice %arg10[%dma_start3A_1185, %dma_start3A_1187, %dma_start3A_1188, %dma_start3A_1189] : memref<2x3x128x128xf32, #tpu.memory_space<vmem>> -> memref<1x3x128x128xf32, #tpu.memory_space<vmem>>
      %dma_start3A_1191 = tpu.memref_squeeze %dma_start3A_1190 : memref<1x3x128x128xf32, #tpu.memory_space<vmem>> -> memref<3x128x128xf32, #tpu.memory_space<vmem>>
      %dma_start3A_1192 = arith.constant 0 : i32
      %dma_start3A_1193 = arith.constant 0 : i32
      %dma_start3A_1194 = tpu.memref_slice %dma_start3A_1191[%dma_start3A_1186, %dma_start3A_1192, %dma_start3A_1193] : memref<3x128x128xf32, #tpu.memory_space<vmem>> -> memref<1x128x128xf32, #tpu.memory_space<vmem>>
      %dma_start3A_1195 = tpu.memref_squeeze %dma_start3A_1194 : memref<1x128x128xf32, #tpu.memory_space<vmem>> -> memref<128x128xf32, #tpu.memory_space<vmem>>
      %dma_start3A_1196 = arith.constant 0 : i32
      %dma_start3A_1197 = arith.constant 0 : i32
      %dma_start3A_1198 = tpu.memref_slice %arg9[%dma_start3A_1183, %dma_start3A_1196, %dma_start3A_1197] : memref<2x3x128xi32, #tpu.memory_space<vmem>> -> memref<1x3x128xi32, #tpu.memory_space<vmem>>
      %dma_start3A_1199 = tpu.memref_squeeze %dma_start3A_1198 : memref<1x3x128xi32, #tpu.memory_space<vmem>> -> memref<3x128xi32, #tpu.memory_space<vmem>>
      %dma_start3A_1200 = arith.constant 0 : i32
      %dma_start3A_1201 = tpu.memref_slice %dma_start3A_1199[%dma_start3A_1184, %dma_start3A_1200] : memref<3x128xi32, #tpu.memory_space<vmem>> -> memref<1x128xi32, #tpu.memory_space<vmem>>
      %dma_start3A_1202 = tpu.memref_squeeze %dma_start3A_1201 : memref<1x128xi32, #tpu.memory_space<vmem>> -> memref<128xi32, #tpu.memory_space<vmem>>
      %dma_start3A_1203 = arith.constant 0 : i32
      %dma_start3A_1204 = arith.constant 0 : i32
      %dma_start3A_1205 = tpu.memref_slice %arg7[%dma_start3A_1203, %dma_start3A_1204] : memref<361x128xf32, #tpu.memory_space<hbm>> -> memref<361x128xf32, #tpu.memory_space<hbm>>
      tpu.enqueue_indirect_dma source(%dma_start3A_1205 : memref<361x128xf32, #tpu.memory_space<hbm>>) target(%dma_start3A_1195 : memref<128x128xf32, #tpu.memory_space<vmem>>) offsets(%dma_start3A_1202 : memref<128xi32, #tpu.memory_space<vmem>>) semaphore(%arg11 : memref<!tpu.dma_semaphore, #tpu.memory_space<semaphore_mem>>)
      %mul3A_1206 = arith.constant 2 : i32
      %mul3A_1207 = arith.muli %mul3A_1206, %scan3A_798 : i32
      %add3A_1208 = arith.constant 1 : i32
      %add3A_1209 = arith.addi %mul3A_1207, %add3A_1208 : i32
      %dma_wait3A_1210 = arith.constant 1 : i32
      %dma_wait3A_1211 = arith.constant 0 : i32
      %dma_wait3A_1212 = arith.constant 1 : i32
      %dma_wait3A_1213 = arith.constant 0 : i32
      %dma_wait3A_1214 = arith.constant 0 : i32
      %dma_wait3A_1215 = arith.constant 0 : i32
      %dma_wait3A_1216 = arith.constant 0 : i32
      %dma_wait3A_1217 = tpu.memref_slice %arg10[%dma_wait3A_1212, %dma_wait3A_1214, %dma_wait3A_1215, %dma_wait3A_1216] : memref<2x3x128x128xf32, #tpu.memory_space<vmem>> -> memref<1x3x128x128xf32, #tpu.memory_space<vmem>>
      %dma_wait3A_1218 = tpu.memref_squeeze %dma_wait3A_1217 : memref<1x3x128x128xf32, #tpu.memory_space<vmem>> -> memref<3x128x128xf32, #tpu.memory_space<vmem>>
      %dma_wait3A_1219 = arith.constant 0 : i32
      %dma_wait3A_1220 = arith.constant 0 : i32
      %dma_wait3A_1221 = tpu.memref_slice %dma_wait3A_1218[%dma_wait3A_1213, %dma_wait3A_1219, %dma_wait3A_1220] : memref<3x128x128xf32, #tpu.memory_space<vmem>> -> memref<1x128x128xf32, #tpu.memory_space<vmem>>
      %dma_wait3A_1222 = tpu.memref_squeeze %dma_wait3A_1221 : memref<1x128x128xf32, #tpu.memory_space<vmem>> -> memref<128x128xf32, #tpu.memory_space<vmem>>
      %dma_wait3A_1223 = arith.constant 0 : i32
      %dma_wait3A_1224 = arith.constant 0 : i32
      %dma_wait3A_1225 = tpu.memref_slice %arg9[%dma_wait3A_1210, %dma_wait3A_1223, %dma_wait3A_1224] : memref<2x3x128xi32, #tpu.memory_space<vmem>> -> memref<1x3x128xi32, #tpu.memory_space<vmem>>
      %dma_wait3A_1226 = tpu.memref_squeeze %dma_wait3A_1225 : memref<1x3x128xi32, #tpu.memory_space<vmem>> -> memref<3x128xi32, #tpu.memory_space<vmem>>
      %dma_wait3A_1227 = arith.constant 0 : i32
      %dma_wait3A_1228 = tpu.memref_slice %dma_wait3A_1226[%dma_wait3A_1211, %dma_wait3A_1227] : memref<3x128xi32, #tpu.memory_space<vmem>> -> memref<1x128xi32, #tpu.memory_space<vmem>>
      %dma_wait3A_1229 = tpu.memref_squeeze %dma_wait3A_1228 : memref<1x128xi32, #tpu.memory_space<vmem>> -> memref<128xi32, #tpu.memory_space<vmem>>
      %dma_wait3A_1230 = arith.constant 0 : i32
      %dma_wait3A_1231 = arith.constant 0 : i32
      %dma_wait3A_1232 = tpu.memref_slice %arg5[%dma_wait3A_1230, %dma_wait3A_1231] : memref<361x128xf32, #tpu.memory_space<hbm>> -> memref<361x128xf32, #tpu.memory_space<hbm>>
      tpu.wait_indirect_dma semaphore(%arg12 : memref<!tpu.dma_semaphore, #tpu.memory_space<semaphore_mem>>) src(%dma_wait3A_1232 : memref<361x128xf32, #tpu.memory_space<hbm>>) dst(%dma_wait3A_1222 : memref<128x128xf32, #tpu.memory_space<vmem>>)
      %dma_wait3A_1233 = arith.constant 1 : i32
      %dma_wait3A_1234 = arith.constant 1 : i32
      %dma_wait3A_1235 = arith.constant 1 : i32
      %dma_wait3A_1236 = arith.constant 1 : i32
      %dma_wait3A_1237 = arith.constant 0 : i32
      %dma_wait3A_1238 = arith.constant 0 : i32
      %dma_wait3A_1239 = arith.constant 0 : i32
      %dma_wait3A_1240 = tpu.memref_slice %arg10[%dma_wait3A_1235, %dma_wait3A_1237, %dma_wait3A_1238, %dma_wait3A_1239] : memref<2x3x128x128xf32, #tpu.memory_space<vmem>> -> memref<1x3x128x128xf32, #tpu.memory_space<vmem>>
      %dma_wait3A_1241 = tpu.memref_squeeze %dma_wait3A_1240 : memref<1x3x128x128xf32, #tpu.memory_space<vmem>> -> memref<3x128x128xf32, #tpu.memory_space<vmem>>
      %dma_wait3A_1242 = arith.constant 0 : i32
      %dma_wait3A_1243 = arith.constant 0 : i32
      %dma_wait3A_1244 = tpu.memref_slice %dma_wait3A_1241[%dma_wait3A_1236, %dma_wait3A_1242, %dma_wait3A_1243] : memref<3x128x128xf32, #tpu.memory_space<vmem>> -> memref<1x128x128xf32, #tpu.memory_space<vmem>>
      %dma_wait3A_1245 = tpu.memref_squeeze %dma_wait3A_1244 : memref<1x128x128xf32, #tpu.memory_space<vmem>> -> memref<128x128xf32, #tpu.memory_space<vmem>>
      %dma_wait3A_1246 = arith.constant 0 : i32
      %dma_wait3A_1247 = arith.constant 0 : i32
      %dma_wait3A_1248 = tpu.memref_slice %arg9[%dma_wait3A_1233, %dma_wait3A_1246, %dma_wait3A_1247] : memref<2x3x128xi32, #tpu.memory_space<vmem>> -> memref<1x3x128xi32, #tpu.memory_space<vmem>>
      %dma_wait3A_1249 = tpu.memref_squeeze %dma_wait3A_1248 : memref<1x3x128xi32, #tpu.memory_space<vmem>> -> memref<3x128xi32, #tpu.memory_space<vmem>>
      %dma_wait3A_1250 = arith.constant 0 : i32
      %dma_wait3A_1251 = tpu.memref_slice %dma_wait3A_1249[%dma_wait3A_1234, %dma_wait3A_1250] : memref<3x128xi32, #tpu.memory_space<vmem>> -> memref<1x128xi32, #tpu.memory_space<vmem>>
      %dma_wait3A_1252 = tpu.memref_squeeze %dma_wait3A_1251 : memref<1x128xi32, #tpu.memory_space<vmem>> -> memref<128xi32, #tpu.memory_space<vmem>>
      %dma_wait3A_1253 = arith.constant 0 : i32
      %dma_wait3A_1254 = arith.constant 0 : i32
      %dma_wait3A_1255 = tpu.memref_slice %arg6[%dma_wait3A_1253, %dma_wait3A_1254] : memref<361x128xf32, #tpu.memory_space<hbm>> -> memref<361x128xf32, #tpu.memory_space<hbm>>
      tpu.wait_indirect_dma semaphore(%arg12 : memref<!tpu.dma_semaphore, #tpu.memory_space<semaphore_mem>>) src(%dma_wait3A_1255 : memref<361x128xf32, #tpu.memory_space<hbm>>) dst(%dma_wait3A_1245 : memref<128x128xf32, #tpu.memory_space<vmem>>)
      %dma_wait3A_1256 = arith.constant 1 : i32
      %dma_wait3A_1257 = arith.constant 2 : i32
      %dma_wait3A_1258 = arith.constant 1 : i32
      %dma_wait3A_1259 = arith.constant 2 : i32
      %dma_wait3A_1260 = arith.constant 0 : i32
      %dma_wait3A_1261 = arith.constant 0 : i32
      %dma_wait3A_1262 = arith.constant 0 : i32
      %dma_wait3A_1263 = tpu.memref_slice %arg10[%dma_wait3A_1258, %dma_wait3A_1260, %dma_wait3A_1261, %dma_wait3A_1262] : memref<2x3x128x128xf32, #tpu.memory_space<vmem>> -> memref<1x3x128x128xf32, #tpu.memory_space<vmem>>
      %dma_wait3A_1264 = tpu.memref_squeeze %dma_wait3A_1263 : memref<1x3x128x128xf32, #tpu.memory_space<vmem>> -> memref<3x128x128xf32, #tpu.memory_space<vmem>>
      %dma_wait3A_1265 = arith.constant 0 : i32
      %dma_wait3A_1266 = arith.constant 0 : i32
      %dma_wait3A_1267 = tpu.memref_slice %dma_wait3A_1264[%dma_wait3A_1259, %dma_wait3A_1265, %dma_wait3A_1266] : memref<3x128x128xf32, #tpu.memory_space<vmem>> -> memref<1x128x128xf32, #tpu.memory_space<vmem>>
      %dma_wait3A_1268 = tpu.memref_squeeze %dma_wait3A_1267 : memref<1x128x128xf32, #tpu.memory_space<vmem>> -> memref<128x128xf32, #tpu.memory_space<vmem>>
      %dma_wait3A_1269 = arith.constant 0 : i32
      %dma_wait3A_1270 = arith.constant 0 : i32
      %dma_wait3A_1271 = tpu.memref_slice %arg9[%dma_wait3A_1256, %dma_wait3A_1269, %dma_wait3A_1270] : memref<2x3x128xi32, #tpu.memory_space<vmem>> -> memref<1x3x128xi32, #tpu.memory_space<vmem>>
      %dma_wait3A_1272 = tpu.memref_squeeze %dma_wait3A_1271 : memref<1x3x128xi32, #tpu.memory_space<vmem>> -> memref<3x128xi32, #tpu.memory_space<vmem>>
      %dma_wait3A_1273 = arith.constant 0 : i32
      %dma_wait3A_1274 = tpu.memref_slice %dma_wait3A_1272[%dma_wait3A_1257, %dma_wait3A_1273] : memref<3x128xi32, #tpu.memory_space<vmem>> -> memref<1x128xi32, #tpu.memory_space<vmem>>
      %dma_wait3A_1275 = tpu.memref_squeeze %dma_wait3A_1274 : memref<1x128xi32, #tpu.memory_space<vmem>> -> memref<128xi32, #tpu.memory_space<vmem>>
      %dma_wait3A_1276 = arith.constant 0 : i32
      %dma_wait3A_1277 = arith.constant 0 : i32
      %dma_wait3A_1278 = tpu.memref_slice %arg7[%dma_wait3A_1276, %dma_wait3A_1277] : memref<361x128xf32, #tpu.memory_space<hbm>> -> memref<361x128xf32, #tpu.memory_space<hbm>>
      tpu.wait_indirect_dma semaphore(%arg12 : memref<!tpu.dma_semaphore, #tpu.memory_space<semaphore_mem>>) src(%dma_wait3A_1278 : memref<361x128xf32, #tpu.memory_space<hbm>>) dst(%dma_wait3A_1268 : memref<128x128xf32, #tpu.memory_space<vmem>>)
      %mul3A_1279 = arith.constant 128 : i32
      %mul3A_1280 = arith.muli %add3A_1209, %mul3A_1279 : i32
      %add3A_1281 = arith.addi %mul3A_2, %mul3A_1280 : i32
      %dma_start3A_1282 = arith.constant 1 : i32
      %dma_start3A_1283 = arith.constant 0 : i32
      %dma_start3A_1284 = arith.constant 0 : i32
      %dma_start3A_1285 = arith.constant 0 : i32
      %dma_start3A_1286 = arith.constant 0 : i32
      %dma_start3A_1287 = tpu.memref_slice %arg10[%dma_start3A_1282, %dma_start3A_1284, %dma_start3A_1285, %dma_start3A_1286] : memref<2x3x128x128xf32, #tpu.memory_space<vmem>> -> memref<1x3x128x128xf32, #tpu.memory_space<vmem>>
      %dma_start3A_1288 = tpu.memref_squeeze %dma_start3A_1287 : memref<1x3x128x128xf32, #tpu.memory_space<vmem>> -> memref<3x128x128xf32, #tpu.memory_space<vmem>>
      %dma_start3A_1289 = arith.constant 0 : i32
      %dma_start3A_1290 = arith.constant 0 : i32
      %dma_start3A_1291 = tpu.memref_slice %dma_start3A_1288[%dma_start3A_1283, %dma_start3A_1289, %dma_start3A_1290] : memref<3x128x128xf32, #tpu.memory_space<vmem>> -> memref<1x128x128xf32, #tpu.memory_space<vmem>>
      %dma_start3A_1292 = tpu.memref_squeeze %dma_start3A_1291 : memref<1x128x128xf32, #tpu.memory_space<vmem>> -> memref<128x128xf32, #tpu.memory_space<vmem>>
      %dma_start3A_1293 = arith.constant 0 : i32
      %dma_start3A_1294 = tpu.memref_slice %arg8[%add3A_1281, %dma_start3A_1293] : memref<819200x384xf32, #tpu.memory_space<hbm>> -> memref<128x128xf32, #tpu.memory_space<hbm>>
      %dma_start3A_1295 = arith.constant 0 : i32
      %dma_start3A_1296 = tpu.memref_slice %arg8[%add3A_1281, %dma_start3A_1295] : memref<819200x384xf32, #tpu.memory_space<hbm>> -> memref<128x128xf32, #tpu.memory_space<hbm>>
      %dma_start3A_1297 = arith.constant 0 : i32
      %dma_start3A_1298 = arith.constant 0 : i32
      %dma_start3A_1299 = arith.constant 0 : i32
      %dma_start3A_1300 = tpu.memref_slice %arg10[%dma_start3A_1282, %dma_start3A_1297, %dma_start3A_1298, %dma_start3A_1299] : memref<2x3x128x128xf32, #tpu.memory_space<vmem>> -> memref<1x3x128x128xf32, #tpu.memory_space<vmem>>
      %dma_start3A_1301 = tpu.memref_squeeze %dma_start3A_1300 : memref<1x3x128x128xf32, #tpu.memory_space<vmem>> -> memref<3x128x128xf32, #tpu.memory_space<vmem>>
      %dma_start3A_1302 = arith.constant 0 : i32
      %dma_start3A_1303 = arith.constant 0 : i32
      %dma_start3A_1304 = tpu.memref_slice %dma_start3A_1301[%dma_start3A_1283, %dma_start3A_1302, %dma_start3A_1303] : memref<3x128x128xf32, #tpu.memory_space<vmem>> -> memref<1x128x128xf32, #tpu.memory_space<vmem>>
      %dma_start3A_1305 = tpu.memref_squeeze %dma_start3A_1304 : memref<1x128x128xf32, #tpu.memory_space<vmem>> -> memref<128x128xf32, #tpu.memory_space<vmem>>
      tpu.enqueue_dma source(%dma_start3A_1305 : memref<128x128xf32, #tpu.memory_space<vmem>>) target(%dma_start3A_1296 : memref<128x128xf32, #tpu.memory_space<hbm>>) target_semaphore(%arg14 : memref<!tpu.dma_semaphore, #tpu.memory_space<semaphore_mem>>)
      %dma_start3A_1306 = arith.constant 1 : i32
      %dma_start3A_1307 = arith.constant 1 : i32
      %dma_start3A_1308 = arith.constant 0 : i32
      %dma_start3A_1309 = arith.constant 0 : i32
      %dma_start3A_1310 = arith.constant 0 : i32
      %dma_start3A_1311 = tpu.memref_slice %arg10[%dma_start3A_1306, %dma_start3A_1308, %dma_start3A_1309, %dma_start3A_1310] : memref<2x3x128x128xf32, #tpu.memory_space<vmem>> -> memref<1x3x128x128xf32, #tpu.memory_space<vmem>>
      %dma_start3A_1312 = tpu.memref_squeeze %dma_start3A_1311 : memref<1x3x128x128xf32, #tpu.memory_space<vmem>> -> memref<3x128x128xf32, #tpu.memory_space<vmem>>
      %dma_start3A_1313 = arith.constant 0 : i32
      %dma_start3A_1314 = arith.constant 0 : i32
      %dma_start3A_1315 = tpu.memref_slice %dma_start3A_1312[%dma_start3A_1307, %dma_start3A_1313, %dma_start3A_1314] : memref<3x128x128xf32, #tpu.memory_space<vmem>> -> memref<1x128x128xf32, #tpu.memory_space<vmem>>
      %dma_start3A_1316 = tpu.memref_squeeze %dma_start3A_1315 : memref<1x128x128xf32, #tpu.memory_space<vmem>> -> memref<128x128xf32, #tpu.memory_space<vmem>>
      %dma_start3A_1317 = arith.constant 128 : i32
      %dma_start3A_1318 = tpu.memref_slice %arg8[%add3A_1281, %dma_start3A_1317] : memref<819200x384xf32, #tpu.memory_space<hbm>> -> memref<128x128xf32, #tpu.memory_space<hbm>>
      %dma_start3A_1319 = arith.constant 128 : i32
      %dma_start3A_1320 = tpu.memref_slice %arg8[%add3A_1281, %dma_start3A_1319] : memref<819200x384xf32, #tpu.memory_space<hbm>> -> memref<128x128xf32, #tpu.memory_space<hbm>>
      %dma_start3A_1321 = arith.constant 0 : i32
      %dma_start3A_1322 = arith.constant 0 : i32
      %dma_start3A_1323 = arith.constant 0 : i32
      %dma_start3A_1324 = tpu.memref_slice %arg10[%dma_start3A_1306, %dma_start3A_1321, %dma_start3A_1322, %dma_start3A_1323] : memref<2x3x128x128xf32, #tpu.memory_space<vmem>> -> memref<1x3x128x128xf32, #tpu.memory_space<vmem>>
      %dma_start3A_1325 = tpu.memref_squeeze %dma_start3A_1324 : memref<1x3x128x128xf32, #tpu.memory_space<vmem>> -> memref<3x128x128xf32, #tpu.memory_space<vmem>>
      %dma_start3A_1326 = arith.constant 0 : i32
      %dma_start3A_1327 = arith.constant 0 : i32
      %dma_start3A_1328 = tpu.memref_slice %dma_start3A_1325[%dma_start3A_1307, %dma_start3A_1326, %dma_start3A_1327] : memref<3x128x128xf32, #tpu.memory_space<vmem>> -> memref<1x128x128xf32, #tpu.memory_space<vmem>>
      %dma_start3A_1329 = tpu.memref_squeeze %dma_start3A_1328 : memref<1x128x128xf32, #tpu.memory_space<vmem>> -> memref<128x128xf32, #tpu.memory_space<vmem>>
      tpu.enqueue_dma source(%dma_start3A_1329 : memref<128x128xf32, #tpu.memory_space<vmem>>) target(%dma_start3A_1320 : memref<128x128xf32, #tpu.memory_space<hbm>>) target_semaphore(%arg14 : memref<!tpu.dma_semaphore, #tpu.memory_space<semaphore_mem>>)
      %dma_start3A_1330 = arith.constant 1 : i32
      %dma_start3A_1331 = arith.constant 2 : i32
      %dma_start3A_1332 = arith.constant 0 : i32
      %dma_start3A_1333 = arith.constant 0 : i32
      %dma_start3A_1334 = arith.constant 0 : i32
      %dma_start3A_1335 = tpu.memref_slice %arg10[%dma_start3A_1330, %dma_start3A_1332, %dma_start3A_1333, %dma_start3A_1334] : memref<2x3x128x128xf32, #tpu.memory_space<vmem>> -> memref<1x3x128x128xf32, #tpu.memory_space<vmem>>
      %dma_start3A_1336 = tpu.memref_squeeze %dma_start3A_1335 : memref<1x3x128x128xf32, #tpu.memory_space<vmem>> -> memref<3x128x128xf32, #tpu.memory_space<vmem>>
      %dma_start3A_1337 = arith.constant 0 : i32
      %dma_start3A_1338 = arith.constant 0 : i32
      %dma_start3A_1339 = tpu.memref_slice %dma_start3A_1336[%dma_start3A_1331, %dma_start3A_1337, %dma_start3A_1338] : memref<3x128x128xf32, #tpu.memory_space<vmem>> -> memref<1x128x128xf32, #tpu.memory_space<vmem>>
      %dma_start3A_1340 = tpu.memref_squeeze %dma_start3A_1339 : memref<1x128x128xf32, #tpu.memory_space<vmem>> -> memref<128x128xf32, #tpu.memory_space<vmem>>
      %dma_start3A_1341 = arith.constant 256 : i32
      %dma_start3A_1342 = tpu.memref_slice %arg8[%add3A_1281, %dma_start3A_1341] : memref<819200x384xf32, #tpu.memory_space<hbm>> -> memref<128x128xf32, #tpu.memory_space<hbm>>
      %dma_start3A_1343 = arith.constant 256 : i32
      %dma_start3A_1344 = tpu.memref_slice %arg8[%add3A_1281, %dma_start3A_1343] : memref<819200x384xf32, #tpu.memory_space<hbm>> -> memref<128x128xf32, #tpu.memory_space<hbm>>
      %dma_start3A_1345 = arith.constant 0 : i32
      %dma_start3A_1346 = arith.constant 0 : i32
      %dma_start3A_1347 = arith.constant 0 : i32
      %dma_start3A_1348 = tpu.memref_slice %arg10[%dma_start3A_1330, %dma_start3A_1345, %dma_start3A_1346, %dma_start3A_1347] : memref<2x3x128x128xf32, #tpu.memory_space<vmem>> -> memref<1x3x128x128xf32, #tpu.memory_space<vmem>>
      %dma_start3A_1349 = tpu.memref_squeeze %dma_start3A_1348 : memref<1x3x128x128xf32, #tpu.memory_space<vmem>> -> memref<3x128x128xf32, #tpu.memory_space<vmem>>
      %dma_start3A_1350 = arith.constant 0 : i32
      %dma_start3A_1351 = arith.constant 0 : i32
      %dma_start3A_1352 = tpu.memref_slice %dma_start3A_1349[%dma_start3A_1331, %dma_start3A_1350, %dma_start3A_1351] : memref<3x128x128xf32, #tpu.memory_space<vmem>> -> memref<1x128x128xf32, #tpu.memory_space<vmem>>
      %dma_start3A_1353 = tpu.memref_squeeze %dma_start3A_1352 : memref<1x128x128xf32, #tpu.memory_space<vmem>> -> memref<128x128xf32, #tpu.memory_space<vmem>>
      tpu.enqueue_dma source(%dma_start3A_1353 : memref<128x128xf32, #tpu.memory_space<vmem>>) target(%dma_start3A_1344 : memref<128x128xf32, #tpu.memory_space<hbm>>) target_semaphore(%arg14 : memref<!tpu.dma_semaphore, #tpu.memory_space<semaphore_mem>>)
      %add3A_1354 = arith.constant 2 : i32
      %add3A_1355 = arith.addi %add3A_1209, %add3A_1354 : i32
      %mul3A_1356 = arith.constant 128 : i32
      %mul3A_1357 = arith.muli %add3A_1355, %mul3A_1356 : i32
      %add3A_1358 = arith.addi %mul3A_2, %mul3A_1357 : i32
      %dma_start3A_1359 = arith.constant 1 : i32
      %dma_start3A_1360 = arith.constant 0 : i32
      %dma_start3A_1361 = arith.constant 0 : i32
      %dma_start3A_1362 = arith.constant 0 : i32
      %dma_start3A_1363 = tpu.memref_slice %arg9[%dma_start3A_1359, %dma_start3A_1361, %dma_start3A_1362] : memref<2x3x128xi32, #tpu.memory_space<vmem>> -> memref<1x3x128xi32, #tpu.memory_space<vmem>>
      %dma_start3A_1364 = tpu.memref_squeeze %dma_start3A_1363 : memref<1x3x128xi32, #tpu.memory_space<vmem>> -> memref<3x128xi32, #tpu.memory_space<vmem>>
      %dma_start3A_1365 = arith.constant 0 : i32
      %dma_start3A_1366 = tpu.memref_slice %dma_start3A_1364[%dma_start3A_1360, %dma_start3A_1365] : memref<3x128xi32, #tpu.memory_space<vmem>> -> memref<1x128xi32, #tpu.memory_space<vmem>>
      %dma_start3A_1367 = tpu.memref_squeeze %dma_start3A_1366 : memref<1x128xi32, #tpu.memory_space<vmem>> -> memref<128xi32, #tpu.memory_space<vmem>>
      %dma_start3A_1368 = tpu.memref_slice %arg2[%add3A_1358] : memref<819200xi32, #tpu.memory_space<hbm>> -> memref<128xi32, #tpu.memory_space<hbm>>
      %dma_start3A_1369 = arith.constant 0 : i32
      %dma_start3A_1370 = arith.constant 0 : i32
      %dma_start3A_1371 = tpu.memref_slice %arg9[%dma_start3A_1359, %dma_start3A_1369, %dma_start3A_1370] : memref<2x3x128xi32, #tpu.memory_space<vmem>> -> memref<1x3x128xi32, #tpu.memory_space<vmem>>
      %dma_start3A_1372 = tpu.memref_squeeze %dma_start3A_1371 : memref<1x3x128xi32, #tpu.memory_space<vmem>> -> memref<3x128xi32, #tpu.memory_space<vmem>>
      %dma_start3A_1373 = arith.constant 0 : i32
      %dma_start3A_1374 = tpu.memref_slice %dma_start3A_1372[%dma_start3A_1360, %dma_start3A_1373] : memref<3x128xi32, #tpu.memory_space<vmem>> -> memref<1x128xi32, #tpu.memory_space<vmem>>
      %dma_start3A_1375 = tpu.memref_squeeze %dma_start3A_1374 : memref<1x128xi32, #tpu.memory_space<vmem>> -> memref<128xi32, #tpu.memory_space<vmem>>
      %dma_start3A_1376 = tpu.memref_slice %arg2[%add3A_1358] : memref<819200xi32, #tpu.memory_space<hbm>> -> memref<128xi32, #tpu.memory_space<hbm>>
      tpu.enqueue_dma source(%dma_start3A_1376 : memref<128xi32, #tpu.memory_space<hbm>>) target(%dma_start3A_1375 : memref<128xi32, #tpu.memory_space<vmem>>) target_semaphore(%arg16 : memref<!tpu.dma_semaphore, #tpu.memory_space<semaphore_mem>>)
      %dma_start3A_1377 = arith.constant 1 : i32
      %dma_start3A_1378 = arith.constant 1 : i32
      %dma_start3A_1379 = arith.constant 0 : i32
      %dma_start3A_1380 = arith.constant 0 : i32
      %dma_start3A_1381 = tpu.memref_slice %arg9[%dma_start3A_1377, %dma_start3A_1379, %dma_start3A_1380] : memref<2x3x128xi32, #tpu.memory_space<vmem>> -> memref<1x3x128xi32, #tpu.memory_space<vmem>>
      %dma_start3A_1382 = tpu.memref_squeeze %dma_start3A_1381 : memref<1x3x128xi32, #tpu.memory_space<vmem>> -> memref<3x128xi32, #tpu.memory_space<vmem>>
      %dma_start3A_1383 = arith.constant 0 : i32
      %dma_start3A_1384 = tpu.memref_slice %dma_start3A_1382[%dma_start3A_1378, %dma_start3A_1383] : memref<3x128xi32, #tpu.memory_space<vmem>> -> memref<1x128xi32, #tpu.memory_space<vmem>>
      %dma_start3A_1385 = tpu.memref_squeeze %dma_start3A_1384 : memref<1x128xi32, #tpu.memory_space<vmem>> -> memref<128xi32, #tpu.memory_space<vmem>>
      %dma_start3A_1386 = tpu.memref_slice %arg3[%add3A_1358] : memref<819200xi32, #tpu.memory_space<hbm>> -> memref<128xi32, #tpu.memory_space<hbm>>
      %dma_start3A_1387 = arith.constant 0 : i32
      %dma_start3A_1388 = arith.constant 0 : i32
      %dma_start3A_1389 = tpu.memref_slice %arg9[%dma_start3A_1377, %dma_start3A_1387, %dma_start3A_1388] : memref<2x3x128xi32, #tpu.memory_space<vmem>> -> memref<1x3x128xi32, #tpu.memory_space<vmem>>
      %dma_start3A_1390 = tpu.memref_squeeze %dma_start3A_1389 : memref<1x3x128xi32, #tpu.memory_space<vmem>> -> memref<3x128xi32, #tpu.memory_space<vmem>>
      %dma_start3A_1391 = arith.constant 0 : i32
      %dma_start3A_1392 = tpu.memref_slice %dma_start3A_1390[%dma_start3A_1378, %dma_start3A_1391] : memref<3x128xi32, #tpu.memory_space<vmem>> -> memref<1x128xi32, #tpu.memory_space<vmem>>
      %dma_start3A_1393 = tpu.memref_squeeze %dma_start3A_1392 : memref<1x128xi32, #tpu.memory_space<vmem>> -> memref<128xi32, #tpu.memory_space<vmem>>
      %dma_start3A_1394 = tpu.memref_slice %arg3[%add3A_1358] : memref<819200xi32, #tpu.memory_space<hbm>> -> memref<128xi32, #tpu.memory_space<hbm>>
      tpu.enqueue_dma source(%dma_start3A_1394 : memref<128xi32, #tpu.memory_space<hbm>>) target(%dma_start3A_1393 : memref<128xi32, #tpu.memory_space<vmem>>) target_semaphore(%arg16 : memref<!tpu.dma_semaphore, #tpu.memory_space<semaphore_mem>>)
      %dma_start3A_1395 = arith.constant 1 : i32
      %dma_start3A_1396 = arith.constant 2 : i32
      %dma_start3A_1397 = arith.constant 0 : i32
      %dma_start3A_1398 = arith.constant 0 : i32
      %dma_start3A_1399 = tpu.memref_slice %arg9[%dma_start3A_1395, %dma_start3A_1397, %dma_start3A_1398] : memref<2x3x128xi32, #tpu.memory_space<vmem>> -> memref<1x3x128xi32, #tpu.memory_space<vmem>>
      %dma_start3A_1400 = tpu.memref_squeeze %dma_start3A_1399 : memref<1x3x128xi32, #tpu.memory_space<vmem>> -> memref<3x128xi32, #tpu.memory_space<vmem>>
      %dma_start3A_1401 = arith.constant 0 : i32
      %dma_start3A_1402 = tpu.memref_slice %dma_start3A_1400[%dma_start3A_1396, %dma_start3A_1401] : memref<3x128xi32, #tpu.memory_space<vmem>> -> memref<1x128xi32, #tpu.memory_space<vmem>>
      %dma_start3A_1403 = tpu.memref_squeeze %dma_start3A_1402 : memref<1x128xi32, #tpu.memory_space<vmem>> -> memref<128xi32, #tpu.memory_space<vmem>>
      %dma_start3A_1404 = tpu.memref_slice %arg4[%add3A_1358] : memref<819200xi32, #tpu.memory_space<hbm>> -> memref<128xi32, #tpu.memory_space<hbm>>
      %dma_start3A_1405 = arith.constant 0 : i32
      %dma_start3A_1406 = arith.constant 0 : i32
      %dma_start3A_1407 = tpu.memref_slice %arg9[%dma_start3A_1395, %dma_start3A_1405, %dma_start3A_1406] : memref<2x3x128xi32, #tpu.memory_space<vmem>> -> memref<1x3x128xi32, #tpu.memory_space<vmem>>
      %dma_start3A_1408 = tpu.memref_squeeze %dma_start3A_1407 : memref<1x3x128xi32, #tpu.memory_space<vmem>> -> memref<3x128xi32, #tpu.memory_space<vmem>>
      %dma_start3A_1409 = arith.constant 0 : i32
      %dma_start3A_1410 = tpu.memref_slice %dma_start3A_1408[%dma_start3A_1396, %dma_start3A_1409] : memref<3x128xi32, #tpu.memory_space<vmem>> -> memref<1x128xi32, #tpu.memory_space<vmem>>
      %dma_start3A_1411 = tpu.memref_squeeze %dma_start3A_1410 : memref<1x128xi32, #tpu.memory_space<vmem>> -> memref<128xi32, #tpu.memory_space<vmem>>
      %dma_start3A_1412 = tpu.memref_slice %arg4[%add3A_1358] : memref<819200xi32, #tpu.memory_space<hbm>> -> memref<128xi32, #tpu.memory_space<hbm>>
      tpu.enqueue_dma source(%dma_start3A_1412 : memref<128xi32, #tpu.memory_space<hbm>>) target(%dma_start3A_1411 : memref<128xi32, #tpu.memory_space<vmem>>) target_semaphore(%arg16 : memref<!tpu.dma_semaphore, #tpu.memory_space<semaphore_mem>>)
      %dma_wait3A_1413 = arith.constant 1 : i32
      %dma_wait3A_1414 = arith.constant 0 : i32
      %dma_wait3A_1415 = arith.constant 0 : i32
      %dma_wait3A_1416 = arith.constant 0 : i32
      %dma_wait3A_1417 = arith.constant 0 : i32
      %dma_wait3A_1418 = tpu.memref_slice %arg10[%dma_wait3A_1413, %dma_wait3A_1415, %dma_wait3A_1416, %dma_wait3A_1417] : memref<2x3x128x128xf32, #tpu.memory_space<vmem>> -> memref<1x3x128x128xf32, #tpu.memory_space<vmem>>
      %dma_wait3A_1419 = tpu.memref_squeeze %dma_wait3A_1418 : memref<1x3x128x128xf32, #tpu.memory_space<vmem>> -> memref<3x128x128xf32, #tpu.memory_space<vmem>>
      %dma_wait3A_1420 = arith.constant 0 : i32
      %dma_wait3A_1421 = arith.constant 0 : i32
      %dma_wait3A_1422 = tpu.memref_slice %dma_wait3A_1419[%dma_wait3A_1414, %dma_wait3A_1420, %dma_wait3A_1421] : memref<3x128x128xf32, #tpu.memory_space<vmem>> -> memref<1x128x128xf32, #tpu.memory_space<vmem>>
      %dma_wait3A_1423 = tpu.memref_squeeze %dma_wait3A_1422 : memref<1x128x128xf32, #tpu.memory_space<vmem>> -> memref<128x128xf32, #tpu.memory_space<vmem>>
      %dma_wait3A_1424 = arith.constant 0 : i32
      %dma_wait3A_1425 = tpu.memref_slice %arg8[%add3A_1281, %dma_wait3A_1424] : memref<819200x384xf32, #tpu.memory_space<hbm>> -> memref<128x128xf32, #tpu.memory_space<hbm>>
      %dma_wait3A_1426 = arith.constant 0 : i32
      %dma_wait3A_1427 = tpu.memref_slice %arg8[%add3A_1281, %dma_wait3A_1426] : memref<819200x384xf32, #tpu.memory_space<hbm>> -> memref<128x128xf32, #tpu.memory_space<hbm>>
      %dma_wait3A_1428 = arith.constant 0 : i32
      %dma_wait3A_1429 = arith.constant 0 : i32
      %dma_wait3A_1430 = arith.constant 0 : i32
      %dma_wait3A_1431 = tpu.memref_slice %arg10[%dma_wait3A_1413, %dma_wait3A_1428, %dma_wait3A_1429, %dma_wait3A_1430] : memref<2x3x128x128xf32, #tpu.memory_space<vmem>> -> memref<1x3x128x128xf32, #tpu.memory_space<vmem>>
      %dma_wait3A_1432 = tpu.memref_squeeze %dma_wait3A_1431 : memref<1x3x128x128xf32, #tpu.memory_space<vmem>> -> memref<3x128x128xf32, #tpu.memory_space<vmem>>
      %dma_wait3A_1433 = arith.constant 0 : i32
      %dma_wait3A_1434 = arith.constant 0 : i32
      %dma_wait3A_1435 = tpu.memref_slice %dma_wait3A_1432[%dma_wait3A_1414, %dma_wait3A_1433, %dma_wait3A_1434] : memref<3x128x128xf32, #tpu.memory_space<vmem>> -> memref<1x128x128xf32, #tpu.memory_space<vmem>>
      %dma_wait3A_1436 = tpu.memref_squeeze %dma_wait3A_1435 : memref<1x128x128xf32, #tpu.memory_space<vmem>> -> memref<128x128xf32, #tpu.memory_space<vmem>>
      tpu.wait_dma2 semaphore(%arg14 : memref<!tpu.dma_semaphore, #tpu.memory_space<semaphore_mem>>) src(%dma_wait3A_1436 : memref<128x128xf32, #tpu.memory_space<vmem>>) dst(%dma_wait3A_1427 : memref<128x128xf32, #tpu.memory_space<hbm>>)
      %dma_wait3A_1437 = arith.constant 1 : i32
      %dma_wait3A_1438 = arith.constant 1 : i32
      %dma_wait3A_1439 = arith.constant 0 : i32
      %dma_wait3A_1440 = arith.constant 0 : i32
      %dma_wait3A_1441 = arith.constant 0 : i32
      %dma_wait3A_1442 = tpu.memref_slice %arg10[%dma_wait3A_1437, %dma_wait3A_1439, %dma_wait3A_1440, %dma_wait3A_1441] : memref<2x3x128x128xf32, #tpu.memory_space<vmem>> -> memref<1x3x128x128xf32, #tpu.memory_space<vmem>>
      %dma_wait3A_1443 = tpu.memref_squeeze %dma_wait3A_1442 : memref<1x3x128x128xf32, #tpu.memory_space<vmem>> -> memref<3x128x128xf32, #tpu.memory_space<vmem>>
      %dma_wait3A_1444 = arith.constant 0 : i32
      %dma_wait3A_1445 = arith.constant 0 : i32
      %dma_wait3A_1446 = tpu.memref_slice %dma_wait3A_1443[%dma_wait3A_1438, %dma_wait3A_1444, %dma_wait3A_1445] : memref<3x128x128xf32, #tpu.memory_space<vmem>> -> memref<1x128x128xf32, #tpu.memory_space<vmem>>
      %dma_wait3A_1447 = tpu.memref_squeeze %dma_wait3A_1446 : memref<1x128x128xf32, #tpu.memory_space<vmem>> -> memref<128x128xf32, #tpu.memory_space<vmem>>
      %dma_wait3A_1448 = arith.constant 128 : i32
      %dma_wait3A_1449 = tpu.memref_slice %arg8[%add3A_1281, %dma_wait3A_1448] : memref<819200x384xf32, #tpu.memory_space<hbm>> -> memref<128x128xf32, #tpu.memory_space<hbm>>
      %dma_wait3A_1450 = arith.constant 128 : i32
      %dma_wait3A_1451 = tpu.memref_slice %arg8[%add3A_1281, %dma_wait3A_1450] : memref<819200x384xf32, #tpu.memory_space<hbm>> -> memref<128x128xf32, #tpu.memory_space<hbm>>
      %dma_wait3A_1452 = arith.constant 0 : i32
      %dma_wait3A_1453 = arith.constant 0 : i32
      %dma_wait3A_1454 = arith.constant 0 : i32
      %dma_wait3A_1455 = tpu.memref_slice %arg10[%dma_wait3A_1437, %dma_wait3A_1452, %dma_wait3A_1453, %dma_wait3A_1454] : memref<2x3x128x128xf32, #tpu.memory_space<vmem>> -> memref<1x3x128x128xf32, #tpu.memory_space<vmem>>
      %dma_wait3A_1456 = tpu.memref_squeeze %dma_wait3A_1455 : memref<1x3x128x128xf32, #tpu.memory_space<vmem>> -> memref<3x128x128xf32, #tpu.memory_space<vmem>>
      %dma_wait3A_1457 = arith.constant 0 : i32
      %dma_wait3A_1458 = arith.constant 0 : i32
      %dma_wait3A_1459 = tpu.memref_slice %dma_wait3A_1456[%dma_wait3A_1438, %dma_wait3A_1457, %dma_wait3A_1458] : memref<3x128x128xf32, #tpu.memory_space<vmem>> -> memref<1x128x128xf32, #tpu.memory_space<vmem>>
      %dma_wait3A_1460 = tpu.memref_squeeze %dma_wait3A_1459 : memref<1x128x128xf32, #tpu.memory_space<vmem>> -> memref<128x128xf32, #tpu.memory_space<vmem>>
      tpu.wait_dma2 semaphore(%arg14 : memref<!tpu.dma_semaphore, #tpu.memory_space<semaphore_mem>>) src(%dma_wait3A_1460 : memref<128x128xf32, #tpu.memory_space<vmem>>) dst(%dma_wait3A_1451 : memref<128x128xf32, #tpu.memory_space<hbm>>)
      %dma_wait3A_1461 = arith.constant 1 : i32
      %dma_wait3A_1462 = arith.constant 2 : i32
      %dma_wait3A_1463 = arith.constant 0 : i32
      %dma_wait3A_1464 = arith.constant 0 : i32
      %dma_wait3A_1465 = arith.constant 0 : i32
      %dma_wait3A_1466 = tpu.memref_slice %arg10[%dma_wait3A_1461, %dma_wait3A_1463, %dma_wait3A_1464, %dma_wait3A_1465] : memref<2x3x128x128xf32, #tpu.memory_space<vmem>> -> memref<1x3x128x128xf32, #tpu.memory_space<vmem>>
      %dma_wait3A_1467 = tpu.memref_squeeze %dma_wait3A_1466 : memref<1x3x128x128xf32, #tpu.memory_space<vmem>> -> memref<3x128x128xf32, #tpu.memory_space<vmem>>
      %dma_wait3A_1468 = arith.constant 0 : i32
      %dma_wait3A_1469 = arith.constant 0 : i32
      %dma_wait3A_1470 = tpu.memref_slice %dma_wait3A_1467[%dma_wait3A_1462, %dma_wait3A_1468, %dma_wait3A_1469] : memref<3x128x128xf32, #tpu.memory_space<vmem>> -> memref<1x128x128xf32, #tpu.memory_space<vmem>>
      %dma_wait3A_1471 = tpu.memref_squeeze %dma_wait3A_1470 : memref<1x128x128xf32, #tpu.memory_space<vmem>> -> memref<128x128xf32, #tpu.memory_space<vmem>>
      %dma_wait3A_1472 = arith.constant 256 : i32
      %dma_wait3A_1473 = tpu.memref_slice %arg8[%add3A_1281, %dma_wait3A_1472] : memref<819200x384xf32, #tpu.memory_space<hbm>> -> memref<128x128xf32, #tpu.memory_space<hbm>>
      %dma_wait3A_1474 = arith.constant 256 : i32
      %dma_wait3A_1475 = tpu.memref_slice %arg8[%add3A_1281, %dma_wait3A_1474] : memref<819200x384xf32, #tpu.memory_space<hbm>> -> memref<128x128xf32, #tpu.memory_space<hbm>>
      %dma_wait3A_1476 = arith.constant 0 : i32
      %dma_wait3A_1477 = arith.constant 0 : i32
      %dma_wait3A_1478 = arith.constant 0 : i32
      %dma_wait3A_1479 = tpu.memref_slice %arg10[%dma_wait3A_1461, %dma_wait3A_1476, %dma_wait3A_1477, %dma_wait3A_1478] : memref<2x3x128x128xf32, #tpu.memory_space<vmem>> -> memref<1x3x128x128xf32, #tpu.memory_space<vmem>>
      %dma_wait3A_1480 = tpu.memref_squeeze %dma_wait3A_1479 : memref<1x3x128x128xf32, #tpu.memory_space<vmem>> -> memref<3x128x128xf32, #tpu.memory_space<vmem>>
      %dma_wait3A_1481 = arith.constant 0 : i32
      %dma_wait3A_1482 = arith.constant 0 : i32
      %dma_wait3A_1483 = tpu.memref_slice %dma_wait3A_1480[%dma_wait3A_1462, %dma_wait3A_1481, %dma_wait3A_1482] : memref<3x128x128xf32, #tpu.memory_space<vmem>> -> memref<1x128x128xf32, #tpu.memory_space<vmem>>
      %dma_wait3A_1484 = tpu.memref_squeeze %dma_wait3A_1483 : memref<1x128x128xf32, #tpu.memory_space<vmem>> -> memref<128x128xf32, #tpu.memory_space<vmem>>
      tpu.wait_dma2 semaphore(%arg14 : memref<!tpu.dma_semaphore, #tpu.memory_space<semaphore_mem>>) src(%dma_wait3A_1484 : memref<128x128xf32, #tpu.memory_space<vmem>>) dst(%dma_wait3A_1475 : memref<128x128xf32, #tpu.memory_space<hbm>>)
      %add3A_1485 = arith.constant 2 : i32
      %add3A_1486 = arith.addi %add3A_1209, %add3A_1485 : i32
      %mul3A_1487 = arith.constant 128 : i32
      %mul3A_1488 = arith.muli %add3A_1486, %mul3A_1487 : i32
      %add3A_1489 = arith.addi %mul3A_2, %mul3A_1488 : i32
      %dma_wait3A_1490 = arith.constant 1 : i32
      %dma_wait3A_1491 = arith.constant 0 : i32
      %dma_wait3A_1492 = arith.constant 0 : i32
      %dma_wait3A_1493 = arith.constant 0 : i32
      %dma_wait3A_1494 = tpu.memref_slice %arg9[%dma_wait3A_1490, %dma_wait3A_1492, %dma_wait3A_1493] : memref<2x3x128xi32, #tpu.memory_space<vmem>> -> memref<1x3x128xi32, #tpu.memory_space<vmem>>
      %dma_wait3A_1495 = tpu.memref_squeeze %dma_wait3A_1494 : memref<1x3x128xi32, #tpu.memory_space<vmem>> -> memref<3x128xi32, #tpu.memory_space<vmem>>
      %dma_wait3A_1496 = arith.constant 0 : i32
      %dma_wait3A_1497 = tpu.memref_slice %dma_wait3A_1495[%dma_wait3A_1491, %dma_wait3A_1496] : memref<3x128xi32, #tpu.memory_space<vmem>> -> memref<1x128xi32, #tpu.memory_space<vmem>>
      %dma_wait3A_1498 = tpu.memref_squeeze %dma_wait3A_1497 : memref<1x128xi32, #tpu.memory_space<vmem>> -> memref<128xi32, #tpu.memory_space<vmem>>
      %dma_wait3A_1499 = tpu.memref_slice %arg2[%add3A_1489] : memref<819200xi32, #tpu.memory_space<hbm>> -> memref<128xi32, #tpu.memory_space<hbm>>
      %dma_wait3A_1500 = arith.constant 0 : i32
      %dma_wait3A_1501 = arith.constant 0 : i32
      %dma_wait3A_1502 = tpu.memref_slice %arg9[%dma_wait3A_1490, %dma_wait3A_1500, %dma_wait3A_1501] : memref<2x3x128xi32, #tpu.memory_space<vmem>> -> memref<1x3x128xi32, #tpu.memory_space<vmem>>
      %dma_wait3A_1503 = tpu.memref_squeeze %dma_wait3A_1502 : memref<1x3x128xi32, #tpu.memory_space<vmem>> -> memref<3x128xi32, #tpu.memory_space<vmem>>
      %dma_wait3A_1504 = arith.constant 0 : i32
      %dma_wait3A_1505 = tpu.memref_slice %dma_wait3A_1503[%dma_wait3A_1491, %dma_wait3A_1504] : memref<3x128xi32, #tpu.memory_space<vmem>> -> memref<1x128xi32, #tpu.memory_space<vmem>>
      %dma_wait3A_1506 = tpu.memref_squeeze %dma_wait3A_1505 : memref<1x128xi32, #tpu.memory_space<vmem>> -> memref<128xi32, #tpu.memory_space<vmem>>
      %dma_wait3A_1507 = tpu.memref_slice %arg2[%add3A_1489] : memref<819200xi32, #tpu.memory_space<hbm>> -> memref<128xi32, #tpu.memory_space<hbm>>
      tpu.wait_dma2 semaphore(%arg16 : memref<!tpu.dma_semaphore, #tpu.memory_space<semaphore_mem>>) src(%dma_wait3A_1507 : memref<128xi32, #tpu.memory_space<hbm>>) dst(%dma_wait3A_1506 : memref<128xi32, #tpu.memory_space<vmem>>)
      %dma_wait3A_1508 = arith.constant 1 : i32
      %dma_wait3A_1509 = arith.constant 1 : i32
      %dma_wait3A_1510 = arith.constant 0 : i32
      %dma_wait3A_1511 = arith.constant 0 : i32
      %dma_wait3A_1512 = tpu.memref_slice %arg9[%dma_wait3A_1508, %dma_wait3A_1510, %dma_wait3A_1511] : memref<2x3x128xi32, #tpu.memory_space<vmem>> -> memref<1x3x128xi32, #tpu.memory_space<vmem>>
      %dma_wait3A_1513 = tpu.memref_squeeze %dma_wait3A_1512 : memref<1x3x128xi32, #tpu.memory_space<vmem>> -> memref<3x128xi32, #tpu.memory_space<vmem>>
      %dma_wait3A_1514 = arith.constant 0 : i32
      %dma_wait3A_1515 = tpu.memref_slice %dma_wait3A_1513[%dma_wait3A_1509, %dma_wait3A_1514] : memref<3x128xi32, #tpu.memory_space<vmem>> -> memref<1x128xi32, #tpu.memory_space<vmem>>
      %dma_wait3A_1516 = tpu.memref_squeeze %dma_wait3A_1515 : memref<1x128xi32, #tpu.memory_space<vmem>> -> memref<128xi32, #tpu.memory_space<vmem>>
      %dma_wait3A_1517 = tpu.memref_slice %arg3[%add3A_1489] : memref<819200xi32, #tpu.memory_space<hbm>> -> memref<128xi32, #tpu.memory_space<hbm>>
      %dma_wait3A_1518 = arith.constant 0 : i32
      %dma_wait3A_1519 = arith.constant 0 : i32
      %dma_wait3A_1520 = tpu.memref_slice %arg9[%dma_wait3A_1508, %dma_wait3A_1518, %dma_wait3A_1519] : memref<2x3x128xi32, #tpu.memory_space<vmem>> -> memref<1x3x128xi32, #tpu.memory_space<vmem>>
      %dma_wait3A_1521 = tpu.memref_squeeze %dma_wait3A_1520 : memref<1x3x128xi32, #tpu.memory_space<vmem>> -> memref<3x128xi32, #tpu.memory_space<vmem>>
      %dma_wait3A_1522 = arith.constant 0 : i32
      %dma_wait3A_1523 = tpu.memref_slice %dma_wait3A_1521[%dma_wait3A_1509, %dma_wait3A_1522] : memref<3x128xi32, #tpu.memory_space<vmem>> -> memref<1x128xi32, #tpu.memory_space<vmem>>
      %dma_wait3A_1524 = tpu.memref_squeeze %dma_wait3A_1523 : memref<1x128xi32, #tpu.memory_space<vmem>> -> memref<128xi32, #tpu.memory_space<vmem>>
      %dma_wait3A_1525 = tpu.memref_slice %arg3[%add3A_1489] : memref<819200xi32, #tpu.memory_space<hbm>> -> memref<128xi32, #tpu.memory_space<hbm>>
      tpu.wait_dma2 semaphore(%arg16 : memref<!tpu.dma_semaphore, #tpu.memory_space<semaphore_mem>>) src(%dma_wait3A_1525 : memref<128xi32, #tpu.memory_space<hbm>>) dst(%dma_wait3A_1524 : memref<128xi32, #tpu.memory_space<vmem>>)
      %dma_wait3A_1526 = arith.constant 1 : i32
      %dma_wait3A_1527 = arith.constant 2 : i32
      %dma_wait3A_1528 = arith.constant 0 : i32
      %dma_wait3A_1529 = arith.constant 0 : i32
      %dma_wait3A_1530 = tpu.memref_slice %arg9[%dma_wait3A_1526, %dma_wait3A_1528, %dma_wait3A_1529] : memref<2x3x128xi32, #tpu.memory_space<vmem>> -> memref<1x3x128xi32, #tpu.memory_space<vmem>>
      %dma_wait3A_1531 = tpu.memref_squeeze %dma_wait3A_1530 : memref<1x3x128xi32, #tpu.memory_space<vmem>> -> memref<3x128xi32, #tpu.memory_space<vmem>>
      %dma_wait3A_1532 = arith.constant 0 : i32
      %dma_wait3A_1533 = tpu.memref_slice %dma_wait3A_1531[%dma_wait3A_1527, %dma_wait3A_1532] : memref<3x128xi32, #tpu.memory_space<vmem>> -> memref<1x128xi32, #tpu.memory_space<vmem>>
      %dma_wait3A_1534 = tpu.memref_squeeze %dma_wait3A_1533 : memref<1x128xi32, #tpu.memory_space<vmem>> -> memref<128xi32, #tpu.memory_space<vmem>>
      %dma_wait3A_1535 = tpu.memref_slice %arg4[%add3A_1489] : memref<819200xi32, #tpu.memory_space<hbm>> -> memref<128xi32, #tpu.memory_space<hbm>>
      %dma_wait3A_1536 = arith.constant 0 : i32
      %dma_wait3A_1537 = arith.constant 0 : i32
      %dma_wait3A_1538 = tpu.memref_slice %arg9[%dma_wait3A_1526, %dma_wait3A_1536, %dma_wait3A_1537] : memref<2x3x128xi32, #tpu.memory_space<vmem>> -> memref<1x3x128xi32, #tpu.memory_space<vmem>>
      %dma_wait3A_1539 = tpu.memref_squeeze %dma_wait3A_1538 : memref<1x3x128xi32, #tpu.memory_space<vmem>> -> memref<3x128xi32, #tpu.memory_space<vmem>>
      %dma_wait3A_1540 = arith.constant 0 : i32
      %dma_wait3A_1541 = tpu.memref_slice %dma_wait3A_1539[%dma_wait3A_1527, %dma_wait3A_1540] : memref<3x128xi32, #tpu.memory_space<vmem>> -> memref<1x128xi32, #tpu.memory_space<vmem>>
      %dma_wait3A_1542 = tpu.memref_squeeze %dma_wait3A_1541 : memref<1x128xi32, #tpu.memory_space<vmem>> -> memref<128xi32, #tpu.memory_space<vmem>>
      %dma_wait3A_1543 = tpu.memref_slice %arg4[%add3A_1489] : memref<819200xi32, #tpu.memory_space<hbm>> -> memref<128xi32, #tpu.memory_space<hbm>>
      tpu.wait_dma2 semaphore(%arg16 : memref<!tpu.dma_semaphore, #tpu.memory_space<semaphore_mem>>) src(%dma_wait3A_1543 : memref<128xi32, #tpu.memory_space<hbm>>) dst(%dma_wait3A_1542 : memref<128xi32, #tpu.memory_space<vmem>>)
      %dma_start3A_1544 = arith.constant 1 : i32
      %dma_start3A_1545 = arith.constant 0 : i32
      %dma_start3A_1546 = arith.constant 1 : i32
      %dma_start3A_1547 = arith.constant 0 : i32
      %dma_start3A_1548 = arith.constant 0 : i32
      %dma_start3A_1549 = arith.constant 0 : i32
      %dma_start3A_1550 = arith.constant 0 : i32
      %dma_start3A_1551 = tpu.memref_slice %arg10[%dma_start3A_1546, %dma_start3A_1548, %dma_start3A_1549, %dma_start3A_1550] : memref<2x3x128x128xf32, #tpu.memory_space<vmem>> -> memref<1x3x128x128xf32, #tpu.memory_space<vmem>>
      %dma_start3A_1552 = tpu.memref_squeeze %dma_start3A_1551 : memref<1x3x128x128xf32, #tpu.memory_space<vmem>> -> memref<3x128x128xf32, #tpu.memory_space<vmem>>
      %dma_start3A_1553 = arith.constant 0 : i32
      %dma_start3A_1554 = arith.constant 0 : i32
      %dma_start3A_1555 = tpu.memref_slice %dma_start3A_1552[%dma_start3A_1547, %dma_start3A_1553, %dma_start3A_1554] : memref<3x128x128xf32, #tpu.memory_space<vmem>> -> memref<1x128x128xf32, #tpu.memory_space<vmem>>
      %dma_start3A_1556 = tpu.memref_squeeze %dma_start3A_1555 : memref<1x128x128xf32, #tpu.memory_space<vmem>> -> memref<128x128xf32, #tpu.memory_space<vmem>>
      %dma_start3A_1557 = arith.constant 0 : i32
      %dma_start3A_1558 = arith.constant 0 : i32
      %dma_start3A_1559 = tpu.memref_slice %arg9[%dma_start3A_1544, %dma_start3A_1557, %dma_start3A_1558] : memref<2x3x128xi32, #tpu.memory_space<vmem>> -> memref<1x3x128xi32, #tpu.memory_space<vmem>>
      %dma_start3A_1560 = tpu.memref_squeeze %dma_start3A_1559 : memref<1x3x128xi32, #tpu.memory_space<vmem>> -> memref<3x128xi32, #tpu.memory_space<vmem>>
      %dma_start3A_1561 = arith.constant 0 : i32
      %dma_start3A_1562 = tpu.memref_slice %dma_start3A_1560[%dma_start3A_1545, %dma_start3A_1561] : memref<3x128xi32, #tpu.memory_space<vmem>> -> memref<1x128xi32, #tpu.memory_space<vmem>>
      %dma_start3A_1563 = tpu.memref_squeeze %dma_start3A_1562 : memref<1x128xi32, #tpu.memory_space<vmem>> -> memref<128xi32, #tpu.memory_space<vmem>>
      %dma_start3A_1564 = arith.constant 0 : i32
      %dma_start3A_1565 = arith.constant 0 : i32
      %dma_start3A_1566 = tpu.memref_slice %arg5[%dma_start3A_1564, %dma_start3A_1565] : memref<361x128xf32, #tpu.memory_space<hbm>> -> memref<361x128xf32, #tpu.memory_space<hbm>>
      tpu.enqueue_indirect_dma source(%dma_start3A_1566 : memref<361x128xf32, #tpu.memory_space<hbm>>) target(%dma_start3A_1556 : memref<128x128xf32, #tpu.memory_space<vmem>>) offsets(%dma_start3A_1563 : memref<128xi32, #tpu.memory_space<vmem>>) semaphore(%arg12 : memref<!tpu.dma_semaphore, #tpu.memory_space<semaphore_mem>>)
      %dma_start3A_1567 = arith.constant 1 : i32
      %dma_start3A_1568 = arith.constant 1 : i32
      %dma_start3A_1569 = arith.constant 1 : i32
      %dma_start3A_1570 = arith.constant 1 : i32
      %dma_start3A_1571 = arith.constant 0 : i32
      %dma_start3A_1572 = arith.constant 0 : i32
      %dma_start3A_1573 = arith.constant 0 : i32
      %dma_start3A_1574 = tpu.memref_slice %arg10[%dma_start3A_1569, %dma_start3A_1571, %dma_start3A_1572, %dma_start3A_1573] : memref<2x3x128x128xf32, #tpu.memory_space<vmem>> -> memref<1x3x128x128xf32, #tpu.memory_space<vmem>>
      %dma_start3A_1575 = tpu.memref_squeeze %dma_start3A_1574 : memref<1x3x128x128xf32, #tpu.memory_space<vmem>> -> memref<3x128x128xf32, #tpu.memory_space<vmem>>
      %dma_start3A_1576 = arith.constant 0 : i32
      %dma_start3A_1577 = arith.constant 0 : i32
      %dma_start3A_1578 = tpu.memref_slice %dma_start3A_1575[%dma_start3A_1570, %dma_start3A_1576, %dma_start3A_1577] : memref<3x128x128xf32, #tpu.memory_space<vmem>> -> memref<1x128x128xf32, #tpu.memory_space<vmem>>
      %dma_start3A_1579 = tpu.memref_squeeze %dma_start3A_1578 : memref<1x128x128xf32, #tpu.memory_space<vmem>> -> memref<128x128xf32, #tpu.memory_space<vmem>>
      %dma_start3A_1580 = arith.constant 0 : i32
      %dma_start3A_1581 = arith.constant 0 : i32
      %dma_start3A_1582 = tpu.memref_slice %arg9[%dma_start3A_1567, %dma_start3A_1580, %dma_start3A_1581] : memref<2x3x128xi32, #tpu.memory_space<vmem>> -> memref<1x3x128xi32, #tpu.memory_space<vmem>>
      %dma_start3A_1583 = tpu.memref_squeeze %dma_start3A_1582 : memref<1x3x128xi32, #tpu.memory_space<vmem>> -> memref<3x128xi32, #tpu.memory_space<vmem>>
      %dma_start3A_1584 = arith.constant 0 : i32
      %dma_start3A_1585 = tpu.memref_slice %dma_start3A_1583[%dma_start3A_1568, %dma_start3A_1584] : memref<3x128xi32, #tpu.memory_space<vmem>> -> memref<1x128xi32, #tpu.memory_space<vmem>>
      %dma_start3A_1586 = tpu.memref_squeeze %dma_start3A_1585 : memref<1x128xi32, #tpu.memory_space<vmem>> -> memref<128xi32, #tpu.memory_space<vmem>>
      %dma_start3A_1587 = arith.constant 0 : i32
      %dma_start3A_1588 = arith.constant 0 : i32
      %dma_start3A_1589 = tpu.memref_slice %arg6[%dma_start3A_1587, %dma_start3A_1588] : memref<361x128xf32, #tpu.memory_space<hbm>> -> memref<361x128xf32, #tpu.memory_space<hbm>>
      tpu.enqueue_indirect_dma source(%dma_start3A_1589 : memref<361x128xf32, #tpu.memory_space<hbm>>) target(%dma_start3A_1579 : memref<128x128xf32, #tpu.memory_space<vmem>>) offsets(%dma_start3A_1586 : memref<128xi32, #tpu.memory_space<vmem>>) semaphore(%arg12 : memref<!tpu.dma_semaphore, #tpu.memory_space<semaphore_mem>>)
      %dma_start3A_1590 = arith.constant 1 : i32
      %dma_start3A_1591 = arith.constant 2 : i32
      %dma_start3A_1592 = arith.constant 1 : i32
      %dma_start3A_1593 = arith.constant 2 : i32
      %dma_start3A_1594 = arith.constant 0 : i32
      %dma_start3A_1595 = arith.constant 0 : i32
      %dma_start3A_1596 = arith.constant 0 : i32
      %dma_start3A_1597 = tpu.memref_slice %arg10[%dma_start3A_1592, %dma_start3A_1594, %dma_start3A_1595, %dma_start3A_1596] : memref<2x3x128x128xf32, #tpu.memory_space<vmem>> -> memref<1x3x128x128xf32, #tpu.memory_space<vmem>>
      %dma_start3A_1598 = tpu.memref_squeeze %dma_start3A_1597 : memref<1x3x128x128xf32, #tpu.memory_space<vmem>> -> memref<3x128x128xf32, #tpu.memory_space<vmem>>
      %dma_start3A_1599 = arith.constant 0 : i32
      %dma_start3A_1600 = arith.constant 0 : i32
      %dma_start3A_1601 = tpu.memref_slice %dma_start3A_1598[%dma_start3A_1593, %dma_start3A_1599, %dma_start3A_1600] : memref<3x128x128xf32, #tpu.memory_space<vmem>> -> memref<1x128x128xf32, #tpu.memory_space<vmem>>
      %dma_start3A_1602 = tpu.memref_squeeze %dma_start3A_1601 : memref<1x128x128xf32, #tpu.memory_space<vmem>> -> memref<128x128xf32, #tpu.memory_space<vmem>>
      %dma_start3A_1603 = arith.constant 0 : i32
      %dma_start3A_1604 = arith.constant 0 : i32
      %dma_start3A_1605 = tpu.memref_slice %arg9[%dma_start3A_1590, %dma_start3A_1603, %dma_start3A_1604] : memref<2x3x128xi32, #tpu.memory_space<vmem>> -> memref<1x3x128xi32, #tpu.memory_space<vmem>>
      %dma_start3A_1606 = tpu.memref_squeeze %dma_start3A_1605 : memref<1x3x128xi32, #tpu.memory_space<vmem>> -> memref<3x128xi32, #tpu.memory_space<vmem>>
      %dma_start3A_1607 = arith.constant 0 : i32
      %dma_start3A_1608 = tpu.memref_slice %dma_start3A_1606[%dma_start3A_1591, %dma_start3A_1607] : memref<3x128xi32, #tpu.memory_space<vmem>> -> memref<1x128xi32, #tpu.memory_space<vmem>>
      %dma_start3A_1609 = tpu.memref_squeeze %dma_start3A_1608 : memref<1x128xi32, #tpu.memory_space<vmem>> -> memref<128xi32, #tpu.memory_space<vmem>>
      %dma_start3A_1610 = arith.constant 0 : i32
      %dma_start3A_1611 = arith.constant 0 : i32
      %dma_start3A_1612 = tpu.memref_slice %arg7[%dma_start3A_1610, %dma_start3A_1611] : memref<361x128xf32, #tpu.memory_space<hbm>> -> memref<361x128xf32, #tpu.memory_space<hbm>>
      tpu.enqueue_indirect_dma source(%dma_start3A_1612 : memref<361x128xf32, #tpu.memory_space<hbm>>) target(%dma_start3A_1602 : memref<128x128xf32, #tpu.memory_space<vmem>>) offsets(%dma_start3A_1609 : memref<128xi32, #tpu.memory_space<vmem>>) semaphore(%arg12 : memref<!tpu.dma_semaphore, #tpu.memory_space<semaphore_mem>>)
    }
    %scan3A_367 = arith.constant 99 : i32
    %dma_wait3A_368 = arith.constant 0 : i32
    %dma_wait3A_369 = arith.constant 0 : i32
    %dma_wait3A_370 = arith.constant 0 : i32
    %dma_wait3A_371 = arith.constant 0 : i32
    %dma_wait3A_372 = arith.constant 0 : i32
    %dma_wait3A_373 = arith.constant 0 : i32
    %dma_wait3A_374 = arith.constant 0 : i32
    %dma_wait3A_375 = tpu.memref_slice %arg10[%dma_wait3A_370, %dma_wait3A_372, %dma_wait3A_373, %dma_wait3A_374] : memref<2x3x128x128xf32, #tpu.memory_space<vmem>> -> memref<1x3x128x128xf32, #tpu.memory_space<vmem>>
    %dma_wait3A_376 = tpu.memref_squeeze %dma_wait3A_375 : memref<1x3x128x128xf32, #tpu.memory_space<vmem>> -> memref<3x128x128xf32, #tpu.memory_space<vmem>>
    %dma_wait3A_377 = arith.constant 0 : i32
    %dma_wait3A_378 = arith.constant 0 : i32
    %dma_wait3A_379 = tpu.memref_slice %dma_wait3A_376[%dma_wait3A_371, %dma_wait3A_377, %dma_wait3A_378] : memref<3x128x128xf32, #tpu.memory_space<vmem>> -> memref<1x128x128xf32, #tpu.memory_space<vmem>>
    %dma_wait3A_380 = tpu.memref_squeeze %dma_wait3A_379 : memref<1x128x128xf32, #tpu.memory_space<vmem>> -> memref<128x128xf32, #tpu.memory_space<vmem>>
    %dma_wait3A_381 = arith.constant 0 : i32
    %dma_wait3A_382 = arith.constant 0 : i32
    %dma_wait3A_383 = tpu.memref_slice %arg9[%dma_wait3A_368, %dma_wait3A_381, %dma_wait3A_382] : memref<2x3x128xi32, #tpu.memory_space<vmem>> -> memref<1x3x128xi32, #tpu.memory_space<vmem>>
    %dma_wait3A_384 = tpu.memref_squeeze %dma_wait3A_383 : memref<1x3x128xi32, #tpu.memory_space<vmem>> -> memref<3x128xi32, #tpu.memory_space<vmem>>
    %dma_wait3A_385 = arith.constant 0 : i32
    %dma_wait3A_386 = tpu.memref_slice %dma_wait3A_384[%dma_wait3A_369, %dma_wait3A_385] : memref<3x128xi32, #tpu.memory_space<vmem>> -> memref<1x128xi32, #tpu.memory_space<vmem>>
    %dma_wait3A_387 = tpu.memref_squeeze %dma_wait3A_386 : memref<1x128xi32, #tpu.memory_space<vmem>> -> memref<128xi32, #tpu.memory_space<vmem>>
    %dma_wait3A_388 = arith.constant 0 : i32
    %dma_wait3A_389 = arith.constant 0 : i32
    %dma_wait3A_390 = tpu.memref_slice %arg5[%dma_wait3A_388, %dma_wait3A_389] : memref<361x128xf32, #tpu.memory_space<hbm>> -> memref<361x128xf32, #tpu.memory_space<hbm>>
    tpu.wait_indirect_dma semaphore(%arg11 : memref<!tpu.dma_semaphore, #tpu.memory_space<semaphore_mem>>) src(%dma_wait3A_390 : memref<361x128xf32, #tpu.memory_space<hbm>>) dst(%dma_wait3A_380 : memref<128x128xf32, #tpu.memory_space<vmem>>)
    %dma_wait3A_391 = arith.constant 0 : i32
    %dma_wait3A_392 = arith.constant 1 : i32
    %dma_wait3A_393 = arith.constant 0 : i32
    %dma_wait3A_394 = arith.constant 1 : i32
    %dma_wait3A_395 = arith.constant 0 : i32
    %dma_wait3A_396 = arith.constant 0 : i32
    %dma_wait3A_397 = arith.constant 0 : i32
    %dma_wait3A_398 = tpu.memref_slice %arg10[%dma_wait3A_393, %dma_wait3A_395, %dma_wait3A_396, %dma_wait3A_397] : memref<2x3x128x128xf32, #tpu.memory_space<vmem>> -> memref<1x3x128x128xf32, #tpu.memory_space<vmem>>
    %dma_wait3A_399 = tpu.memref_squeeze %dma_wait3A_398 : memref<1x3x128x128xf32, #tpu.memory_space<vmem>> -> memref<3x128x128xf32, #tpu.memory_space<vmem>>
    %dma_wait3A_400 = arith.constant 0 : i32
    %dma_wait3A_401 = arith.constant 0 : i32
    %dma_wait3A_402 = tpu.memref_slice %dma_wait3A_399[%dma_wait3A_394, %dma_wait3A_400, %dma_wait3A_401] : memref<3x128x128xf32, #tpu.memory_space<vmem>> -> memref<1x128x128xf32, #tpu.memory_space<vmem>>
    %dma_wait3A_403 = tpu.memref_squeeze %dma_wait3A_402 : memref<1x128x128xf32, #tpu.memory_space<vmem>> -> memref<128x128xf32, #tpu.memory_space<vmem>>
    %dma_wait3A_404 = arith.constant 0 : i32
    %dma_wait3A_405 = arith.constant 0 : i32
    %dma_wait3A_406 = tpu.memref_slice %arg9[%dma_wait3A_391, %dma_wait3A_404, %dma_wait3A_405] : memref<2x3x128xi32, #tpu.memory_space<vmem>> -> memref<1x3x128xi32, #tpu.memory_space<vmem>>
    %dma_wait3A_407 = tpu.memref_squeeze %dma_wait3A_406 : memref<1x3x128xi32, #tpu.memory_space<vmem>> -> memref<3x128xi32, #tpu.memory_space<vmem>>
    %dma_wait3A_408 = arith.constant 0 : i32
    %dma_wait3A_409 = tpu.memref_slice %dma_wait3A_407[%dma_wait3A_392, %dma_wait3A_408] : memref<3x128xi32, #tpu.memory_space<vmem>> -> memref<1x128xi32, #tpu.memory_space<vmem>>
    %dma_wait3A_410 = tpu.memref_squeeze %dma_wait3A_409 : memref<1x128xi32, #tpu.memory_space<vmem>> -> memref<128xi32, #tpu.memory_space<vmem>>
    %dma_wait3A_411 = arith.constant 0 : i32
    %dma_wait3A_412 = arith.constant 0 : i32
    %dma_wait3A_413 = tpu.memref_slice %arg6[%dma_wait3A_411, %dma_wait3A_412] : memref<361x128xf32, #tpu.memory_space<hbm>> -> memref<361x128xf32, #tpu.memory_space<hbm>>
    tpu.wait_indirect_dma semaphore(%arg11 : memref<!tpu.dma_semaphore, #tpu.memory_space<semaphore_mem>>) src(%dma_wait3A_413 : memref<361x128xf32, #tpu.memory_space<hbm>>) dst(%dma_wait3A_403 : memref<128x128xf32, #tpu.memory_space<vmem>>)
    %dma_wait3A_414 = arith.constant 0 : i32
    %dma_wait3A_415 = arith.constant 2 : i32
    %dma_wait3A_416 = arith.constant 0 : i32
    %dma_wait3A_417 = arith.constant 2 : i32
    %dma_wait3A_418 = arith.constant 0 : i32
    %dma_wait3A_419 = arith.constant 0 : i32
    %dma_wait3A_420 = arith.constant 0 : i32
    %dma_wait3A_421 = tpu.memref_slice %arg10[%dma_wait3A_416, %dma_wait3A_418, %dma_wait3A_419, %dma_wait3A_420] : memref<2x3x128x128xf32, #tpu.memory_space<vmem>> -> memref<1x3x128x128xf32, #tpu.memory_space<vmem>>
    %dma_wait3A_422 = tpu.memref_squeeze %dma_wait3A_421 : memref<1x3x128x128xf32, #tpu.memory_space<vmem>> -> memref<3x128x128xf32, #tpu.memory_space<vmem>>
    %dma_wait3A_423 = arith.constant 0 : i32
    %dma_wait3A_424 = arith.constant 0 : i32
    %dma_wait3A_425 = tpu.memref_slice %dma_wait3A_422[%dma_wait3A_417, %dma_wait3A_423, %dma_wait3A_424] : memref<3x128x128xf32, #tpu.memory_space<vmem>> -> memref<1x128x128xf32, #tpu.memory_space<vmem>>
    %dma_wait3A_426 = tpu.memref_squeeze %dma_wait3A_425 : memref<1x128x128xf32, #tpu.memory_space<vmem>> -> memref<128x128xf32, #tpu.memory_space<vmem>>
    %dma_wait3A_427 = arith.constant 0 : i32
    %dma_wait3A_428 = arith.constant 0 : i32
    %dma_wait3A_429 = tpu.memref_slice %arg9[%dma_wait3A_414, %dma_wait3A_427, %dma_wait3A_428] : memref<2x3x128xi32, #tpu.memory_space<vmem>> -> memref<1x3x128xi32, #tpu.memory_space<vmem>>
    %dma_wait3A_430 = tpu.memref_squeeze %dma_wait3A_429 : memref<1x3x128xi32, #tpu.memory_space<vmem>> -> memref<3x128xi32, #tpu.memory_space<vmem>>
    %dma_wait3A_431 = arith.constant 0 : i32
    %dma_wait3A_432 = tpu.memref_slice %dma_wait3A_430[%dma_wait3A_415, %dma_wait3A_431] : memref<3x128xi32, #tpu.memory_space<vmem>> -> memref<1x128xi32, #tpu.memory_space<vmem>>
    %dma_wait3A_433 = tpu.memref_squeeze %dma_wait3A_432 : memref<1x128xi32, #tpu.memory_space<vmem>> -> memref<128xi32, #tpu.memory_space<vmem>>
    %dma_wait3A_434 = arith.constant 0 : i32
    %dma_wait3A_435 = arith.constant 0 : i32
    %dma_wait3A_436 = tpu.memref_slice %arg7[%dma_wait3A_434, %dma_wait3A_435] : memref<361x128xf32, #tpu.memory_space<hbm>> -> memref<361x128xf32, #tpu.memory_space<hbm>>
    tpu.wait_indirect_dma semaphore(%arg11 : memref<!tpu.dma_semaphore, #tpu.memory_space<semaphore_mem>>) src(%dma_wait3A_436 : memref<361x128xf32, #tpu.memory_space<hbm>>) dst(%dma_wait3A_426 : memref<128x128xf32, #tpu.memory_space<vmem>>)
    %add3A_437 = arith.constant 25344 : i32
    %add3A_438 = arith.addi %mul3A_2, %add3A_437 : i32
    %dma_start3A_439 = arith.constant 0 : i32
    %dma_start3A_440 = arith.constant 0 : i32
    %dma_start3A_441 = arith.constant 0 : i32
    %dma_start3A_442 = arith.constant 0 : i32
    %dma_start3A_443 = arith.constant 0 : i32
    %dma_start3A_444 = tpu.memref_slice %arg10[%dma_start3A_439, %dma_start3A_441, %dma_start3A_442, %dma_start3A_443] : memref<2x3x128x128xf32, #tpu.memory_space<vmem>> -> memref<1x3x128x128xf32, #tpu.memory_space<vmem>>
    %dma_start3A_445 = tpu.memref_squeeze %dma_start3A_444 : memref<1x3x128x128xf32, #tpu.memory_space<vmem>> -> memref<3x128x128xf32, #tpu.memory_space<vmem>>
    %dma_start3A_446 = arith.constant 0 : i32
    %dma_start3A_447 = arith.constant 0 : i32
    %dma_start3A_448 = tpu.memref_slice %dma_start3A_445[%dma_start3A_440, %dma_start3A_446, %dma_start3A_447] : memref<3x128x128xf32, #tpu.memory_space<vmem>> -> memref<1x128x128xf32, #tpu.memory_space<vmem>>
    %dma_start3A_449 = tpu.memref_squeeze %dma_start3A_448 : memref<1x128x128xf32, #tpu.memory_space<vmem>> -> memref<128x128xf32, #tpu.memory_space<vmem>>
    %dma_start3A_450 = arith.constant 0 : i32
    %dma_start3A_451 = tpu.memref_slice %arg8[%add3A_438, %dma_start3A_450] : memref<819200x384xf32, #tpu.memory_space<hbm>> -> memref<128x128xf32, #tpu.memory_space<hbm>>
    %dma_start3A_452 = arith.constant 0 : i32
    %dma_start3A_453 = tpu.memref_slice %arg8[%add3A_438, %dma_start3A_452] : memref<819200x384xf32, #tpu.memory_space<hbm>> -> memref<128x128xf32, #tpu.memory_space<hbm>>
    %dma_start3A_454 = arith.constant 0 : i32
    %dma_start3A_455 = arith.constant 0 : i32
    %dma_start3A_456 = arith.constant 0 : i32
    %dma_start3A_457 = tpu.memref_slice %arg10[%dma_start3A_439, %dma_start3A_454, %dma_start3A_455, %dma_start3A_456] : memref<2x3x128x128xf32, #tpu.memory_space<vmem>> -> memref<1x3x128x128xf32, #tpu.memory_space<vmem>>
    %dma_start3A_458 = tpu.memref_squeeze %dma_start3A_457 : memref<1x3x128x128xf32, #tpu.memory_space<vmem>> -> memref<3x128x128xf32, #tpu.memory_space<vmem>>
    %dma_start3A_459 = arith.constant 0 : i32
    %dma_start3A_460 = arith.constant 0 : i32
    %dma_start3A_461 = tpu.memref_slice %dma_start3A_458[%dma_start3A_440, %dma_start3A_459, %dma_start3A_460] : memref<3x128x128xf32, #tpu.memory_space<vmem>> -> memref<1x128x128xf32, #tpu.memory_space<vmem>>
    %dma_start3A_462 = tpu.memref_squeeze %dma_start3A_461 : memref<1x128x128xf32, #tpu.memory_space<vmem>> -> memref<128x128xf32, #tpu.memory_space<vmem>>
    tpu.enqueue_dma source(%dma_start3A_462 : memref<128x128xf32, #tpu.memory_space<vmem>>) target(%dma_start3A_453 : memref<128x128xf32, #tpu.memory_space<hbm>>) target_semaphore(%arg13 : memref<!tpu.dma_semaphore, #tpu.memory_space<semaphore_mem>>)
    %dma_start3A_463 = arith.constant 0 : i32
    %dma_start3A_464 = arith.constant 1 : i32
    %dma_start3A_465 = arith.constant 0 : i32
    %dma_start3A_466 = arith.constant 0 : i32
    %dma_start3A_467 = arith.constant 0 : i32
    %dma_start3A_468 = tpu.memref_slice %arg10[%dma_start3A_463, %dma_start3A_465, %dma_start3A_466, %dma_start3A_467] : memref<2x3x128x128xf32, #tpu.memory_space<vmem>> -> memref<1x3x128x128xf32, #tpu.memory_space<vmem>>
    %dma_start3A_469 = tpu.memref_squeeze %dma_start3A_468 : memref<1x3x128x128xf32, #tpu.memory_space<vmem>> -> memref<3x128x128xf32, #tpu.memory_space<vmem>>
    %dma_start3A_470 = arith.constant 0 : i32
    %dma_start3A_471 = arith.constant 0 : i32
    %dma_start3A_472 = tpu.memref_slice %dma_start3A_469[%dma_start3A_464, %dma_start3A_470, %dma_start3A_471] : memref<3x128x128xf32, #tpu.memory_space<vmem>> -> memref<1x128x128xf32, #tpu.memory_space<vmem>>
    %dma_start3A_473 = tpu.memref_squeeze %dma_start3A_472 : memref<1x128x128xf32, #tpu.memory_space<vmem>> -> memref<128x128xf32, #tpu.memory_space<vmem>>
    %dma_start3A_474 = arith.constant 128 : i32
    %dma_start3A_475 = tpu.memref_slice %arg8[%add3A_438, %dma_start3A_474] : memref<819200x384xf32, #tpu.memory_space<hbm>> -> memref<128x128xf32, #tpu.memory_space<hbm>>
    %dma_start3A_476 = arith.constant 128 : i32
    %dma_start3A_477 = tpu.memref_slice %arg8[%add3A_438, %dma_start3A_476] : memref<819200x384xf32, #tpu.memory_space<hbm>> -> memref<128x128xf32, #tpu.memory_space<hbm>>
    %dma_start3A_478 = arith.constant 0 : i32
    %dma_start3A_479 = arith.constant 0 : i32
    %dma_start3A_480 = arith.constant 0 : i32
    %dma_start3A_481 = tpu.memref_slice %arg10[%dma_start3A_463, %dma_start3A_478, %dma_start3A_479, %dma_start3A_480] : memref<2x3x128x128xf32, #tpu.memory_space<vmem>> -> memref<1x3x128x128xf32, #tpu.memory_space<vmem>>
    %dma_start3A_482 = tpu.memref_squeeze %dma_start3A_481 : memref<1x3x128x128xf32, #tpu.memory_space<vmem>> -> memref<3x128x128xf32, #tpu.memory_space<vmem>>
    %dma_start3A_483 = arith.constant 0 : i32
    %dma_start3A_484 = arith.constant 0 : i32
    %dma_start3A_485 = tpu.memref_slice %dma_start3A_482[%dma_start3A_464, %dma_start3A_483, %dma_start3A_484] : memref<3x128x128xf32, #tpu.memory_space<vmem>> -> memref<1x128x128xf32, #tpu.memory_space<vmem>>
    %dma_start3A_486 = tpu.memref_squeeze %dma_start3A_485 : memref<1x128x128xf32, #tpu.memory_space<vmem>> -> memref<128x128xf32, #tpu.memory_space<vmem>>
    tpu.enqueue_dma source(%dma_start3A_486 : memref<128x128xf32, #tpu.memory_space<vmem>>) target(%dma_start3A_477 : memref<128x128xf32, #tpu.memory_space<hbm>>) target_semaphore(%arg13 : memref<!tpu.dma_semaphore, #tpu.memory_space<semaphore_mem>>)
    %dma_start3A_487 = arith.constant 0 : i32
    %dma_start3A_488 = arith.constant 2 : i32
    %dma_start3A_489 = arith.constant 0 : i32
    %dma_start3A_490 = arith.constant 0 : i32
    %dma_start3A_491 = arith.constant 0 : i32
    %dma_start3A_492 = tpu.memref_slice %arg10[%dma_start3A_487, %dma_start3A_489, %dma_start3A_490, %dma_start3A_491] : memref<2x3x128x128xf32, #tpu.memory_space<vmem>> -> memref<1x3x128x128xf32, #tpu.memory_space<vmem>>
    %dma_start3A_493 = tpu.memref_squeeze %dma_start3A_492 : memref<1x3x128x128xf32, #tpu.memory_space<vmem>> -> memref<3x128x128xf32, #tpu.memory_space<vmem>>
    %dma_start3A_494 = arith.constant 0 : i32
    %dma_start3A_495 = arith.constant 0 : i32
    %dma_start3A_496 = tpu.memref_slice %dma_start3A_493[%dma_start3A_488, %dma_start3A_494, %dma_start3A_495] : memref<3x128x128xf32, #tpu.memory_space<vmem>> -> memref<1x128x128xf32, #tpu.memory_space<vmem>>
    %dma_start3A_497 = tpu.memref_squeeze %dma_start3A_496 : memref<1x128x128xf32, #tpu.memory_space<vmem>> -> memref<128x128xf32, #tpu.memory_space<vmem>>
    %dma_start3A_498 = arith.constant 256 : i32
    %dma_start3A_499 = tpu.memref_slice %arg8[%add3A_438, %dma_start3A_498] : memref<819200x384xf32, #tpu.memory_space<hbm>> -> memref<128x128xf32, #tpu.memory_space<hbm>>
    %dma_start3A_500 = arith.constant 256 : i32
    %dma_start3A_501 = tpu.memref_slice %arg8[%add3A_438, %dma_start3A_500] : memref<819200x384xf32, #tpu.memory_space<hbm>> -> memref<128x128xf32, #tpu.memory_space<hbm>>
    %dma_start3A_502 = arith.constant 0 : i32
    %dma_start3A_503 = arith.constant 0 : i32
    %dma_start3A_504 = arith.constant 0 : i32
    %dma_start3A_505 = tpu.memref_slice %arg10[%dma_start3A_487, %dma_start3A_502, %dma_start3A_503, %dma_start3A_504] : memref<2x3x128x128xf32, #tpu.memory_space<vmem>> -> memref<1x3x128x128xf32, #tpu.memory_space<vmem>>
    %dma_start3A_506 = tpu.memref_squeeze %dma_start3A_505 : memref<1x3x128x128xf32, #tpu.memory_space<vmem>> -> memref<3x128x128xf32, #tpu.memory_space<vmem>>
    %dma_start3A_507 = arith.constant 0 : i32
    %dma_start3A_508 = arith.constant 0 : i32
    %dma_start3A_509 = tpu.memref_slice %dma_start3A_506[%dma_start3A_488, %dma_start3A_507, %dma_start3A_508] : memref<3x128x128xf32, #tpu.memory_space<vmem>> -> memref<1x128x128xf32, #tpu.memory_space<vmem>>
    %dma_start3A_510 = tpu.memref_squeeze %dma_start3A_509 : memref<1x128x128xf32, #tpu.memory_space<vmem>> -> memref<128x128xf32, #tpu.memory_space<vmem>>
    tpu.enqueue_dma source(%dma_start3A_510 : memref<128x128xf32, #tpu.memory_space<vmem>>) target(%dma_start3A_501 : memref<128x128xf32, #tpu.memory_space<hbm>>) target_semaphore(%arg13 : memref<!tpu.dma_semaphore, #tpu.memory_space<semaphore_mem>>)
    %dma_wait3A_511 = arith.constant 0 : i32
    %dma_wait3A_512 = arith.constant 0 : i32
    %dma_wait3A_513 = arith.constant 0 : i32
    %dma_wait3A_514 = arith.constant 0 : i32
    %dma_wait3A_515 = arith.constant 0 : i32
    %dma_wait3A_516 = tpu.memref_slice %arg10[%dma_wait3A_511, %dma_wait3A_513, %dma_wait3A_514, %dma_wait3A_515] : memref<2x3x128x128xf32, #tpu.memory_space<vmem>> -> memref<1x3x128x128xf32, #tpu.memory_space<vmem>>
    %dma_wait3A_517 = tpu.memref_squeeze %dma_wait3A_516 : memref<1x3x128x128xf32, #tpu.memory_space<vmem>> -> memref<3x128x128xf32, #tpu.memory_space<vmem>>
    %dma_wait3A_518 = arith.constant 0 : i32
    %dma_wait3A_519 = arith.constant 0 : i32
    %dma_wait3A_520 = tpu.memref_slice %dma_wait3A_517[%dma_wait3A_512, %dma_wait3A_518, %dma_wait3A_519] : memref<3x128x128xf32, #tpu.memory_space<vmem>> -> memref<1x128x128xf32, #tpu.memory_space<vmem>>
    %dma_wait3A_521 = tpu.memref_squeeze %dma_wait3A_520 : memref<1x128x128xf32, #tpu.memory_space<vmem>> -> memref<128x128xf32, #tpu.memory_space<vmem>>
    %dma_wait3A_522 = arith.constant 0 : i32
    %dma_wait3A_523 = tpu.memref_slice %arg8[%add3A_438, %dma_wait3A_522] : memref<819200x384xf32, #tpu.memory_space<hbm>> -> memref<128x128xf32, #tpu.memory_space<hbm>>
    %dma_wait3A_524 = arith.constant 0 : i32
    %dma_wait3A_525 = tpu.memref_slice %arg8[%add3A_438, %dma_wait3A_524] : memref<819200x384xf32, #tpu.memory_space<hbm>> -> memref<128x128xf32, #tpu.memory_space<hbm>>
    %dma_wait3A_526 = arith.constant 0 : i32
    %dma_wait3A_527 = arith.constant 0 : i32
    %dma_wait3A_528 = arith.constant 0 : i32
    %dma_wait3A_529 = tpu.memref_slice %arg10[%dma_wait3A_511, %dma_wait3A_526, %dma_wait3A_527, %dma_wait3A_528] : memref<2x3x128x128xf32, #tpu.memory_space<vmem>> -> memref<1x3x128x128xf32, #tpu.memory_space<vmem>>
    %dma_wait3A_530 = tpu.memref_squeeze %dma_wait3A_529 : memref<1x3x128x128xf32, #tpu.memory_space<vmem>> -> memref<3x128x128xf32, #tpu.memory_space<vmem>>
    %dma_wait3A_531 = arith.constant 0 : i32
    %dma_wait3A_532 = arith.constant 0 : i32
    %dma_wait3A_533 = tpu.memref_slice %dma_wait3A_530[%dma_wait3A_512, %dma_wait3A_531, %dma_wait3A_532] : memref<3x128x128xf32, #tpu.memory_space<vmem>> -> memref<1x128x128xf32, #tpu.memory_space<vmem>>
    %dma_wait3A_534 = tpu.memref_squeeze %dma_wait3A_533 : memref<1x128x128xf32, #tpu.memory_space<vmem>> -> memref<128x128xf32, #tpu.memory_space<vmem>>
    tpu.wait_dma2 semaphore(%arg13 : memref<!tpu.dma_semaphore, #tpu.memory_space<semaphore_mem>>) src(%dma_wait3A_534 : memref<128x128xf32, #tpu.memory_space<vmem>>) dst(%dma_wait3A_525 : memref<128x128xf32, #tpu.memory_space<hbm>>)
    %dma_wait3A_535 = arith.constant 0 : i32
    %dma_wait3A_536 = arith.constant 1 : i32
    %dma_wait3A_537 = arith.constant 0 : i32
    %dma_wait3A_538 = arith.constant 0 : i32
    %dma_wait3A_539 = arith.constant 0 : i32
    %dma_wait3A_540 = tpu.memref_slice %arg10[%dma_wait3A_535, %dma_wait3A_537, %dma_wait3A_538, %dma_wait3A_539] : memref<2x3x128x128xf32, #tpu.memory_space<vmem>> -> memref<1x3x128x128xf32, #tpu.memory_space<vmem>>
    %dma_wait3A_541 = tpu.memref_squeeze %dma_wait3A_540 : memref<1x3x128x128xf32, #tpu.memory_space<vmem>> -> memref<3x128x128xf32, #tpu.memory_space<vmem>>
    %dma_wait3A_542 = arith.constant 0 : i32
    %dma_wait3A_543 = arith.constant 0 : i32
    %dma_wait3A_544 = tpu.memref_slice %dma_wait3A_541[%dma_wait3A_536, %dma_wait3A_542, %dma_wait3A_543] : memref<3x128x128xf32, #tpu.memory_space<vmem>> -> memref<1x128x128xf32, #tpu.memory_space<vmem>>
    %dma_wait3A_545 = tpu.memref_squeeze %dma_wait3A_544 : memref<1x128x128xf32, #tpu.memory_space<vmem>> -> memref<128x128xf32, #tpu.memory_space<vmem>>
    %dma_wait3A_546 = arith.constant 128 : i32
    %dma_wait3A_547 = tpu.memref_slice %arg8[%add3A_438, %dma_wait3A_546] : memref<819200x384xf32, #tpu.memory_space<hbm>> -> memref<128x128xf32, #tpu.memory_space<hbm>>
    %dma_wait3A_548 = arith.constant 128 : i32
    %dma_wait3A_549 = tpu.memref_slice %arg8[%add3A_438, %dma_wait3A_548] : memref<819200x384xf32, #tpu.memory_space<hbm>> -> memref<128x128xf32, #tpu.memory_space<hbm>>
    %dma_wait3A_550 = arith.constant 0 : i32
    %dma_wait3A_551 = arith.constant 0 : i32
    %dma_wait3A_552 = arith.constant 0 : i32
    %dma_wait3A_553 = tpu.memref_slice %arg10[%dma_wait3A_535, %dma_wait3A_550, %dma_wait3A_551, %dma_wait3A_552] : memref<2x3x128x128xf32, #tpu.memory_space<vmem>> -> memref<1x3x128x128xf32, #tpu.memory_space<vmem>>
    %dma_wait3A_554 = tpu.memref_squeeze %dma_wait3A_553 : memref<1x3x128x128xf32, #tpu.memory_space<vmem>> -> memref<3x128x128xf32, #tpu.memory_space<vmem>>
    %dma_wait3A_555 = arith.constant 0 : i32
    %dma_wait3A_556 = arith.constant 0 : i32
    %dma_wait3A_557 = tpu.memref_slice %dma_wait3A_554[%dma_wait3A_536, %dma_wait3A_555, %dma_wait3A_556] : memref<3x128x128xf32, #tpu.memory_space<vmem>> -> memref<1x128x128xf32, #tpu.memory_space<vmem>>
    %dma_wait3A_558 = tpu.memref_squeeze %dma_wait3A_557 : memref<1x128x128xf32, #tpu.memory_space<vmem>> -> memref<128x128xf32, #tpu.memory_space<vmem>>
    tpu.wait_dma2 semaphore(%arg13 : memref<!tpu.dma_semaphore, #tpu.memory_space<semaphore_mem>>) src(%dma_wait3A_558 : memref<128x128xf32, #tpu.memory_space<vmem>>) dst(%dma_wait3A_549 : memref<128x128xf32, #tpu.memory_space<hbm>>)
    %dma_wait3A_559 = arith.constant 0 : i32
    %dma_wait3A_560 = arith.constant 2 : i32
    %dma_wait3A_561 = arith.constant 0 : i32
    %dma_wait3A_562 = arith.constant 0 : i32
    %dma_wait3A_563 = arith.constant 0 : i32
    %dma_wait3A_564 = tpu.memref_slice %arg10[%dma_wait3A_559, %dma_wait3A_561, %dma_wait3A_562, %dma_wait3A_563] : memref<2x3x128x128xf32, #tpu.memory_space<vmem>> -> memref<1x3x128x128xf32, #tpu.memory_space<vmem>>
    %dma_wait3A_565 = tpu.memref_squeeze %dma_wait3A_564 : memref<1x3x128x128xf32, #tpu.memory_space<vmem>> -> memref<3x128x128xf32, #tpu.memory_space<vmem>>
    %dma_wait3A_566 = arith.constant 0 : i32
    %dma_wait3A_567 = arith.constant 0 : i32
    %dma_wait3A_568 = tpu.memref_slice %dma_wait3A_565[%dma_wait3A_560, %dma_wait3A_566, %dma_wait3A_567] : memref<3x128x128xf32, #tpu.memory_space<vmem>> -> memref<1x128x128xf32, #tpu.memory_space<vmem>>
    %dma_wait3A_569 = tpu.memref_squeeze %dma_wait3A_568 : memref<1x128x128xf32, #tpu.memory_space<vmem>> -> memref<128x128xf32, #tpu.memory_space<vmem>>
    %dma_wait3A_570 = arith.constant 256 : i32
    %dma_wait3A_571 = tpu.memref_slice %arg8[%add3A_438, %dma_wait3A_570] : memref<819200x384xf32, #tpu.memory_space<hbm>> -> memref<128x128xf32, #tpu.memory_space<hbm>>
    %dma_wait3A_572 = arith.constant 256 : i32
    %dma_wait3A_573 = tpu.memref_slice %arg8[%add3A_438, %dma_wait3A_572] : memref<819200x384xf32, #tpu.memory_space<hbm>> -> memref<128x128xf32, #tpu.memory_space<hbm>>
    %dma_wait3A_574 = arith.constant 0 : i32
    %dma_wait3A_575 = arith.constant 0 : i32
    %dma_wait3A_576 = arith.constant 0 : i32
    %dma_wait3A_577 = tpu.memref_slice %arg10[%dma_wait3A_559, %dma_wait3A_574, %dma_wait3A_575, %dma_wait3A_576] : memref<2x3x128x128xf32, #tpu.memory_space<vmem>> -> memref<1x3x128x128xf32, #tpu.memory_space<vmem>>
    %dma_wait3A_578 = tpu.memref_squeeze %dma_wait3A_577 : memref<1x3x128x128xf32, #tpu.memory_space<vmem>> -> memref<3x128x128xf32, #tpu.memory_space<vmem>>
    %dma_wait3A_579 = arith.constant 0 : i32
    %dma_wait3A_580 = arith.constant 0 : i32
    %dma_wait3A_581 = tpu.memref_slice %dma_wait3A_578[%dma_wait3A_560, %dma_wait3A_579, %dma_wait3A_580] : memref<3x128x128xf32, #tpu.memory_space<vmem>> -> memref<1x128x128xf32, #tpu.memory_space<vmem>>
    %dma_wait3A_582 = tpu.memref_squeeze %dma_wait3A_581 : memref<1x128x128xf32, #tpu.memory_space<vmem>> -> memref<128x128xf32, #tpu.memory_space<vmem>>
    tpu.wait_dma2 semaphore(%arg13 : memref<!tpu.dma_semaphore, #tpu.memory_space<semaphore_mem>>) src(%dma_wait3A_582 : memref<128x128xf32, #tpu.memory_space<vmem>>) dst(%dma_wait3A_573 : memref<128x128xf32, #tpu.memory_space<hbm>>)
    %dma_wait3A_583 = arith.constant 1 : i32
    %dma_wait3A_584 = arith.constant 0 : i32
    %dma_wait3A_585 = arith.constant 1 : i32
    %dma_wait3A_586 = arith.constant 0 : i32
    %dma_wait3A_587 = arith.constant 0 : i32
    %dma_wait3A_588 = arith.constant 0 : i32
    %dma_wait3A_589 = arith.constant 0 : i32
    %dma_wait3A_590 = tpu.memref_slice %arg10[%dma_wait3A_585, %dma_wait3A_587, %dma_wait3A_588, %dma_wait3A_589] : memref<2x3x128x128xf32, #tpu.memory_space<vmem>> -> memref<1x3x128x128xf32, #tpu.memory_space<vmem>>
    %dma_wait3A_591 = tpu.memref_squeeze %dma_wait3A_590 : memref<1x3x128x128xf32, #tpu.memory_space<vmem>> -> memref<3x128x128xf32, #tpu.memory_space<vmem>>
    %dma_wait3A_592 = arith.constant 0 : i32
    %dma_wait3A_593 = arith.constant 0 : i32
    %dma_wait3A_594 = tpu.memref_slice %dma_wait3A_591[%dma_wait3A_586, %dma_wait3A_592, %dma_wait3A_593] : memref<3x128x128xf32, #tpu.memory_space<vmem>> -> memref<1x128x128xf32, #tpu.memory_space<vmem>>
    %dma_wait3A_595 = tpu.memref_squeeze %dma_wait3A_594 : memref<1x128x128xf32, #tpu.memory_space<vmem>> -> memref<128x128xf32, #tpu.memory_space<vmem>>
    %dma_wait3A_596 = arith.constant 0 : i32
    %dma_wait3A_597 = arith.constant 0 : i32
    %dma_wait3A_598 = tpu.memref_slice %arg9[%dma_wait3A_583, %dma_wait3A_596, %dma_wait3A_597] : memref<2x3x128xi32, #tpu.memory_space<vmem>> -> memref<1x3x128xi32, #tpu.memory_space<vmem>>
    %dma_wait3A_599 = tpu.memref_squeeze %dma_wait3A_598 : memref<1x3x128xi32, #tpu.memory_space<vmem>> -> memref<3x128xi32, #tpu.memory_space<vmem>>
    %dma_wait3A_600 = arith.constant 0 : i32
    %dma_wait3A_601 = tpu.memref_slice %dma_wait3A_599[%dma_wait3A_584, %dma_wait3A_600] : memref<3x128xi32, #tpu.memory_space<vmem>> -> memref<1x128xi32, #tpu.memory_space<vmem>>
    %dma_wait3A_602 = tpu.memref_squeeze %dma_wait3A_601 : memref<1x128xi32, #tpu.memory_space<vmem>> -> memref<128xi32, #tpu.memory_space<vmem>>
    %dma_wait3A_603 = arith.constant 0 : i32
    %dma_wait3A_604 = arith.constant 0 : i32
    %dma_wait3A_605 = tpu.memref_slice %arg5[%dma_wait3A_603, %dma_wait3A_604] : memref<361x128xf32, #tpu.memory_space<hbm>> -> memref<361x128xf32, #tpu.memory_space<hbm>>
    tpu.wait_indirect_dma semaphore(%arg12 : memref<!tpu.dma_semaphore, #tpu.memory_space<semaphore_mem>>) src(%dma_wait3A_605 : memref<361x128xf32, #tpu.memory_space<hbm>>) dst(%dma_wait3A_595 : memref<128x128xf32, #tpu.memory_space<vmem>>)
    %dma_wait3A_606 = arith.constant 1 : i32
    %dma_wait3A_607 = arith.constant 1 : i32
    %dma_wait3A_608 = arith.constant 1 : i32
    %dma_wait3A_609 = arith.constant 1 : i32
    %dma_wait3A_610 = arith.constant 0 : i32
    %dma_wait3A_611 = arith.constant 0 : i32
    %dma_wait3A_612 = arith.constant 0 : i32
    %dma_wait3A_613 = tpu.memref_slice %arg10[%dma_wait3A_608, %dma_wait3A_610, %dma_wait3A_611, %dma_wait3A_612] : memref<2x3x128x128xf32, #tpu.memory_space<vmem>> -> memref<1x3x128x128xf32, #tpu.memory_space<vmem>>
    %dma_wait3A_614 = tpu.memref_squeeze %dma_wait3A_613 : memref<1x3x128x128xf32, #tpu.memory_space<vmem>> -> memref<3x128x128xf32, #tpu.memory_space<vmem>>
    %dma_wait3A_615 = arith.constant 0 : i32
    %dma_wait3A_616 = arith.constant 0 : i32
    %dma_wait3A_617 = tpu.memref_slice %dma_wait3A_614[%dma_wait3A_609, %dma_wait3A_615, %dma_wait3A_616] : memref<3x128x128xf32, #tpu.memory_space<vmem>> -> memref<1x128x128xf32, #tpu.memory_space<vmem>>
    %dma_wait3A_618 = tpu.memref_squeeze %dma_wait3A_617 : memref<1x128x128xf32, #tpu.memory_space<vmem>> -> memref<128x128xf32, #tpu.memory_space<vmem>>
    %dma_wait3A_619 = arith.constant 0 : i32
    %dma_wait3A_620 = arith.constant 0 : i32
    %dma_wait3A_621 = tpu.memref_slice %arg9[%dma_wait3A_606, %dma_wait3A_619, %dma_wait3A_620] : memref<2x3x128xi32, #tpu.memory_space<vmem>> -> memref<1x3x128xi32, #tpu.memory_space<vmem>>
    %dma_wait3A_622 = tpu.memref_squeeze %dma_wait3A_621 : memref<1x3x128xi32, #tpu.memory_space<vmem>> -> memref<3x128xi32, #tpu.memory_space<vmem>>
    %dma_wait3A_623 = arith.constant 0 : i32
    %dma_wait3A_624 = tpu.memref_slice %dma_wait3A_622[%dma_wait3A_607, %dma_wait3A_623] : memref<3x128xi32, #tpu.memory_space<vmem>> -> memref<1x128xi32, #tpu.memory_space<vmem>>
    %dma_wait3A_625 = tpu.memref_squeeze %dma_wait3A_624 : memref<1x128xi32, #tpu.memory_space<vmem>> -> memref<128xi32, #tpu.memory_space<vmem>>
    %dma_wait3A_626 = arith.constant 0 : i32
    %dma_wait3A_627 = arith.constant 0 : i32
    %dma_wait3A_628 = tpu.memref_slice %arg6[%dma_wait3A_626, %dma_wait3A_627] : memref<361x128xf32, #tpu.memory_space<hbm>> -> memref<361x128xf32, #tpu.memory_space<hbm>>
    tpu.wait_indirect_dma semaphore(%arg12 : memref<!tpu.dma_semaphore, #tpu.memory_space<semaphore_mem>>) src(%dma_wait3A_628 : memref<361x128xf32, #tpu.memory_space<hbm>>) dst(%dma_wait3A_618 : memref<128x128xf32, #tpu.memory_space<vmem>>)
    %dma_wait3A_629 = arith.constant 1 : i32
    %dma_wait3A_630 = arith.constant 2 : i32
    %dma_wait3A_631 = arith.constant 1 : i32
    %dma_wait3A_632 = arith.constant 2 : i32
    %dma_wait3A_633 = arith.constant 0 : i32
    %dma_wait3A_634 = arith.constant 0 : i32
    %dma_wait3A_635 = arith.constant 0 : i32
    %dma_wait3A_636 = tpu.memref_slice %arg10[%dma_wait3A_631, %dma_wait3A_633, %dma_wait3A_634, %dma_wait3A_635] : memref<2x3x128x128xf32, #tpu.memory_space<vmem>> -> memref<1x3x128x128xf32, #tpu.memory_space<vmem>>
    %dma_wait3A_637 = tpu.memref_squeeze %dma_wait3A_636 : memref<1x3x128x128xf32, #tpu.memory_space<vmem>> -> memref<3x128x128xf32, #tpu.memory_space<vmem>>
    %dma_wait3A_638 = arith.constant 0 : i32
    %dma_wait3A_639 = arith.constant 0 : i32
    %dma_wait3A_640 = tpu.memref_slice %dma_wait3A_637[%dma_wait3A_632, %dma_wait3A_638, %dma_wait3A_639] : memref<3x128x128xf32, #tpu.memory_space<vmem>> -> memref<1x128x128xf32, #tpu.memory_space<vmem>>
    %dma_wait3A_641 = tpu.memref_squeeze %dma_wait3A_640 : memref<1x128x128xf32, #tpu.memory_space<vmem>> -> memref<128x128xf32, #tpu.memory_space<vmem>>
    %dma_wait3A_642 = arith.constant 0 : i32
    %dma_wait3A_643 = arith.constant 0 : i32
    %dma_wait3A_644 = tpu.memref_slice %arg9[%dma_wait3A_629, %dma_wait3A_642, %dma_wait3A_643] : memref<2x3x128xi32, #tpu.memory_space<vmem>> -> memref<1x3x128xi32, #tpu.memory_space<vmem>>
    %dma_wait3A_645 = tpu.memref_squeeze %dma_wait3A_644 : memref<1x3x128xi32, #tpu.memory_space<vmem>> -> memref<3x128xi32, #tpu.memory_space<vmem>>
    %dma_wait3A_646 = arith.constant 0 : i32
    %dma_wait3A_647 = tpu.memref_slice %dma_wait3A_645[%dma_wait3A_630, %dma_wait3A_646] : memref<3x128xi32, #tpu.memory_space<vmem>> -> memref<1x128xi32, #tpu.memory_space<vmem>>
    %dma_wait3A_648 = tpu.memref_squeeze %dma_wait3A_647 : memref<1x128xi32, #tpu.memory_space<vmem>> -> memref<128xi32, #tpu.memory_space<vmem>>
    %dma_wait3A_649 = arith.constant 0 : i32
    %dma_wait3A_650 = arith.constant 0 : i32
    %dma_wait3A_651 = tpu.memref_slice %arg7[%dma_wait3A_649, %dma_wait3A_650] : memref<361x128xf32, #tpu.memory_space<hbm>> -> memref<361x128xf32, #tpu.memory_space<hbm>>
    tpu.wait_indirect_dma semaphore(%arg12 : memref<!tpu.dma_semaphore, #tpu.memory_space<semaphore_mem>>) src(%dma_wait3A_651 : memref<361x128xf32, #tpu.memory_space<hbm>>) dst(%dma_wait3A_641 : memref<128x128xf32, #tpu.memory_space<vmem>>)
    %add3A_652 = arith.constant 25472 : i32
    %add3A_653 = arith.addi %mul3A_2, %add3A_652 : i32
    %dma_start3A_654 = arith.constant 1 : i32
    %dma_start3A_655 = arith.constant 0 : i32
    %dma_start3A_656 = arith.constant 0 : i32
    %dma_start3A_657 = arith.constant 0 : i32
    %dma_start3A_658 = arith.constant 0 : i32
    %dma_start3A_659 = tpu.memref_slice %arg10[%dma_start3A_654, %dma_start3A_656, %dma_start3A_657, %dma_start3A_658] : memref<2x3x128x128xf32, #tpu.memory_space<vmem>> -> memref<1x3x128x128xf32, #tpu.memory_space<vmem>>
    %dma_start3A_660 = tpu.memref_squeeze %dma_start3A_659 : memref<1x3x128x128xf32, #tpu.memory_space<vmem>> -> memref<3x128x128xf32, #tpu.memory_space<vmem>>
    %dma_start3A_661 = arith.constant 0 : i32
    %dma_start3A_662 = arith.constant 0 : i32
    %dma_start3A_663 = tpu.memref_slice %dma_start3A_660[%dma_start3A_655, %dma_start3A_661, %dma_start3A_662] : memref<3x128x128xf32, #tpu.memory_space<vmem>> -> memref<1x128x128xf32, #tpu.memory_space<vmem>>
    %dma_start3A_664 = tpu.memref_squeeze %dma_start3A_663 : memref<1x128x128xf32, #tpu.memory_space<vmem>> -> memref<128x128xf32, #tpu.memory_space<vmem>>
    %dma_start3A_665 = arith.constant 0 : i32
    %dma_start3A_666 = tpu.memref_slice %arg8[%add3A_653, %dma_start3A_665] : memref<819200x384xf32, #tpu.memory_space<hbm>> -> memref<128x128xf32, #tpu.memory_space<hbm>>
    %dma_start3A_667 = arith.constant 0 : i32
    %dma_start3A_668 = tpu.memref_slice %arg8[%add3A_653, %dma_start3A_667] : memref<819200x384xf32, #tpu.memory_space<hbm>> -> memref<128x128xf32, #tpu.memory_space<hbm>>
    %dma_start3A_669 = arith.constant 0 : i32
    %dma_start3A_670 = arith.constant 0 : i32
    %dma_start3A_671 = arith.constant 0 : i32
    %dma_start3A_672 = tpu.memref_slice %arg10[%dma_start3A_654, %dma_start3A_669, %dma_start3A_670, %dma_start3A_671] : memref<2x3x128x128xf32, #tpu.memory_space<vmem>> -> memref<1x3x128x128xf32, #tpu.memory_space<vmem>>
    %dma_start3A_673 = tpu.memref_squeeze %dma_start3A_672 : memref<1x3x128x128xf32, #tpu.memory_space<vmem>> -> memref<3x128x128xf32, #tpu.memory_space<vmem>>
    %dma_start3A_674 = arith.constant 0 : i32
    %dma_start3A_675 = arith.constant 0 : i32
    %dma_start3A_676 = tpu.memref_slice %dma_start3A_673[%dma_start3A_655, %dma_start3A_674, %dma_start3A_675] : memref<3x128x128xf32, #tpu.memory_space<vmem>> -> memref<1x128x128xf32, #tpu.memory_space<vmem>>
    %dma_start3A_677 = tpu.memref_squeeze %dma_start3A_676 : memref<1x128x128xf32, #tpu.memory_space<vmem>> -> memref<128x128xf32, #tpu.memory_space<vmem>>
    tpu.enqueue_dma source(%dma_start3A_677 : memref<128x128xf32, #tpu.memory_space<vmem>>) target(%dma_start3A_668 : memref<128x128xf32, #tpu.memory_space<hbm>>) target_semaphore(%arg14 : memref<!tpu.dma_semaphore, #tpu.memory_space<semaphore_mem>>)
    %dma_start3A_678 = arith.constant 1 : i32
    %dma_start3A_679 = arith.constant 1 : i32
    %dma_start3A_680 = arith.constant 0 : i32
    %dma_start3A_681 = arith.constant 0 : i32
    %dma_start3A_682 = arith.constant 0 : i32
    %dma_start3A_683 = tpu.memref_slice %arg10[%dma_start3A_678, %dma_start3A_680, %dma_start3A_681, %dma_start3A_682] : memref<2x3x128x128xf32, #tpu.memory_space<vmem>> -> memref<1x3x128x128xf32, #tpu.memory_space<vmem>>
    %dma_start3A_684 = tpu.memref_squeeze %dma_start3A_683 : memref<1x3x128x128xf32, #tpu.memory_space<vmem>> -> memref<3x128x128xf32, #tpu.memory_space<vmem>>
    %dma_start3A_685 = arith.constant 0 : i32
    %dma_start3A_686 = arith.constant 0 : i32
    %dma_start3A_687 = tpu.memref_slice %dma_start3A_684[%dma_start3A_679, %dma_start3A_685, %dma_start3A_686] : memref<3x128x128xf32, #tpu.memory_space<vmem>> -> memref<1x128x128xf32, #tpu.memory_space<vmem>>
    %dma_start3A_688 = tpu.memref_squeeze %dma_start3A_687 : memref<1x128x128xf32, #tpu.memory_space<vmem>> -> memref<128x128xf32, #tpu.memory_space<vmem>>
    %dma_start3A_689 = arith.constant 128 : i32
    %dma_start3A_690 = tpu.memref_slice %arg8[%add3A_653, %dma_start3A_689] : memref<819200x384xf32, #tpu.memory_space<hbm>> -> memref<128x128xf32, #tpu.memory_space<hbm>>
    %dma_start3A_691 = arith.constant 128 : i32
    %dma_start3A_692 = tpu.memref_slice %arg8[%add3A_653, %dma_start3A_691] : memref<819200x384xf32, #tpu.memory_space<hbm>> -> memref<128x128xf32, #tpu.memory_space<hbm>>
    %dma_start3A_693 = arith.constant 0 : i32
    %dma_start3A_694 = arith.constant 0 : i32
    %dma_start3A_695 = arith.constant 0 : i32
    %dma_start3A_696 = tpu.memref_slice %arg10[%dma_start3A_678, %dma_start3A_693, %dma_start3A_694, %dma_start3A_695] : memref<2x3x128x128xf32, #tpu.memory_space<vmem>> -> memref<1x3x128x128xf32, #tpu.memory_space<vmem>>
    %dma_start3A_697 = tpu.memref_squeeze %dma_start3A_696 : memref<1x3x128x128xf32, #tpu.memory_space<vmem>> -> memref<3x128x128xf32, #tpu.memory_space<vmem>>
    %dma_start3A_698 = arith.constant 0 : i32
    %dma_start3A_699 = arith.constant 0 : i32
    %dma_start3A_700 = tpu.memref_slice %dma_start3A_697[%dma_start3A_679, %dma_start3A_698, %dma_start3A_699] : memref<3x128x128xf32, #tpu.memory_space<vmem>> -> memref<1x128x128xf32, #tpu.memory_space<vmem>>
    %dma_start3A_701 = tpu.memref_squeeze %dma_start3A_700 : memref<1x128x128xf32, #tpu.memory_space<vmem>> -> memref<128x128xf32, #tpu.memory_space<vmem>>
    tpu.enqueue_dma source(%dma_start3A_701 : memref<128x128xf32, #tpu.memory_space<vmem>>) target(%dma_start3A_692 : memref<128x128xf32, #tpu.memory_space<hbm>>) target_semaphore(%arg14 : memref<!tpu.dma_semaphore, #tpu.memory_space<semaphore_mem>>)
    %dma_start3A_702 = arith.constant 1 : i32
    %dma_start3A_703 = arith.constant 2 : i32
    %dma_start3A_704 = arith.constant 0 : i32
    %dma_start3A_705 = arith.constant 0 : i32
    %dma_start3A_706 = arith.constant 0 : i32
    %dma_start3A_707 = tpu.memref_slice %arg10[%dma_start3A_702, %dma_start3A_704, %dma_start3A_705, %dma_start3A_706] : memref<2x3x128x128xf32, #tpu.memory_space<vmem>> -> memref<1x3x128x128xf32, #tpu.memory_space<vmem>>
    %dma_start3A_708 = tpu.memref_squeeze %dma_start3A_707 : memref<1x3x128x128xf32, #tpu.memory_space<vmem>> -> memref<3x128x128xf32, #tpu.memory_space<vmem>>
    %dma_start3A_709 = arith.constant 0 : i32
    %dma_start3A_710 = arith.constant 0 : i32
    %dma_start3A_711 = tpu.memref_slice %dma_start3A_708[%dma_start3A_703, %dma_start3A_709, %dma_start3A_710] : memref<3x128x128xf32, #tpu.memory_space<vmem>> -> memref<1x128x128xf32, #tpu.memory_space<vmem>>
    %dma_start3A_712 = tpu.memref_squeeze %dma_start3A_711 : memref<1x128x128xf32, #tpu.memory_space<vmem>> -> memref<128x128xf32, #tpu.memory_space<vmem>>
    %dma_start3A_713 = arith.constant 256 : i32
    %dma_start3A_714 = tpu.memref_slice %arg8[%add3A_653, %dma_start3A_713] : memref<819200x384xf32, #tpu.memory_space<hbm>> -> memref<128x128xf32, #tpu.memory_space<hbm>>
    %dma_start3A_715 = arith.constant 256 : i32
    %dma_start3A_716 = tpu.memref_slice %arg8[%add3A_653, %dma_start3A_715] : memref<819200x384xf32, #tpu.memory_space<hbm>> -> memref<128x128xf32, #tpu.memory_space<hbm>>
    %dma_start3A_717 = arith.constant 0 : i32
    %dma_start3A_718 = arith.constant 0 : i32
    %dma_start3A_719 = arith.constant 0 : i32
    %dma_start3A_720 = tpu.memref_slice %arg10[%dma_start3A_702, %dma_start3A_717, %dma_start3A_718, %dma_start3A_719] : memref<2x3x128x128xf32, #tpu.memory_space<vmem>> -> memref<1x3x128x128xf32, #tpu.memory_space<vmem>>
    %dma_start3A_721 = tpu.memref_squeeze %dma_start3A_720 : memref<1x3x128x128xf32, #tpu.memory_space<vmem>> -> memref<3x128x128xf32, #tpu.memory_space<vmem>>
    %dma_start3A_722 = arith.constant 0 : i32
    %dma_start3A_723 = arith.constant 0 : i32
    %dma_start3A_724 = tpu.memref_slice %dma_start3A_721[%dma_start3A_703, %dma_start3A_722, %dma_start3A_723] : memref<3x128x128xf32, #tpu.memory_space<vmem>> -> memref<1x128x128xf32, #tpu.memory_space<vmem>>
    %dma_start3A_725 = tpu.memref_squeeze %dma_start3A_724 : memref<1x128x128xf32, #tpu.memory_space<vmem>> -> memref<128x128xf32, #tpu.memory_space<vmem>>
    tpu.enqueue_dma source(%dma_start3A_725 : memref<128x128xf32, #tpu.memory_space<vmem>>) target(%dma_start3A_716 : memref<128x128xf32, #tpu.memory_space<hbm>>) target_semaphore(%arg14 : memref<!tpu.dma_semaphore, #tpu.memory_space<semaphore_mem>>)
    %dma_wait3A_726 = arith.constant 1 : i32
    %dma_wait3A_727 = arith.constant 0 : i32
    %dma_wait3A_728 = arith.constant 0 : i32
    %dma_wait3A_729 = arith.constant 0 : i32
    %dma_wait3A_730 = arith.constant 0 : i32
    %dma_wait3A_731 = tpu.memref_slice %arg10[%dma_wait3A_726, %dma_wait3A_728, %dma_wait3A_729, %dma_wait3A_730] : memref<2x3x128x128xf32, #tpu.memory_space<vmem>> -> memref<1x3x128x128xf32, #tpu.memory_space<vmem>>
    %dma_wait3A_732 = tpu.memref_squeeze %dma_wait3A_731 : memref<1x3x128x128xf32, #tpu.memory_space<vmem>> -> memref<3x128x128xf32, #tpu.memory_space<vmem>>
    %dma_wait3A_733 = arith.constant 0 : i32
    %dma_wait3A_734 = arith.constant 0 : i32
    %dma_wait3A_735 = tpu.memref_slice %dma_wait3A_732[%dma_wait3A_727, %dma_wait3A_733, %dma_wait3A_734] : memref<3x128x128xf32, #tpu.memory_space<vmem>> -> memref<1x128x128xf32, #tpu.memory_space<vmem>>
    %dma_wait3A_736 = tpu.memref_squeeze %dma_wait3A_735 : memref<1x128x128xf32, #tpu.memory_space<vmem>> -> memref<128x128xf32, #tpu.memory_space<vmem>>
    %dma_wait3A_737 = arith.constant 0 : i32
    %dma_wait3A_738 = tpu.memref_slice %arg8[%add3A_653, %dma_wait3A_737] : memref<819200x384xf32, #tpu.memory_space<hbm>> -> memref<128x128xf32, #tpu.memory_space<hbm>>
    %dma_wait3A_739 = arith.constant 0 : i32
    %dma_wait3A_740 = tpu.memref_slice %arg8[%add3A_653, %dma_wait3A_739] : memref<819200x384xf32, #tpu.memory_space<hbm>> -> memref<128x128xf32, #tpu.memory_space<hbm>>
    %dma_wait3A_741 = arith.constant 0 : i32
    %dma_wait3A_742 = arith.constant 0 : i32
    %dma_wait3A_743 = arith.constant 0 : i32
    %dma_wait3A_744 = tpu.memref_slice %arg10[%dma_wait3A_726, %dma_wait3A_741, %dma_wait3A_742, %dma_wait3A_743] : memref<2x3x128x128xf32, #tpu.memory_space<vmem>> -> memref<1x3x128x128xf32, #tpu.memory_space<vmem>>
    %dma_wait3A_745 = tpu.memref_squeeze %dma_wait3A_744 : memref<1x3x128x128xf32, #tpu.memory_space<vmem>> -> memref<3x128x128xf32, #tpu.memory_space<vmem>>
    %dma_wait3A_746 = arith.constant 0 : i32
    %dma_wait3A_747 = arith.constant 0 : i32
    %dma_wait3A_748 = tpu.memref_slice %dma_wait3A_745[%dma_wait3A_727, %dma_wait3A_746, %dma_wait3A_747] : memref<3x128x128xf32, #tpu.memory_space<vmem>> -> memref<1x128x128xf32, #tpu.memory_space<vmem>>
    %dma_wait3A_749 = tpu.memref_squeeze %dma_wait3A_748 : memref<1x128x128xf32, #tpu.memory_space<vmem>> -> memref<128x128xf32, #tpu.memory_space<vmem>>
    tpu.wait_dma2 semaphore(%arg14 : memref<!tpu.dma_semaphore, #tpu.memory_space<semaphore_mem>>) src(%dma_wait3A_749 : memref<128x128xf32, #tpu.memory_space<vmem>>) dst(%dma_wait3A_740 : memref<128x128xf32, #tpu.memory_space<hbm>>)
    %dma_wait3A_750 = arith.constant 1 : i32
    %dma_wait3A_751 = arith.constant 1 : i32
    %dma_wait3A_752 = arith.constant 0 : i32
    %dma_wait3A_753 = arith.constant 0 : i32
    %dma_wait3A_754 = arith.constant 0 : i32
    %dma_wait3A_755 = tpu.memref_slice %arg10[%dma_wait3A_750, %dma_wait3A_752, %dma_wait3A_753, %dma_wait3A_754] : memref<2x3x128x128xf32, #tpu.memory_space<vmem>> -> memref<1x3x128x128xf32, #tpu.memory_space<vmem>>
    %dma_wait3A_756 = tpu.memref_squeeze %dma_wait3A_755 : memref<1x3x128x128xf32, #tpu.memory_space<vmem>> -> memref<3x128x128xf32, #tpu.memory_space<vmem>>
    %dma_wait3A_757 = arith.constant 0 : i32
    %dma_wait3A_758 = arith.constant 0 : i32
    %dma_wait3A_759 = tpu.memref_slice %dma_wait3A_756[%dma_wait3A_751, %dma_wait3A_757, %dma_wait3A_758] : memref<3x128x128xf32, #tpu.memory_space<vmem>> -> memref<1x128x128xf32, #tpu.memory_space<vmem>>
    %dma_wait3A_760 = tpu.memref_squeeze %dma_wait3A_759 : memref<1x128x128xf32, #tpu.memory_space<vmem>> -> memref<128x128xf32, #tpu.memory_space<vmem>>
    %dma_wait3A_761 = arith.constant 128 : i32
    %dma_wait3A_762 = tpu.memref_slice %arg8[%add3A_653, %dma_wait3A_761] : memref<819200x384xf32, #tpu.memory_space<hbm>> -> memref<128x128xf32, #tpu.memory_space<hbm>>
    %dma_wait3A_763 = arith.constant 128 : i32
    %dma_wait3A_764 = tpu.memref_slice %arg8[%add3A_653, %dma_wait3A_763] : memref<819200x384xf32, #tpu.memory_space<hbm>> -> memref<128x128xf32, #tpu.memory_space<hbm>>
    %dma_wait3A_765 = arith.constant 0 : i32
    %dma_wait3A_766 = arith.constant 0 : i32
    %dma_wait3A_767 = arith.constant 0 : i32
    %dma_wait3A_768 = tpu.memref_slice %arg10[%dma_wait3A_750, %dma_wait3A_765, %dma_wait3A_766, %dma_wait3A_767] : memref<2x3x128x128xf32, #tpu.memory_space<vmem>> -> memref<1x3x128x128xf32, #tpu.memory_space<vmem>>
    %dma_wait3A_769 = tpu.memref_squeeze %dma_wait3A_768 : memref<1x3x128x128xf32, #tpu.memory_space<vmem>> -> memref<3x128x128xf32, #tpu.memory_space<vmem>>
    %dma_wait3A_770 = arith.constant 0 : i32
    %dma_wait3A_771 = arith.constant 0 : i32
    %dma_wait3A_772 = tpu.memref_slice %dma_wait3A_769[%dma_wait3A_751, %dma_wait3A_770, %dma_wait3A_771] : memref<3x128x128xf32, #tpu.memory_space<vmem>> -> memref<1x128x128xf32, #tpu.memory_space<vmem>>
    %dma_wait3A_773 = tpu.memref_squeeze %dma_wait3A_772 : memref<1x128x128xf32, #tpu.memory_space<vmem>> -> memref<128x128xf32, #tpu.memory_space<vmem>>
    tpu.wait_dma2 semaphore(%arg14 : memref<!tpu.dma_semaphore, #tpu.memory_space<semaphore_mem>>) src(%dma_wait3A_773 : memref<128x128xf32, #tpu.memory_space<vmem>>) dst(%dma_wait3A_764 : memref<128x128xf32, #tpu.memory_space<hbm>>)
    %dma_wait3A_774 = arith.constant 1 : i32
    %dma_wait3A_775 = arith.constant 2 : i32
    %dma_wait3A_776 = arith.constant 0 : i32
    %dma_wait3A_777 = arith.constant 0 : i32
    %dma_wait3A_778 = arith.constant 0 : i32
    %dma_wait3A_779 = tpu.memref_slice %arg10[%dma_wait3A_774, %dma_wait3A_776, %dma_wait3A_777, %dma_wait3A_778] : memref<2x3x128x128xf32, #tpu.memory_space<vmem>> -> memref<1x3x128x128xf32, #tpu.memory_space<vmem>>
    %dma_wait3A_780 = tpu.memref_squeeze %dma_wait3A_779 : memref<1x3x128x128xf32, #tpu.memory_space<vmem>> -> memref<3x128x128xf32, #tpu.memory_space<vmem>>
    %dma_wait3A_781 = arith.constant 0 : i32
    %dma_wait3A_782 = arith.constant 0 : i32
    %dma_wait3A_783 = tpu.memref_slice %dma_wait3A_780[%dma_wait3A_775, %dma_wait3A_781, %dma_wait3A_782] : memref<3x128x128xf32, #tpu.memory_space<vmem>> -> memref<1x128x128xf32, #tpu.memory_space<vmem>>
    %dma_wait3A_784 = tpu.memref_squeeze %dma_wait3A_783 : memref<1x128x128xf32, #tpu.memory_space<vmem>> -> memref<128x128xf32, #tpu.memory_space<vmem>>
    %dma_wait3A_785 = arith.constant 256 : i32
    %dma_wait3A_786 = tpu.memref_slice %arg8[%add3A_653, %dma_wait3A_785] : memref<819200x384xf32, #tpu.memory_space<hbm>> -> memref<128x128xf32, #tpu.memory_space<hbm>>
    %dma_wait3A_787 = arith.constant 256 : i32
    %dma_wait3A_788 = tpu.memref_slice %arg8[%add3A_653, %dma_wait3A_787] : memref<819200x384xf32, #tpu.memory_space<hbm>> -> memref<128x128xf32, #tpu.memory_space<hbm>>
    %dma_wait3A_789 = arith.constant 0 : i32
    %dma_wait3A_790 = arith.constant 0 : i32
    %dma_wait3A_791 = arith.constant 0 : i32
    %dma_wait3A_792 = tpu.memref_slice %arg10[%dma_wait3A_774, %dma_wait3A_789, %dma_wait3A_790, %dma_wait3A_791] : memref<2x3x128x128xf32, #tpu.memory_space<vmem>> -> memref<1x3x128x128xf32, #tpu.memory_space<vmem>>
    %dma_wait3A_793 = tpu.memref_squeeze %dma_wait3A_792 : memref<1x3x128x128xf32, #tpu.memory_space<vmem>> -> memref<3x128x128xf32, #tpu.memory_space<vmem>>
    %dma_wait3A_794 = arith.constant 0 : i32
    %dma_wait3A_795 = arith.constant 0 : i32
    %dma_wait3A_796 = tpu.memref_slice %dma_wait3A_793[%dma_wait3A_775, %dma_wait3A_794, %dma_wait3A_795] : memref<3x128x128xf32, #tpu.memory_space<vmem>> -> memref<1x128x128xf32, #tpu.memory_space<vmem>>
    %dma_wait3A_797 = tpu.memref_squeeze %dma_wait3A_796 : memref<1x128x128xf32, #tpu.memory_space<vmem>> -> memref<128x128xf32, #tpu.memory_space<vmem>>
    tpu.wait_dma2 semaphore(%arg14 : memref<!tpu.dma_semaphore, #tpu.memory_space<semaphore_mem>>) src(%dma_wait3A_797 : memref<128x128xf32, #tpu.memory_space<vmem>>) dst(%dma_wait3A_788 : memref<128x128xf32, #tpu.memory_space<hbm>>)
    return
  }
}

</mosaic_0001>

<sc_bundles>
// kernel: kernel.3.cloned.1.call-start
scs
__scs_entry_jumppad:
0x0: {  	(pc) =	sbr.rel $0x88, $3  }
0x1: {  	(tag) =	ssettag $0x0;
	lr =	simm.s32 $0x1  }
0x2: {  	[smem:$0x3F9D] =	sst lr;
	_ =	strace $0xD0000000  }
0x3: {  	_ = 	snop  }
0x4: {  	_ = 	snop  }
0x5: {  	_ = 	snop  }
0x6: {  	_ = 	snop  }
0x7: {  	_ = 	snop  }
__scs_overlays_trampoline_lowered:
0x8: {  	[smem:$0x3FAC] =	sst s0  }
0x9: {  	[smem:$0x3FAD] =	sst s1  }
0xa: {  	[smem:$0x3FAE] =	sst s2  }
0xb: {  	[smem:$0x3FAF] =	sst s3  }
0xc: {  	[smem:$0x3FB0] =	sst s4  }
0xd: {  	[smem:$0x3FB1] =	sst s5  }
0xe: {  	[smem:$0x3FB2] =	sst s6  }
0xf: {  	[smem:$0x3FB3] =	sst s7  }
0x10: {  	[smem:$0x3FB4] =	sst s8  }
0x11: {  	[smem:$0x3FB5] =	sst s9;
	s0 =	simm.s32 @!p0 $0x0  }
0x12: {  	s1 =	sld [smem:$0x3F9B];
	s0 =	simm.s32 @p0 $0x1  }
0x13: {  	[smem:$0x3FB6] =	sst s0;
	s0 =	simm.s32 @!p1 $0x0  }
0x14: {  	s2 =	sld [smem:$0x3F9A];
	s0 =	simm.s32 @p1 $0x1  }
0x15: {  	[smem:$0x3FB7] =	sst s0;
	s0 =	simm.s32 @!p2 $0x0  }
0x16: {  	s3 =	sld [smem:$0x3FDB];
	s0 =	simm.s32 @p2 $0x1  }
0x17: {  	s4 =	simm.s32 $0x1BF5;
	[smem:$0x3FB9] =	sst s0  }
0x18: {  	s0 =	sld [smem:$0x3F9C];
	_ =	swait.ge [sflag:s4], $0x0  }
0x19: {  	s7 =	sld [smem:$0x3F9D]  }
0x1a: {  	s8 =	sadd.s32 $0xFFFFE003, lr  }
0x1b: {  	s9 =	sadd.s32 $0xFFFFFEF7, lr;
	s5 =	simm.s32 $0xFFFFFFFF;
	p2 =	slt.u32 s8, $0xFFFFF086  }
0x1c: {  	p1 =	slt.u32 s9, $0xF7A;
	s5 =	simm.s32 @!p2 $0x0  }
0x1d: {  	s5 =	simm.s32 @p1 $0x1;
	p0 =	seq.s32 s7, s2  }
0x1e: {  	s7 =	smul.u32 @!p0 $0xF7A, s2;
	p2 =	seq.s32 @!p0 s5, $0x0  }
0x1f: {  	s9 =	smul.u32 $0xF7A, s1;
	s8 =	simm.s32 @!p0 $0x1BF5;
	p2 =	por !p2, p0  }
0x20: {  	[sflag:s8] =	ssyncset.s32 @!p0 $0xFFFFF086;
	s6 =	sadd.s32 @!p0 s3, s7;
	s7 =	simm.s32 @!p0 $0x108  }
0x21: {  	s3 =	sadd.s32 s3, s9;
	s6 =	sadd.s32 @!p0 $0x88, s6;
	s7 =	simm.s32 @p2 $0x1082  }
0x22: {  	[simem:s7], [sflag:s8] =	dma.local @!p0 [hbm:s6], $0xF7A  }
0x23: {  	s9 =	sor.u32 $0xD0000000, s2;
	s6 =	simm.s32 $0x108;
	_ =	swait.ge @!p0 [sflag:s8], $0x0  }
0x24: {  	s3 =	sadd.s32 $0x88, s3;
	s6 =	simm.s32 @!p1 $0x1082;
	[sflag:s4] =	ssyncset.s32 $0xFFFFF086  }
0x25: {  	[simem:s6], [sflag:s4] =	dma.local [hbm:s3], $0xF7A  }
0x26: {  	[smem:$0x3F9D] =	sst s1;
	(tag) =	ssettag s2;
	_ =	strace s9  }
0x27: {  	s1 =	sld [smem:$0x3FAD]  }
0x28: {  	s2 =	sld [smem:$0x3FAE]  }
0x29: {  	s4 =	sld [smem:$0x3FB0]  }
0x2a: {  	p0 =	seq.s32 s5, $0x0;
	s5 =	sld [smem:$0x3FB1]  }
0x2b: {  	s6 =	sld [smem:$0x3FB2]  }
0x2c: {  	s7 =	sld [smem:$0x3FB3]  }
0x2d: {  	s3 =	simm.s32 $0x108;
	s8 =	sld [smem:$0x3FB4]  }
0x2e: {  	s3 =	simm.s32 @!p0 $0x1082;
	s9 =	sld [smem:$0x3FB5]  }
0x2f: {  	lr =	sadd.s32 s0, s3;
	s0 =	sld [smem:$0x3FAC]  }
0x30: {  	s3 =	sld [smem:$0x3FAF]  }
0x31: {  	[smem:$0x3FB8] =	sst s10  }
0x32: {  	s10 =	sld [smem:$0x3FB6];
	_ =	sdelay $0x3  }
0x33: {  	p0 =	seq.s32 s10, $0x1;
	s10 =	sld [smem:$0x3FB8];
	_ =	sdelay $0x3  }
0x34: {  	[smem:$0x3FB8] =	sst s10  }
0x35: {  	s10 =	sld [smem:$0x3FB7];
	_ =	sdelay $0x3  }
0x36: {  	p1 =	seq.s32 s10, $0x1;
	s10 =	sld [smem:$0x3FB8];
	_ =	sdelay $0x3  }
0x37: {  	[smem:$0x3FB8] =	sst s10  }
0x38: {  	s10 =	sld [smem:$0x3FB9]  }
0x39: {  	_ = 	snop;
	(pc) =	sbr.ind lr, $3  }
0x3a: {  	_ = 	snop  }
0x3b: {  	_ = 	snop  }
0x3c: {  	p2 =	seq.s32 s10, $0x1;
	s10 =	sld [smem:$0x3FB8]  }
0x3d: {  	_ =	shalt  }
0x3e: {  	_ =	shalt  }
0x3f: {  	_ =	shalt  }
0x40: {  	_ =	shalt  }
0x41: {  	_ =	shalt  }
0x42: {  	_ =	shalt  }
0x43: {  	_ =	shalt  }
0x44: {  	_ =	shalt  }
0x45: {  	_ =	shalt  }
0x46: {  	_ =	shalt  }
0x47: {  	_ =	shalt  }
0x48: {  	_ =	shalt  }
0x49: {  	_ =	shalt  }
0x4a: {  	_ =	shalt  }
0x4b: {  	_ =	shalt  }
0x4c: {  	_ =	shalt  }
0x4d: {  	_ =	shalt  }
0x4e: {  	_ =	shalt  }
0x4f: {  	_ =	shalt  }
0x50: {  	_ =	shalt  }
0x51: {  	_ =	shalt  }
0x52: {  	_ =	shalt  }
0x53: {  	_ =	shalt  }
0x54: {  	_ =	shalt  }
0x55: {  	_ =	shalt  }
0x56: {  	_ =	shalt  }
0x57: {  	_ =	shalt  }
0x58: {  	_ =	shalt  }
0x59: {  	_ =	shalt  }
0x5a: {  	_ =	shalt  }
0x5b: {  	_ =	shalt  }
0x5c: {  	_ =	shalt  }
0x5d: {  	_ =	shalt  }
0x5e: {  	_ =	shalt  }
0x5f: {  	_ =	shalt  }
0x60: {  	_ =	shalt  }
0x61: {  	_ =	shalt  }
0x62: {  	_ =	shalt  }
0x63: {  	_ =	shalt  }
0x64: {  	_ =	shalt  }
0x65: {  	_ =	shalt  }
0x66: {  	_ =	shalt  }
0x67: {  	_ =	shalt  }
0x68: {  	_ =	shalt  }
0x69: {  	_ =	shalt  }
0x6a: {  	_ =	shalt  }
0x6b: {  	_ =	shalt  }
0x6c: {  	_ =	shalt  }
0x6d: {  	_ =	shalt  }
0x6e: {  	_ =	shalt  }
0x6f: {  	_ =	shalt  }
0x70: {  	_ =	shalt  }
0x71: {  	_ =	shalt  }
0x72: {  	_ =	shalt  }
0x73: {  	_ =	shalt  }
0x74: {  	_ =	shalt  }
0x75: {  	_ =	shalt  }
0x76: {  	_ =	shalt  }
0x77: {  	_ =	shalt  }
0x78: {  	_ =	shalt  }
0x79: {  	_ =	shalt  }
0x7a: {  	_ =	shalt  }
0x7b: {  	_ =	shalt  }
0x7c: {  	_ =	shalt  }
0x7d: {  	_ =	shalt  }
0x7e: {  	_ =	shalt  }
0x7f: {  	_ =	shalt  }
0x80: {  	_ =	shalt  }
0x81: {  	_ =	shalt  }
0x82: {  	_ =	shalt  }
0x83: {  	_ =	shalt  }
0x84: {  	_ =	shalt  }
0x85: {  	_ =	shalt  }
0x86: {  	_ =	shalt  }
0x87: {  	_ =	shalt  }
.Lfunc_end0:
.L_simem_size_0:
called_computation_lowered:
.L_overlay_start_0:
0x88: {  	s2 =	sld [smem:$0x3FD9]  }
0x89: {  	s3 =	sld [smem:$0x3FFE];
	_ =	sdelay $0x1  }
0x8a: {  	s1 =	srdreg.scid  }
0x8b: {  	s0 =	sand.u32 $0x1, s1  }
0x8c: {  	s17 =	sshll.u32 s0, $0xA;
	s2 =	sadd.s32 s3, s2  }
0x8d: {  	s2 =	sadd.s32 s2, s17  }
0x8e: {  	[smem:$0x3FC4] =	sst s2  }
0x8f: {  	_ = 	snop  }
0x90: {  	s2 =	sld [smem:$0x3FC8]  }
0x91: {  	s18 =	sld [smem:$0x3FC7]  }
0x92: {  	s4 =	sld [smem:$0x3FC6]  }
0x93: {  	s5 =	sld [smem:$0x3FD0];
	(tm) =	ssettm $0x1  }
0x94: {  	s6 =	sld [smem:$0x3FFB];
	_ =	sdelay $0x3  }
0x95: {  	_ =	strace s6  }
0x96: {  	s6 =	sld [smem:$0x3FFC];
	_ =	sdelay $0x3  }
0x97: {  	_ =	strace s6  }
0x98: {  	s6 =	sld [smem:$0x3FFD];
	_ =	sdelay $0x3  }
0x99: {  	_ =	strace s6  }
0x9a: {  	_ =	strace $0x8FFFFFFF  }
0x9b: {  	s19 =	sld [smem:$0x3FDB];
	_ =	sdelay $0x1  }
0x9c: {  	s7 =	simm.s32 $_scs_section_size  }
0x9d: {  	s8 =	simm.s32 $_size__tile_overlayer_lowered;
	s9 =	simm.s32 $_tile_overlayer_lowered  }
0x9e: {  	s22 =	simm.s32 $0x1BFF;
	s21 =	sshll.u32 s9, $0x1;
	s6 =	sadd.s32 s7, s19  }
0x9f: {  	s10 =	simm.s32 $0x0;
	s20 =	sshll.u32 s8, $0x1;
	s8 =	sadd.s32 s21, s6  }
0xa0: {  	[timem:s10], [sflag:s22] =	dma.local [hbm:s8], s20  }
0xa1: {  	_ =	swait.ge [sflag:s22], s20  }
0xa2: {  	s7 =	ssub.s32 $0x0, s20;
	[sflag:s22] =	ssyncset.done $0x0  }
0xa3: {  	[sflag:s22] =	ssyncadd.s32 s7;
	_ =	sdelay $0x1  }
0xa4: {  	s23 =	simm.s32 $0x1B8B  }
0xa5: {  	_ =	swait.ge [sflag:s23], $0x1  }
0xa6: {  	[sflag:s23] =	ssyncset.done $0x0  }
0xa7: {  	s25 =	simm.s32 $0x1B8E;
	s24 =	sld [smem:$0x3FFE];
	[sflag:s23] =	ssyncadd.s32 $0xFFFFFFFF  }
0xa8: {  	s26 =	simm.s32 $execute0_lowered;
	[smem:$0x3FD2] =	sst s25  }
0xa9: {  	s8 =	sshll.u32 s26, $0x1;
	_ =	strace $0x80000046;
	[dreg:$0x1] =	wrdreg $0xFFFFFFFF  }
0xaa: {  	s28 =	simm.s32 $_size_execute0_lowered;
	s6 =	sadd.s32 s6, s8;
	[dreg:$0x0] =	wrdreg $0x0  }
0xab: {  	s8 =	sshll.u32 s28, $0x1;
	[dreg:$0x2] =	wrdreg s6  }
0xac: {  	[dreg:$0x3] =	wrdreg s8  }
0xad: {  	[dreg:$0x4] =	wrdreg $0xC0  }
0xae: {  	_ =	task [dreg:s10], $0x5FFFF  }
0xaf: {  	[dreg:$0x1] =	wrdreg $0xFFFFFFFF  }
0xb0: {  	[dreg:$0x0] =	wrdreg $0x60  }
0xb1: {  	[dreg:$0x2] =	wrdreg s24  }
0xb2: {  	[dreg:$0x3] =	wrdreg s2  }
0xb3: {  	[dreg:$0x4] =	wrdreg s18  }
0xb4: {  	[dreg:$0x5] =	wrdreg s4  }
0xb5: {  	[dreg:$0x6] =	wrdreg s5  }
0xb6: {  	[dreg:$0x7] =	wrdreg $0x9  }
0xb7: {  	_ =	task.clear_ibuf [dreg:s10], $0x8FFFF;
	_ =	strace $0x90000046  }
0xb8: {  	s29 =	simm.s32 $0x9;
	_ =	strace $0x80000048  }
0xb9: {  	_ =	swait.ge [sflag:s29], $0x1  }
0xba: {  	[sflag:s29] =	ssyncadd.s32 $0xFFFFFFFF  }
0xbb: {  	_ =	strace $0x90000048  }
0xbc: {  	_ =	sfence  }
0xbd: {  	s30 =	sld [smem:$0x0];
	_ =	sdelay $0x2  }
0xbe: {  	s31 =	sshll.u32 s1, $0xD;
	s1 =	sshrl.u32 s1, $0x2  }
0xbf: {  	s3 =	sand.u32 $0x4000, s31;
	s1 =	sadd.s32 s1, s30  }
0xc0: {  	s0 =	sor.u32 s3, s0;
	s1 =	sshll.u32 s1, $0x11  }
0xc1: {  	s0 =	sor.u32 s1, s0  }
0xc2: {  	s0 =	sadd.s32 $0x8F2B, s0  }
0xc3: {  	[sflag:s0] =	ssyncadd.remote.s32 $0x1  }
0xc4: {  	_ =	sfence.sel $0xFFFF  }
0xc5: {  	[dreg:$0x0] =	wrdreg $0xFFFFFFFF;
	(pc) =	sbr.abs _section_cstart, $3  }
0xc6: {  	[dreg:$0x1] =	wrdreg $0xFFFFFFFF  }
0xc7: {  	_ =	task.clear_ibuf [dreg:s10], $0x2FFFF;
	_ =	strace $0x9FFFFFFF  }
0xc8: {  	(tm) =	ssettm $0x7FFFFFFF  }
0xc9: {  	_ =	shalt  }
tec
execute0_lowered:
.L_overlay_start_1:
0x0: {  	(tag) =	ssettag $0x1  }
0x1: {  	s0 =	rddreg [dreg:$0x0]  }
0x2: {  	s1 =	rddreg [dreg:$0x1]  }
0x3: {  	s2 =	rddreg [dreg:$0x2]  }
0x4: {  	s3 =	rddreg [dreg:$0x3]  }
0x5: {  	s5 =	rddreg [dreg:$0x4];
	s6 =	simm.s32 $0x0;
	s4 =	srdreg.scid  }
0x6: {  	s11 =	stileid.u32;
	s28 =	simm.s32 $0x4400;
	s29 =	simm.s32 $0x8400  }
0x7: {  	s30 =	simm.s32 $0x6;
	s31 =	simm.s32 $0xC400;
	[smem:$0x7FF] =	sst s6  }
0x8: {  	s4 =	sand.u32 $0x1, s4;
	s7 =	sshll.u32 s11, $0x1;
	s11 =	smul.u32 $0xC800, s11  }
0x9: {  	s7 =	sor.u32 s4, s7;
	s10 =	ssub.s32 $0x2, s4;
	s4 =	smul.u32 $0x6400, s4  }
0xa: {  	s8 =	sadd.s32 $0x32600, s0;
	s9 =	sadd.s32 $0x19600, s0;
	s7 =	smul.u32 $0x6400, s7  }
0xb: {  	s0 =	sadd.s32 $0x600, s0;
	_ =	strace $0x80000047;
	s12 =	sshrl.u32 s10, $0x1  }
0xc: {  	s10 =	ssub.s32 s10, s12;
	s4 =	sadd.s32 s4, s11;
	s7 =	sshrl.u32 s7, $0x3  }
0xd: {  	s16 =	sor.u32 $0x180, s4;
	s19 =	sor.u32 $0x80, s4;
	s24 =	sadd.s32 s8, s7  }
0xe: {  	s22 =	sor.u32 $0x100, s4;
	s25 =	sadd.s32 s9, s7;
	[dreg:$0xe] =	wrdreg s24  }
0xf: {  	s26 =	sadd.s32 s0, s7;
	s13 =	sor.u32 $0x10, s7;
	[dreg:$0xf] =	wrdreg s25  }
0x10: {  	s4 =	sshrl.u32 s4, $0x3;
	[dreg:$0x10] =	wrdreg s26;
	s14 =	sadd.s32 s8, s13  }
0x11: {  	s7 =	smul.u32 $0x180, s7;
	s15 =	sadd.s32 s9, s13;
	[dreg:$0x11] =	wrdreg s14  }
0x12: {  	s11 =	sshrl.u32 s16, $0x3;
	s12 =	sadd.s32 s0, s13;
	[dreg:$0x12] =	wrdreg s15  }
0x13: {  	s4 =	smul.u32 $0x180, s4;
	s18 =	sadd.s32 s11, s9;
	[dreg:$0x13] =	wrdreg s12  }
0x14: {  	s17 =	sadd.s32 $0x80, s5;
	s13 =	sadd.s32 $0x100, s5;
	[dreg:$0x7] =	wrdreg s18  }
0x15: {  	s14 =	sadd.s32 s11, s0;
	s15 =	sadd.s32 $0x129000, s7;
	[dreg:$0xd] =	wrdreg s4  }
0x16: {  	s11 =	sadd.s32 s11, s8;
	s7 =	sadd.s32 $0x12A800, s7;
	[dreg:$0x6] =	wrdreg s14  }
0x17: {  	s4 =	simm.s32 $0x14400;
	s16 =	sadd.s32 s5, s15;
	[dreg:$0x8] =	wrdreg s11  }
0x18: {  	s12 =	simm.s32 $0x0;
	s20 =	sadd.s32 s15, s17;
	[dreg:$0x14] =	wrdreg s16  }
0x19: {  	s14 =	sshrl.u32 s19, $0x3;
	s15 =	sadd.s32 s15, s13;
	[dreg:$0x15] =	wrdreg s20  }
0x1a: {  	s23 =	sadd.s32 s5, s7;
	s26 =	sadd.s32 s7, s17;
	[dreg:$0x16] =	wrdreg s15  }
0x1b: {  	s7 =	sadd.s32 s7, s13;
	s19 =	smax.u32 s10, $0x1;
	[dreg:$0x17] =	wrdreg s23  }
0x1c: {  	s10 =	simm.s32 $0x2;
	s11 =	simm.s32 $0x4;
	[dreg:$0x18] =	wrdreg s26  }
0x1d: {  	s21 =	smul.u32 $0x180, s14;
	s14 =	sshrl.u32 s22, $0x3;
	[dreg:$0x19] =	wrdreg s7  }
0x1e: {  	s20 =	simm.s32 $0x80;
	s22 =	simm.s32 $0x200;
	s23 =	simm.s32 $0x280  }
0x1f: {  	s26 =	simm.s32 $0x400;
	s0 =	sadd.s32 s14, s0;
	[dreg:$0x9] =	wrdreg s21  }
0x20: {  	s7 =	simm.s32 $0x1;
	s24 =	sadd.s32 s14, s9;
	[dreg:$0xa] =	wrdreg s0  }
0x21: {  	s25 =	sadd.s32 s14, s8;
	s8 =	simm.s32 $0xC00;
	[dreg:$0xb] =	wrdreg s24  }
0x22: {  	s9 =	simm.s32 $0x3;
	[dreg:$0xc] =	wrdreg s25;
	s21 =	simm.s32 $0x100  }
0x23: {  	s24 =	simm.s32 $0x300;
	s25 =	simm.s32 $0x5;
	s0 =	simm.s32 $0x10400  }
.LBB2_1:
0x24: {  	s13 =	rddreg [dreg:$0xe]  }
0x25: {  	[tilespmem:s6], [sflag:$0x5] =	stream.linear.gather [hbm4b:s13+s6], $0x80, $0x38;
	[tilespmem:$0x18400] =	vst v63  }
0x26: {  	s16 =	rddreg [dreg:$0xf]  }
0x27: {  	[tilespmem:s20], [sflag:$0x5] =	stream.linear.gather [hbm4b:s16+s6], $0x80, $0x38;
	[tilespmem:$0x18400] =	vst v63  }
0x28: {  	s17 =	rddreg [dreg:$0x10]  }
0x29: {  	[tilespmem:s21], [sflag:$0x5] =	stream.linear.gather [hbm4b:s17+s6], $0x80, $0x38;
	[tilespmem:$0x18400] =	vst v63  }
0x2a: {  	s18 =	rddreg [dreg:$0x11]  }
0x2b: {  	[tilespmem:s22], [sflag:$0x6] =	stream.linear.gather [hbm4b:s18+s6], $0x80, $0x38;
	[tilespmem:$0x18400] =	vst v63  }
0x2c: {  	s14 =	rddreg [dreg:$0x12]  }
0x2d: {  	[tilespmem:s23], [sflag:$0x6] =	stream.linear.gather [hbm4b:s14+s6], $0x80, $0x38;
	[tilespmem:$0x18400] =	vst v63  }
0x2e: {  	s15 =	rddreg [dreg:$0x13]  }
0x2f: {  	[tilespmem:s24], [sflag:$0x6] =	stream.linear.gather [hbm4b:s15+s6], $0x80, $0x38;
	[tilespmem:$0x18400] =	vst v63  }
0x30: {  	_ =	swait.ge [sflag:s25], $0x80  }
0x31: {  	[sflag:s25] =	ssyncset.done $0x0  }
0x32: {  	[sflag:s25] =	ssyncadd.s32 $0xFFFFFF80  }
0x33: {  	_ =	swait.ge [sflag:s25], $0x80  }
0x34: {  	[sflag:s25] =	ssyncset.done $0x0  }
0x35: {  	[sflag:s25] =	ssyncadd.s32 $0xFFFFFF80  }
0x36: {  	_ =	swait.ge [sflag:s25], $0x80  }
0x37: {  	[sflag:s25] =	ssyncset.done $0x0  }
0x38: {  	[sflag:s25] =	ssyncadd.s32 $0xFFFFFF80  }
0x39: {  	[tilespmem:s26], [sflag:$0x1] =	stream.indirect.gather [hbm4b:s1+s20], $0x80, s6, s20, $0xb8;
	[tilespmem:$0x18400] =	vst v63  }
0x3a: {  	_ = 	snop  }
0x3b: {  	[tilespmem:s28], [sflag:$0x1] =	stream.indirect.gather [hbm4b:s2+s20], $0x80, s20, s20, $0xb8;
	[tilespmem:$0x18400] =	vst v63  }
0x3c: {  	_ = 	snop  }
0x3d: {  	[tilespmem:s29], [sflag:$0x1] =	stream.indirect.gather [hbm4b:s3+s20], $0x80, s21, s20, $0xb8;
	[tilespmem:$0x18400] =	vst v63  }
0x3e: {  	_ =	swait.ge [sflag:s30], $0x80  }
0x3f: {  	[sflag:s30] =	ssyncset.done $0x0  }
0x40: {  	[sflag:s30] =	ssyncadd.s32 $0xFFFFFF80  }
0x41: {  	_ =	swait.ge [sflag:s30], $0x80  }
0x42: {  	[sflag:s30] =	ssyncset.done $0x0  }
0x43: {  	[sflag:s30] =	ssyncadd.s32 $0xFFFFFF80  }
0x44: {  	_ =	swait.ge [sflag:s30], $0x80  }
0x45: {  	[sflag:s30] =	ssyncset.done $0x0  }
0x46: {  	[sflag:s30] =	ssyncadd.s32 $0xFFFFFF80  }
0x47: {  	[tilespmem:s31], [sflag:$0x2] =	stream.indirect.gather [hbm4b:s1+s20], $0x80, s22, s20, $0xb8;
	[tilespmem:$0x18400] =	vst v63  }
0x48: {  	_ = 	snop  }
0x49: {  	[tilespmem:s0], [sflag:$0x2] =	stream.indirect.gather [hbm4b:s2+s20], $0x80, s23, s20, $0xb8;
	[tilespmem:$0x18400] =	vst v63  }
0x4a: {  	_ = 	snop  }
0x4b: {  	[tilespmem:s4], [sflag:$0x2] =	stream.indirect.gather [hbm4b:s3+s20], $0x80, s24, s20, $0xb8;
	[tilespmem:$0x18400] =	vst v63  }
0x4c: {  	_ =	swait.ge [sflag:s7], $0x4000  }
0x4d: {  	[sflag:s7] =	ssyncset.done $0x0  }
0x4e: {  	[sflag:s7] =	ssyncadd.s32 $0xFFFFC000  }
0x4f: {  	_ =	swait.ge [sflag:s7], $0x4000  }
0x50: {  	[sflag:s7] =	ssyncset.done $0x0  }
0x51: {  	[sflag:s7] =	ssyncadd.s32 $0xFFFFC000  }
0x52: {  	_ =	swait.ge [sflag:s7], $0x4000  }
0x53: {  	s16 =	rddreg [dreg:$0xd];
	[sflag:s7] =	ssyncset.done $0x0  }
0x54: {  	[sflag:s7] =	ssyncadd.s32 $0xFFFFC000;
	s13 =	sadd.s32 s5, s16  }
0x55: {  	[hbm4b:s13+s26] =	stream.strided.scatter [tilespmem:s26], [sflag:$0x3], $0x4000, s8, s26, $0x38;
	[tilespmem:$0x18400] =	vst v63  }
0x56: {  	s14 =	sadd.s32 $0x80, s13  }
0x57: {  	[hbm4b:s14+s26] =	stream.strided.scatter [tilespmem:s28], [sflag:$0x3], $0x4000, s8, s26, $0x38;
	[tilespmem:$0x18400] =	vst v63  }
0x58: {  	s17 =	rddreg [dreg:$0xc];
	s13 =	sadd.s32 $0x100, s13  }
0x59: {  	[hbm4b:s13+s26] =	stream.strided.scatter [tilespmem:s29], [sflag:$0x3], $0x4000, s8, s26, $0x38;
	[tilespmem:$0x18400] =	vst v63  }
0x5a: {  	s18 =	rddreg [dreg:$0xb];
	s14 =	sadd.s32 $0x0, s17  }
0x5b: {  	[tilespmem:s6], [sflag:$0x5] =	stream.linear.gather [hbm4b:s14+s6], $0x80, $0x38;
	[tilespmem:$0x18400] =	vst v63  }
0x5c: {  	s15 =	rddreg [dreg:$0xa];
	s13 =	sadd.s32 $0x0, s18  }
0x5d: {  	[tilespmem:s20], [sflag:$0x5] =	stream.linear.gather [hbm4b:s13+s6], $0x80, $0x38;
	[tilespmem:$0x18400] =	vst v63  }
0x5e: {  	s16 =	sadd.s32 $0x0, s15  }
0x5f: {  	[tilespmem:s21], [sflag:$0x5] =	stream.linear.gather [hbm4b:s16+s6], $0x80, $0x38;
	[tilespmem:$0x18400] =	vst v63  }
0x60: {  	_ =	swait.ge [sflag:s9], $0x4000  }
0x61: {  	[sflag:s9] =	ssyncset.done $0x0  }
0x62: {  	[sflag:s9] =	ssyncadd.s32 $0xFFFFC000  }
0x63: {  	_ =	swait.ge [sflag:s9], $0x4000  }
0x64: {  	[sflag:s9] =	ssyncset.done $0x0  }
0x65: {  	[sflag:s9] =	ssyncadd.s32 $0xFFFFC000  }
0x66: {  	_ =	swait.ge [sflag:s9], $0x4000  }
0x67: {  	[sflag:s9] =	ssyncset.done $0x0  }
0x68: {  	[sflag:s9] =	ssyncadd.s32 $0xFFFFC000  }
0x69: {  	_ =	swait.ge [sflag:s25], $0x80  }
0x6a: {  	[sflag:s25] =	ssyncset.done $0x0  }
0x6b: {  	[sflag:s25] =	ssyncadd.s32 $0xFFFFFF80  }
0x6c: {  	_ =	swait.ge [sflag:s25], $0x80  }
0x6d: {  	[sflag:s25] =	ssyncset.done $0x0  }
0x6e: {  	[sflag:s25] =	ssyncadd.s32 $0xFFFFFF80  }
0x6f: {  	_ =	swait.ge [sflag:s25], $0x80  }
0x70: {  	[sflag:s25] =	ssyncset.done $0x0  }
0x71: {  	[sflag:s25] =	ssyncadd.s32 $0xFFFFFF80  }
0x72: {  	[tilespmem:s26], [sflag:$0x1] =	stream.indirect.gather [hbm4b:s1+s20], $0x80, s6, s20, $0xb8;
	[tilespmem:$0x18400] =	vst v63  }
0x73: {  	_ = 	snop  }
0x74: {  	[tilespmem:s28], [sflag:$0x1] =	stream.indirect.gather [hbm4b:s2+s20], $0x80, s20, s20, $0xb8;
	[tilespmem:$0x18400] =	vst v63  }
0x75: {  	_ = 	snop  }
0x76: {  	[tilespmem:s29], [sflag:$0x1] =	stream.indirect.gather [hbm4b:s3+s20], $0x80, s21, s20, $0xb8;
	[tilespmem:$0x18400] =	vst v63  }
0x77: {  	_ =	swait.ge [sflag:s10], $0x4000  }
0x78: {  	[sflag:s10] =	ssyncset.done $0x0  }
0x79: {  	[sflag:s10] =	ssyncadd.s32 $0xFFFFC000  }
0x7a: {  	_ =	swait.ge [sflag:s10], $0x4000  }
0x7b: {  	[sflag:s10] =	ssyncset.done $0x0  }
0x7c: {  	[sflag:s10] =	ssyncadd.s32 $0xFFFFC000  }
0x7d: {  	_ =	swait.ge [sflag:s10], $0x4000  }
0x7e: {  	s17 =	rddreg [dreg:$0x9];
	[sflag:s10] =	ssyncset.done $0x0  }
0x7f: {  	[sflag:s10] =	ssyncadd.s32 $0xFFFFC000;
	s13 =	sadd.s32 s5, s17  }
0x80: {  	[hbm4b:s13+s26] =	stream.strided.scatter [tilespmem:s31], [sflag:$0x4], $0x4000, s8, s26, $0x38;
	[tilespmem:$0x18400] =	vst v63  }
0x81: {  	s18 =	sadd.s32 $0x80, s13  }
0x82: {  	[hbm4b:s18+s26] =	stream.strided.scatter [tilespmem:s0], [sflag:$0x4], $0x4000, s8, s26, $0x38;
	[tilespmem:$0x18400] =	vst v63  }
0x83: {  	s15 =	rddreg [dreg:$0x8];
	s13 =	sadd.s32 $0x100, s13  }
0x84: {  	[hbm4b:s13+s26] =	stream.strided.scatter [tilespmem:s4], [sflag:$0x4], $0x4000, s8, s26, $0x38;
	[tilespmem:$0x18400] =	vst v63  }
0x85: {  	s16 =	rddreg [dreg:$0x7];
	s14 =	sadd.s32 $0x0, s15  }
0x86: {  	[tilespmem:s22], [sflag:$0x6] =	stream.linear.gather [hbm4b:s14+s6], $0x80, $0x38;
	[tilespmem:$0x18400] =	vst v63  }
0x87: {  	s17 =	rddreg [dreg:$0x6];
	s13 =	sadd.s32 $0x0, s16  }
0x88: {  	[tilespmem:s23], [sflag:$0x6] =	stream.linear.gather [hbm4b:s13+s6], $0x80, $0x38;
	[tilespmem:$0x18400] =	vst v63  }
0x89: {  	s18 =	sadd.s32 $0x0, s17  }
0x8a: {  	[tilespmem:s24], [sflag:$0x6] =	stream.linear.gather [hbm4b:s18+s6], $0x80, $0x38;
	[tilespmem:$0x18400] =	vst v63  }
0x8b: {  	_ =	swait.ge [sflag:s11], $0x4000  }
0x8c: {  	[sflag:s11] =	ssyncset.done $0x0  }
0x8d: {  	[sflag:s11] =	ssyncadd.s32 $0xFFFFC000  }
0x8e: {  	_ =	swait.ge [sflag:s11], $0x4000  }
0x8f: {  	[sflag:s11] =	ssyncset.done $0x0  }
0x90: {  	[sflag:s11] =	ssyncadd.s32 $0xFFFFC000  }
0x91: {  	_ =	swait.ge [sflag:s11], $0x4000  }
0x92: {  	[sflag:s11] =	ssyncset.done $0x0  }
0x93: {  	[sflag:s11] =	ssyncadd.s32 $0xFFFFC000  }
0x94: {  	_ =	swait.ge [sflag:s30], $0x80  }
0x95: {  	[sflag:s30] =	ssyncset.done $0x0  }
0x96: {  	[sflag:s30] =	ssyncadd.s32 $0xFFFFFF80  }
0x97: {  	_ =	swait.ge [sflag:s30], $0x80  }
0x98: {  	[sflag:s30] =	ssyncset.done $0x0  }
0x99: {  	[sflag:s30] =	ssyncadd.s32 $0xFFFFFF80  }
0x9a: {  	_ =	swait.ge [sflag:s30], $0x80  }
0x9b: {  	[sflag:s30] =	ssyncset.done $0x0  }
0x9c: {  	[sflag:s30] =	ssyncadd.s32 $0xFFFFFF80  }
0x9d: {  	[tilespmem:s31], [sflag:$0x2] =	stream.indirect.gather [hbm4b:s1+s20], $0x80, s22, s20, $0xb8;
	[tilespmem:$0x18400] =	vst v63  }
0x9e: {  	s14 =	sadd.s32 $0x3000, s5;
	s13 =	simm.s32 $0x20  }
0x9f: {  	[tilespmem:s0], [sflag:$0x2] =	stream.indirect.gather [hbm4b:s2+s20], $0x80, s23, s20, $0xb8;
	[tilespmem:$0x18400] =	vst v63  }
.LBB2_2:
0xa0: {  	[tilespmem:s4], [sflag:$0x2] =	stream.indirect.gather [hbm4b:s3+s20], $0x80, s24, s20, $0xb8;
	[tilespmem:$0x18400] =	vst v63  }
0xa1: {  	_ =	swait.ge [sflag:s7], $0x4000  }
0xa2: {  	[sflag:s7] =	ssyncset.done $0x0  }
0xa3: {  	[sflag:s7] =	ssyncadd.s32 $0xFFFFC000  }
0xa4: {  	_ =	swait.ge [sflag:s7], $0x4000  }
0xa5: {  	[sflag:s7] =	ssyncset.done $0x0  }
0xa6: {  	[sflag:s7] =	ssyncadd.s32 $0xFFFFC000  }
0xa7: {  	_ =	swait.ge [sflag:s7], $0x4000  }
0xa8: {  	s16 =	rddreg [dreg:$0xd];
	[sflag:s7] =	ssyncset.done $0x0  }
0xa9: {  	[sflag:s7] =	ssyncadd.s32 $0xFFFFC000;
	s16 =	sadd.s32 s14, s16  }
0xaa: {  	[hbm4b:s16+s26] =	stream.strided.scatter [tilespmem:s26], [sflag:$0x3], $0x4000, s8, s26, $0x38;
	[tilespmem:$0x18400] =	vst v63  }
0xab: {  	s17 =	sadd.s32 $0x80, s16  }
0xac: {  	[hbm4b:s17+s26] =	stream.strided.scatter [tilespmem:s28], [sflag:$0x3], $0x4000, s8, s26, $0x38;
	[tilespmem:$0x18400] =	vst v63  }
0xad: {  	s15 =	smov.u32 s13;
	s18 =	rddreg [dreg:$0xc];
	s16 =	sadd.s32 $0x100, s16  }
0xae: {  	[hbm4b:s16+s26] =	stream.strided.scatter [tilespmem:s29], [sflag:$0x3], $0x4000, s8, s26, $0x38;
	[tilespmem:$0x18400] =	vst v63  }
0xaf: {  	s17 =	rddreg [dreg:$0xb];
	s16 =	sadd.s32 s15, s18  }
0xb0: {  	[tilespmem:s6], [sflag:$0x5] =	stream.linear.gather [hbm4b:s16+s6], $0x80, $0x38;
	[tilespmem:$0x18400] =	vst v63  }
0xb1: {  	s17 =	sadd.s32 s15, s17;
	s18 =	rddreg [dreg:$0xa]  }
0xb2: {  	[tilespmem:s20], [sflag:$0x5] =	stream.linear.gather [hbm4b:s17+s6], $0x80, $0x38;
	[tilespmem:$0x18400] =	vst v63  }
0xb3: {  	s17 =	sadd.s32 s15, s18  }
0xb4: {  	[tilespmem:s21], [sflag:$0x5] =	stream.linear.gather [hbm4b:s17+s6], $0x80, $0x38;
	[tilespmem:$0x18400] =	vst v63  }
0xb5: {  	_ =	swait.ge [sflag:s9], $0x4000  }
0xb6: {  	[sflag:s9] =	ssyncset.done $0x0  }
0xb7: {  	[sflag:s9] =	ssyncadd.s32 $0xFFFFC000  }
0xb8: {  	_ =	swait.ge [sflag:s9], $0x4000  }
0xb9: {  	[sflag:s9] =	ssyncset.done $0x0  }
0xba: {  	[sflag:s9] =	ssyncadd.s32 $0xFFFFC000  }
0xbb: {  	_ =	swait.ge [sflag:s9], $0x4000  }
0xbc: {  	[sflag:s9] =	ssyncset.done $0x0  }
0xbd: {  	[sflag:s9] =	ssyncadd.s32 $0xFFFFC000  }
0xbe: {  	_ =	swait.ge [sflag:s25], $0x80  }
0xbf: {  	[sflag:s25] =	ssyncset.done $0x0  }
0xc0: {  	[sflag:s25] =	ssyncadd.s32 $0xFFFFFF80  }
0xc1: {  	_ =	swait.ge [sflag:s25], $0x80  }
0xc2: {  	[sflag:s25] =	ssyncset.done $0x0  }
0xc3: {  	[sflag:s25] =	ssyncadd.s32 $0xFFFFFF80  }
0xc4: {  	_ =	swait.ge [sflag:s25], $0x80  }
0xc5: {  	[sflag:s25] =	ssyncset.done $0x0  }
0xc6: {  	[sflag:s25] =	ssyncadd.s32 $0xFFFFFF80  }
0xc7: {  	[tilespmem:s26], [sflag:$0x1] =	stream.indirect.gather [hbm4b:s1+s20], $0x80, s6, s20, $0xb8;
	[tilespmem:$0x18400] =	vst v63  }
0xc8: {  	_ = 	snop  }
0xc9: {  	[tilespmem:s28], [sflag:$0x1] =	stream.indirect.gather [hbm4b:s2+s20], $0x80, s20, s20, $0xb8;
	[tilespmem:$0x18400] =	vst v63  }
0xca: {  	_ = 	snop  }
0xcb: {  	[tilespmem:s29], [sflag:$0x1] =	stream.indirect.gather [hbm4b:s3+s20], $0x80, s21, s20, $0xb8;
	[tilespmem:$0x18400] =	vst v63  }
0xcc: {  	_ =	swait.ge [sflag:s10], $0x4000  }
0xcd: {  	[sflag:s10] =	ssyncset.done $0x0  }
0xce: {  	[sflag:s10] =	ssyncadd.s32 $0xFFFFC000  }
0xcf: {  	_ =	swait.ge [sflag:s10], $0x4000  }
0xd0: {  	[sflag:s10] =	ssyncset.done $0x0  }
0xd1: {  	[sflag:s10] =	ssyncadd.s32 $0xFFFFC000  }
0xd2: {  	_ =	swait.ge [sflag:s10], $0x4000  }
0xd3: {  	s18 =	rddreg [dreg:$0x9];
	[sflag:s10] =	ssyncset.done $0x0  }
0xd4: {  	[sflag:s10] =	ssyncadd.s32 $0xFFFFC000;
	s16 =	sadd.s32 s14, s18  }
0xd5: {  	[hbm4b:s16+s26] =	stream.strided.scatter [tilespmem:s31], [sflag:$0x4], $0x4000, s8, s26, $0x38;
	[tilespmem:$0x18400] =	vst v63  }
0xd6: {  	s17 =	sadd.s32 $0x80, s16  }
0xd7: {  	[hbm4b:s17+s26] =	stream.strided.scatter [tilespmem:s0], [sflag:$0x4], $0x4000, s8, s26, $0x38;
	[tilespmem:$0x18400] =	vst v63  }
0xd8: {  	s18 =	rddreg [dreg:$0x8];
	s16 =	sadd.s32 $0x100, s16  }
0xd9: {  	[hbm4b:s16+s26] =	stream.strided.scatter [tilespmem:s4], [sflag:$0x4], $0x4000, s8, s26, $0x38;
	[tilespmem:$0x18400] =	vst v63  }
0xda: {  	s17 =	rddreg [dreg:$0x7];
	s16 =	sadd.s32 s15, s18  }
0xdb: {  	[tilespmem:s22], [sflag:$0x6] =	stream.linear.gather [hbm4b:s16+s6], $0x80, $0x38;
	[tilespmem:$0x18400] =	vst v63  }
0xdc: {  	s17 =	sadd.s32 s15, s17;
	s18 =	rddreg [dreg:$0x6]  }
0xdd: {  	[tilespmem:s23], [sflag:$0x6] =	stream.linear.gather [hbm4b:s17+s6], $0x80, $0x38;
	[tilespmem:$0x18400] =	vst v63  }
0xde: {  	s15 =	sadd.s32 s15, s18  }
0xdf: {  	[tilespmem:s24], [sflag:$0x6] =	stream.linear.gather [hbm4b:s15+s6], $0x80, $0x38;
	[tilespmem:$0x18400] =	vst v63  }
0xe0: {  	_ =	swait.ge [sflag:s11], $0x4000  }
0xe1: {  	[sflag:s11] =	ssyncset.done $0x0  }
0xe2: {  	[sflag:s11] =	ssyncadd.s32 $0xFFFFC000  }
0xe3: {  	_ =	swait.ge [sflag:s11], $0x4000  }
0xe4: {  	[sflag:s11] =	ssyncset.done $0x0  }
0xe5: {  	[sflag:s11] =	ssyncadd.s32 $0xFFFFC000  }
0xe6: {  	_ =	swait.ge [sflag:s11], $0x4000  }
0xe7: {  	[sflag:s11] =	ssyncset.done $0x0  }
0xe8: {  	[sflag:s11] =	ssyncadd.s32 $0xFFFFC000  }
0xe9: {  	_ =	swait.ge [sflag:s30], $0x80  }
0xea: {  	[sflag:s30] =	ssyncset.done $0x0  }
0xeb: {  	[sflag:s30] =	ssyncadd.s32 $0xFFFFFF80  }
0xec: {  	_ =	swait.ge [sflag:s30], $0x80  }
0xed: {  	[sflag:s30] =	ssyncset.done $0x0  }
0xee: {  	[sflag:s30] =	ssyncadd.s32 $0xFFFFFF80  }
0xef: {  	p0 =	sne.s32 s13, $0xC40;
	_ =	swait.ge [sflag:s30], $0x80  }
.Ltmp0:
0xf0: {  	[sflag:s30] =	ssyncset.done $0x0;
	(pc) =	sbr.rel @p0 .LBB2_2-.Ltmp0, $4  }
0xf1: {  	[sflag:s30] =	ssyncadd.s32 $0xFFFFFF80  }
0xf2: {  	[tilespmem:s31], [sflag:$0x2] =	stream.indirect.gather [hbm4b:s1+s20], $0x80, s22, s20, $0xb8;
	[tilespmem:$0x18400] =	vst v63  }
0xf3: {  	s13 =	sadd.s32 $0x20, s13;
	s14 =	sadd.s32 $0x3000, s14  }
0xf4: {  	[tilespmem:s0], [sflag:$0x2] =	stream.indirect.gather [hbm4b:s2+s20], $0x80, s23, s20, $0xb8;
	[tilespmem:$0x18400] =	vst v63  }
0xf5: {  	[tilespmem:s4], [sflag:$0x2] =	stream.indirect.gather [hbm4b:s3+s20], $0x80, s24, s20, $0xb8;
	[tilespmem:$0x18400] =	vst v63  }
0xf6: {  	_ =	swait.ge [sflag:s7], $0x4000  }
0xf7: {  	[sflag:s7] =	ssyncset.done $0x0  }
0xf8: {  	[sflag:s7] =	ssyncadd.s32 $0xFFFFC000  }
0xf9: {  	_ =	swait.ge [sflag:s7], $0x4000  }
0xfa: {  	[sflag:s7] =	ssyncset.done $0x0  }
0xfb: {  	[sflag:s7] =	ssyncadd.s32 $0xFFFFC000  }
0xfc: {  	_ =	swait.ge [sflag:s7], $0x4000  }
0xfd: {  	[sflag:s7] =	ssyncset.done $0x0  }
0xfe: {  	s13 =	rddreg [dreg:$0x14];
	[sflag:s7] =	ssyncadd.s32 $0xFFFFC000  }
0xff: {  	[hbm4b:s13+s26] =	stream.strided.scatter [tilespmem:s26], [sflag:$0x3], $0x4000, s8, s26, $0x38;
	[tilespmem:$0x18400] =	vst v63  }
0x100: {  	s14 =	rddreg [dreg:$0x15]  }
0x101: {  	[hbm4b:s14+s26] =	stream.strided.scatter [tilespmem:s28], [sflag:$0x3], $0x4000, s8, s26, $0x38;
	[tilespmem:$0x18400] =	vst v63  }
0x102: {  	s15 =	rddreg [dreg:$0x16]  }
0x103: {  	[hbm4b:s15+s26] =	stream.strided.scatter [tilespmem:s29], [sflag:$0x3], $0x4000, s8, s26, $0x38;
	[tilespmem:$0x18400] =	vst v63  }
0x104: {  	_ =	swait.ge [sflag:s9], $0x4000  }
0x105: {  	[sflag:s9] =	ssyncset.done $0x0  }
0x106: {  	[sflag:s9] =	ssyncadd.s32 $0xFFFFC000  }
0x107: {  	_ =	swait.ge [sflag:s9], $0x4000  }
0x108: {  	[sflag:s9] =	ssyncset.done $0x0  }
0x109: {  	[sflag:s9] =	ssyncadd.s32 $0xFFFFC000  }
0x10a: {  	_ =	swait.ge [sflag:s9], $0x4000  }
0x10b: {  	[sflag:s9] =	ssyncset.done $0x0  }
0x10c: {  	[sflag:s9] =	ssyncadd.s32 $0xFFFFC000  }
0x10d: {  	_ =	swait.ge [sflag:s10], $0x4000  }
0x10e: {  	[sflag:s10] =	ssyncset.done $0x0  }
0x10f: {  	[sflag:s10] =	ssyncadd.s32 $0xFFFFC000  }
0x110: {  	_ =	swait.ge [sflag:s10], $0x4000  }
0x111: {  	[sflag:s10] =	ssyncset.done $0x0  }
0x112: {  	[sflag:s10] =	ssyncadd.s32 $0xFFFFC000  }
0x113: {  	_ =	swait.ge [sflag:s10], $0x4000  }
0x114: {  	[sflag:s10] =	ssyncset.done $0x0  }
0x115: {  	s16 =	rddreg [dreg:$0x17];
	[sflag:s10] =	ssyncadd.s32 $0xFFFFC000  }
0x116: {  	[hbm4b:s16+s26] =	stream.strided.scatter [tilespmem:s31], [sflag:$0x4], $0x4000, s8, s26, $0x38;
	[tilespmem:$0x18400] =	vst v63  }
0x117: {  	s17 =	rddreg [dreg:$0x18]  }
0x118: {  	[hbm4b:s17+s26] =	stream.strided.scatter [tilespmem:s0], [sflag:$0x4], $0x4000, s8, s26, $0x38;
	[tilespmem:$0x18400] =	vst v63  }
0x119: {  	s18 =	rddreg [dreg:$0x19]  }
0x11a: {  	[hbm4b:s18+s26] =	stream.strided.scatter [tilespmem:s4], [sflag:$0x4], $0x4000, s8, s26, $0x38;
	[tilespmem:$0x18400] =	vst v63  }
0x11b: {  	_ =	swait.ge [sflag:s11], $0x4000  }
0x11c: {  	[sflag:s11] =	ssyncset.done $0x0  }
0x11d: {  	s12 =	sadd.s32 $0x1, s12;
	[sflag:s11] =	ssyncadd.s32 $0xFFFFC000  }
0x11e: {  	p0 =	sne.s32 s12, s19;
	_ =	swait.ge [sflag:s11], $0x4000  }
.Ltmp1:
0x11f: {  	[sflag:s11] =	ssyncset.done $0x0;
	(pc) =	sbr.rel @p0 .LBB2_1-.Ltmp1, $4  }
0x120: {  	[sflag:s11] =	ssyncadd.s32 $0xFFFFC000  }
0x121: {  	_ =	swait.ge [sflag:s11], $0x4000  }
0x122: {  	[sflag:s11] =	ssyncset.done $0x0  }
0x123: {  	[sflag:s11] =	ssyncadd.s32 $0xFFFFC000  }
0x124: {  	_ =	sfence.sel $0x180000  }
0x125: {  	[bflag:$0x0] =	sbarrier.arrive $0xFFFF  }
0x126: {  	_ =	strace $0x90000047  }
0x127: {  	s0 =	stileid.u32;
	[bflag:$0x2] =	sbarrier.arrive $0xFFFF  }
0x128: {  	p0 =	sne.s32 s0, $0x0;
	s0 =	rddreg [dreg:$0x5]  }
0x129: {  	s0 =	sadd.s32 @!p0 $0x100000, s0  }
0x12a: {  	[sflag:s0] =	ssyncadd.tile.s32 @!p0 $0x1;
	_ =	shalt  }
.Lfunc_end2:
_tile_overlayer_lowered:
.L_overlay_start_2:
0x12b: {  	(tag) =	ssettag $0x2  }
0x12c: {  	s0 =	rddreg [dreg:$0x0];
	s2 =	stileid.u32  }
0x12d: {  	s1 =	rddreg [dreg:$0x1];
	p0 =	sne.s32 s2, $0x0  }
0x12e: {  	s3 =	rddreg [dreg:$0x2];
	[bflag:$0x3] =	sbarrier.arrive $0xFFFF;
	s2 =	simm.s32 @!p0 $0x1C07  }
0x12f: {  	[timem:s3], [sflag:s2] =	dma.local @!p0 [hbm:s0], s1  }
0x130: {  	s0 =	simm.s32 @!p0 $0x7  }
0x131: {  	_ =	swait.ge @!p0 [sflag:s0], s1  }
0x132: {  	s1 =	ssub.s32 @!p0 $0x0, s1;
	[sflag:s0] =	ssyncset.done @!p0 $0x0  }
0x133: {  	[sflag:s0] =	ssyncadd.s32 @!p0 s1  }
0x134: {  	[bflag:$0x3] =	sbarrier.arrive $0xFFFF  }
0x135: {  	_ =	shalt  }

</sc_bundles>
